<compile_context>
chip_gen: v7x
topology: tpu7x:2x2x1
jax: 0.10.2.dev20260603
libtpu: 0.0.44.dev20260713+nightly
codegen_flags: <defaults>
</compile_context>

<pallas_src>
import functools

import jax
import jax.numpy as jnp
from jax import lax
from jax.experimental import pallas as pl
from jax.experimental.pallas import tpu as pltpu
from jax.experimental.pallas import tpu_sc as plsc

N = 10000
E = 320000
H = 128
NB = 16
NCL = 5
NC80 = NB * NCL
KM_ITERS = 10

NPAD = 10240
NWORK = 32
EPW = E // NWORK
CHUNK = 80
ROUNDS = EPW // CHUNK

_HIGH = jax.lax.Precision.HIGHEST


def _dot(a, b, dims):
    return jax.lax.dot_general(a, b, (dims, ((), ())), precision=_HIGH,
                               preferred_element_type=jnp.float32)



@functools.cache
def _sc_deg_kernel():
    mesh = plsc.VectorSubcoreMesh(core_axis_name="c", subcore_axis_name="s")
    return functools.partial(
        pl.kernel, mesh=mesh,
        out_type=jax.ShapeDtypeStruct((2, NPAD, H), jnp.float32),
        scratch_types=[
            pltpu.VMEM((ROUNDS, CHUNK), jnp.int32),
            pltpu.VMEM((CHUNK, H), jnp.float32),
            pltpu.VMEM_SHARED((NPAD, H), jnp.float32),
        ],
    )(_sc_deg_body)


def _sc_deg_body(dst3, ones_h, zeros_h, out, dstv, onesv, acc):
    c = lax.axis_index("c")
    s = lax.axis_index("s")
    w = c * 16 + s
    rows = NPAD // 16
    pltpu.sync_copy(dst3.at[w], dstv)
    pltpu.sync_copy(ones_h, onesv)
    pltpu.sync_copy(zeros_h.at[pl.ds(s * rows, rows)], acc.at[pl.ds(s * rows, rows)])
    plsc.subcore_barrier()

    def body(j, carry):
        pltpu.sync_copy(onesv, acc.at[dstv.at[j]], add=True)
        return carry

    lax.fori_loop(0, ROUNDS, body, 0)
    plsc.subcore_barrier()
    pltpu.sync_copy(acc.at[pl.ds(s * rows, rows)], out.at[c, pl.ds(s * rows, rows)])


@functools.cache
def _sc_agg_kernel():
    mesh = plsc.VectorSubcoreMesh(core_axis_name="c", subcore_axis_name="s")
    return functools.partial(
        pl.kernel, mesh=mesh,
        out_type=jax.ShapeDtypeStruct((2, NPAD, H), jnp.float32),
        scratch_types=[
            pltpu.VMEM((EPW,), jnp.int32),
            pltpu.VMEM((ROUNDS, CHUNK), jnp.int32),
            pltpu.VMEM((CHUNK, H), jnp.float32),
            pltpu.VMEM((CHUNK, H), jnp.float32),
            pltpu.VMEM_SHARED((NPAD, H), jnp.float32),
            pltpu.SemaphoreType.DMA,
        ],
    )(_sc_agg_body)


def _sc_agg_body(y, src4, dst3, zeros_h, out, srcv, dstv, rowsa, rowsb, acc, sem):
    c = lax.axis_index("c")
    s = lax.axis_index("s")
    w = c * 16 + s
    rows = NPAD // 16
    pltpu.sync_copy(src4.at[w], srcv)
    pltpu.sync_copy(dst3.at[w], dstv)
    pltpu.sync_copy(zeros_h.at[pl.ds(s * rows, rows)], acc.at[pl.ds(s * rows, rows)])
    plsc.subcore_barrier()

    def sidx(j):
        return srcv.at[pl.ds(j * CHUNK, CHUNK)]

    pltpu.async_copy(y.at[sidx(0)], rowsa, sem)

    def drain(j, buf):
        pltpu.make_async_copy(y.at[sidx(j)], buf, sem).wait()

    def pair(p, carry):
        j0 = 2 * p
        pltpu.async_copy(y.at[sidx(j0 + 1)], rowsb, sem)
        drain(j0, rowsa)
        pltpu.sync_copy(rowsa, acc.at[dstv.at[j0]], add=True)
        pltpu.async_copy(y.at[sidx(j0 + 2)], rowsa, sem)
        drain(j0 + 1, rowsb)
        pltpu.sync_copy(rowsb, acc.at[dstv.at[j0 + 1]], add=True)
        return carry

    lax.fori_loop(0, (ROUNDS - 1) // 2, pair, 0)
    drain(ROUNDS - 1, rowsa)
    pltpu.sync_copy(rowsa, acc.at[dstv.at[ROUNDS - 1]], add=True)
    plsc.subcore_barrier()
    pltpu.sync_copy(acc.at[pl.ds(s * rows, rows)], out.at[c, pl.ds(s * rows, rows)])


@functools.cache
def _sc_count_kernel():
    mesh = plsc.VectorSubcoreMesh(core_axis_name="c", subcore_axis_name="s")
    return functools.partial(
        pl.kernel, mesh=mesh,
        compiler_params=pltpu.CompilerParams(needs_layout_passes=False),
        out_type=jax.ShapeDtypeStruct((2, NC80 * NC80, H), jnp.float32),
        scratch_types=[
            pltpu.VMEM((N,), jnp.int32),
            pltpu.VMEM((EPW,), jnp.int32),
            pltpu.VMEM((EPW,), jnp.int32),
            pltpu.VMEM((1, CHUNK), jnp.int32),
            pltpu.VMEM((CHUNK, H), jnp.float32),
            pltpu.VMEM_SHARED((NC80 * NC80, H), jnp.float32),
        ],
    )(_sc_count_body)


def _sc_count_body(seg, src4, dst4, ones_h, zeros_h, out, segv, srcv, dstv, idxv,
                   onesv, acc):
    c = lax.axis_index("c")
    s = lax.axis_index("s")
    w = c * 16 + s
    rows = NC80 * NC80 // 16
    pltpu.sync_copy(seg, segv)
    pltpu.sync_copy(src4.at[w], srcv)
    pltpu.sync_copy(dst4.at[w], dstv)
    pltpu.sync_copy(ones_h, onesv)
    pltpu.sync_copy(zeros_h.at[pl.ds(s * rows, rows)], acc.at[pl.ds(s * rows, rows)])
    plsc.subcore_barrier()

    groups = CHUNK // 16

    def body(j, carry):
        for g in range(groups):
            base = (j * groups + g) * 16
            s16 = srcv[pl.ds(base, 16)]
            d16 = dstv[pl.ds(base, 16)]
            cs = plsc.load_gather(segv, [s16])
            cd = plsc.load_gather(segv, [d16])
            idxv.at[0][pl.ds(g * 16, 16)] = cs * NC80 + cd
        pltpu.sync_copy(onesv, acc.at[idxv.at[0]], add=True)
        return carry

    lax.fori_loop(0, ROUNDS, body, 0)
    plsc.subcore_barrier()
    pltpu.sync_copy(acc.at[pl.ds(s * rows, rows)], out.at[c, pl.ds(s * rows, rows)])



def _rs_from_deg(deg0, deg1):
    deg = deg0[:, 0:1] + deg1[:, 0:1] + 1.0
    rs = jax.lax.rsqrt(deg)
    return rs, rs * rs


def _tc_y_body(x, w0, b0, deg0, deg1, y_out, sb_out):
    rs, invd = _rs_from_deg(deg0[...], deg1[...])
    xw = _dot(x[...], w0[...], ((1,), (0,)))
    y_out[...] = xw * rs
    sb_out[...] = xw * invd + b0[...][None, :]


def _tc_hrelu_body(acca, accb, sb, deg0, deg1, h_out):
    rs, _ = _rs_from_deg(deg0[...], deg1[...])
    h_out[...] = jax.nn.relu(rs * (acca[...] + accb[...]) + sb[...])


_KB = 2000
_KGRID = N // _KB


def _tc_kmeans_body(h_ref, bat_ref, seg_out, cent_out, sums_scr, cnts_scr,
                    cent_scr):
    t = pl.program_id(0)
    b = pl.program_id(1)
    h = h_ref[...]
    bat = bat_ref[...]
    iota_g = jax.lax.broadcasted_iota(jnp.int32, (_KB, NB), 1)
    oh_g = jnp.where(bat == iota_g, 1.0, 0.0)
    iota80 = jax.lax.broadcasted_iota(jnp.int32, (_KB, NC80), 1)
    ones_col = jnp.ones((_KB, 1), jnp.float32)
    rowid = jax.lax.broadcasted_iota(jnp.int32, (_KB, 1), 0) + b * _KB
    init_lab = rowid % NCL

    cjall = _dot(oh_g, cent_scr[...], ((1,), (0,)))
    dmin = None
    lab = jnp.zeros((_KB, 1), jnp.int32)
    for j in range(NCL):
        diff = h - cjall[:, j * H:(j + 1) * H]
        dj = jnp.sum(diff * diff, axis=1, keepdims=True)
        if dmin is None:
            dmin = dj
        else:
            take = dj < dmin
            lab = jnp.where(take, j, lab)
            dmin = jnp.where(take, dj, dmin)
    label = jnp.where(t == 0, init_lab, lab)
    seg_out[...] = bat * NCL + label

    a80 = jnp.where(label * NB + bat == iota80, 1.0, 0.0)
    part = _dot(a80, h, ((0,), (0,)))
    pc = _dot(a80, ones_col, ((0,), (0,)))

    @pl.when(b == 0)
    def _():
        sums_scr[...] = part
        cnts_scr[...] = pc

    @pl.when(b > 0)
    def _():
        sums_scr[...] = sums_scr[...] + part
        cnts_scr[...] = cnts_scr[...] + pc

    @pl.when(b == _KGRID - 1)
    def _():
        cent80 = sums_scr[...] / jnp.maximum(cnts_scr[...], 1.0)
        for j in range(NCL):
            cent_scr[:, j * H:(j + 1) * H] = cent80[j * NB:(j + 1) * NB]

    @pl.when((t == KM_ITERS) & (b == _KGRID - 1))
    def _():
        cent80 = sums_scr[...] / jnp.maximum(cnts_scr[...], 1.0)
        for j in range(NCL):
            cent_out[j] = cent80[j * NB:(j + 1) * NB]


def _tc_kmeans(h2, batch2):
    st = jax.ShapeDtypeStruct
    return pl.pallas_call(
        _tc_kmeans_body,
        grid=(KM_ITERS + 1, _KGRID),
        in_specs=[pl.BlockSpec((_KB, H), lambda t, b: (b, 0)),
                  pl.BlockSpec((_KB, 1), lambda t, b: (b, 0))],
        out_specs=[pl.BlockSpec((_KB, 1), lambda t, b: (b, 0)),
                   pl.BlockSpec((NCL, NB, H), lambda t, b: (0, 0, 0))],
        out_shape=[st((N, 1), jnp.int32), st((NCL, NB, H), jnp.float32)],
        scratch_shapes=[pltpu.VMEM((NC80, H), jnp.float32),
                        pltpu.VMEM((NC80, 1), jnp.float32),
                        pltpu.VMEM((NB, NCL * H), jnp.float32)],
    )(h2, batch2)


def _tc_coarse_body(c0, c1, hc, w2, b2, w3, b3, w4, b4, wh0, bh0, wh1, bh1,
                    wh2, bh2, out):
    craw = c0[...] + c1[...]
    r = jax.lax.broadcasted_iota(jnp.int32, (NC80, NC80), 0)
    col = jax.lax.broadcasted_iota(jnp.int32, (NC80, NC80), 1)
    ct = jnp.where(r == col, 0.0, craw)
    ones_col = jnp.ones((NC80, 1), jnp.float32)
    degc = _dot(ct, ones_col, ((0,), (0,))) + 1.0
    degr = jnp.sum(ct, axis=0, keepdims=True) + 1.0
    rsc_c = jax.lax.rsqrt(degc)
    rsc_r = jax.lax.rsqrt(degr)
    invdc = rsc_c * rsc_c
    m = ct * rsc_c * rsc_r

    def layer(hm, w, b):
        xw = _dot(hm, w[...], ((1,), (0,)))
        agg = _dot(m, xw, ((0,), (0,)))
        return jax.nn.relu(agg + xw * invdc + b[...][None, :])

    h = layer(hc[...], w2, b2)
    h = layer(h, w3, b3)
    h = layer(h, w4, b4)

    pr = jax.lax.broadcasted_iota(jnp.int32, (NB, NC80), 0)
    pc = jax.lax.broadcasted_iota(jnp.int32, (NB, NC80), 1)
    pool = jnp.where(pc // NCL == pr, 1.0 / NCL, 0.0)
    g = _dot(pool, h, ((1,), (0,)))
    g = jax.nn.gelu(_dot(g, wh0[...], ((1,), (0,))) + bh0[...][None, :])
    g = jax.nn.gelu(_dot(g, wh1[...], ((1,), (0,))) + bh1[...][None, :])
    out[...] = _dot(g, wh2[...], ((1,), (0,))) + bh2[...][None, :]


def _tc_call(body, out_shapes, *args):
    return pl.pallas_call(body, out_shape=out_shapes)(*args)


_RB = 2000
_GRID = N // _RB


def _row_spec():
    return pl.BlockSpec((_RB, H), lambda i: (i, 0))


def _deg_spec():
    return pl.BlockSpec((_RB, H), lambda i: (i, 0))


def _full_spec(shape):
    return pl.BlockSpec(shape, lambda i: tuple(0 for _ in shape))


def _tc_y(xin, w, b, deg0, deg1):
    st = jax.ShapeDtypeStruct
    return pl.pallas_call(
        _tc_y_body,
        grid=(_GRID,),
        in_specs=[_row_spec(), _full_spec((H, H)), _full_spec((H,)),
                  _deg_spec(), _deg_spec()],
        out_specs=[_row_spec(), _row_spec()],
        out_shape=[st((N, H), jnp.float32), st((N, H), jnp.float32)],
    )(xin, w, b, deg0, deg1)


def _tc_hrelu(acca, accb, sb, deg0, deg1):
    st = jax.ShapeDtypeStruct
    return pl.pallas_call(
        _tc_hrelu_body,
        grid=(_GRID,),
        in_specs=[_row_spec(), _row_spec(), _row_spec(), _deg_spec(), _deg_spec()],
        out_specs=[_row_spec()],
        out_shape=[st((N, H), jnp.float32)],
    )(acca, accb, sb, deg0, deg1)[0]



def kernel(x, edge_index, batch, Wg0, bg0, Wg1, bg1, Wg2, bg2, Wg3, bg3,
           Wg4, bg4, Wh0, bh0, Wh1, bh1, Wh2, bh2):
    f32 = jnp.float32
    src3 = edge_index[0].reshape(NWORK, ROUNDS, CHUNK)
    dst3 = edge_index[1].reshape(NWORK, ROUNDS, CHUNK)
    src4 = edge_index[0].reshape(NWORK, EPW)
    dst4 = edge_index[1].reshape(NWORK, EPW)
    batch2 = batch.reshape(N, 1)

    lane0 = (jnp.arange(H) == 0).astype(f32)
    ones_hist = jnp.broadcast_to(lane0, (CHUNK, H))
    zeros_nh = jnp.zeros((NPAD, H), f32)
    zeros_c = jnp.zeros((NC80 * NC80, H), f32)

    degp = _sc_deg_kernel()(dst3, ones_hist, zeros_nh)
    deg0, deg1 = degp[0, :N], degp[1, :N]

    st = jax.ShapeDtypeStruct
    y0, sb0 = _tc_y(x, Wg0, bg0, deg0, deg1)
    acc0 = _sc_agg_kernel()(y0, src4, dst3, zeros_nh)
    h1 = _tc_hrelu(acc0[0, :N], acc0[1, :N], sb0, deg0, deg1)
    y1, sb1 = _tc_y(h1, Wg1, bg1, deg0, deg1)
    acc1 = _sc_agg_kernel()(y1, src4, dst3, zeros_nh)
    h2 = _tc_hrelu(acc1[0, :N], acc1[1, :N], sb1, deg0, deg1)
    seg2, cents = _tc_kmeans(h2, batch2)
    seg = seg2.reshape(N)
    hc = cents.transpose(1, 0, 2).reshape(NC80, H)

    cnt = _sc_count_kernel()(seg, src4, dst4, ones_hist, zeros_c)
    c0 = cnt[0, :, 0].reshape(NC80, NC80)
    c1 = cnt[1, :, 0].reshape(NC80, NC80)

    out = _tc_call(_tc_coarse_body, st((NB, 10), f32),
                   c0, c1, hc, Wg2, bg2, Wg3, bg3, Wg4, bg4,
                   Wh0, bh0, Wh1, bh1, Wh2, bh2)
    return out

# --- scband reference (transcript-rebuilt; emitter-appended) ---
"""Pipeline reference for scband-gcnwith-coarsening-86277303042080 (READ-ONLY COPY).

The authoritative reference and input builder live on the scoring server;
editing this copy changes nothing except your own understanding.
"""

import jax, jax.numpy as jnp
import numpy as np

N = 10000; E = 320000; D_IN = 128; H = 128; OUT = 10
NB = 16; NC = 5; KM_ITERS = 10


def _seg_mean(vals, seg, num_seg):
    sums = jnp.zeros((num_seg,) + vals.shape[1:], vals.dtype).at[seg].add(vals)
    cnts = jnp.zeros((num_seg,), vals.dtype).at[seg].add(1.0)
    cnts = jnp.maximum(cnts, 1.0)
    return sums / cnts.reshape((num_seg,) + (1,) * (vals.ndim - 1))


def _gcn(x, W, b, src, dst, emask, n):
    # GCNConv with implicit self loops; emask zeroes removed (self-loop) edges
    deg = jnp.zeros((n,), x.dtype).at[dst].add(emask) + 1.0
    xw = x @ W
    norm = emask / jnp.sqrt(deg[src] * deg[dst])
    agg = jnp.zeros_like(xw).at[dst].add(norm[:, None] * xw[src])
    agg = agg + xw / deg[:, None]
    return agg + b


def _kmeans_seg(x, batch):
    # per-graph KMeans with cluster-id offsets (batch*NC + label), Lloyd iterations
    label = jnp.arange(x.shape[0], dtype=jnp.int32) % NC
    for _ in range(KM_ITERS):
        seg = batch * NC + label
        cent = _seg_mean(x, seg, NB * NC).reshape(NB, NC, -1)
        cpn = cent[batch]
        d = jnp.sum((x[:, None, :] - cpn) ** 2, axis=-1)
        label = jnp.argmin(d, axis=-1).astype(jnp.int32)
    return batch * NC + label


def setup_inputs(seed: int = 0):
    key = jax.random.key(seed)
    ks = jax.random.split(key, 20)
    inp = {
        'x': jax.random.normal(ks[0], (N, D_IN), jnp.float32),
        'edge_index': jax.random.randint(ks[1], (2, E), 0, N, jnp.int32),
        'batch': jnp.sort(jax.random.randint(ks[2], (N,), 0, NB, jnp.int32)),
    }
    dims = [(D_IN, H), (H, H), (H, H), (H, H), (H, H)]
    for i, (a, b) in enumerate(dims):
        inp['Wg%d' % i] = jax.random.normal(ks[3 + i], (a, b), jnp.float32) * 0.05
        inp['bg%d' % i] = jnp.zeros((b,), jnp.float32)
    head = [(H, H), (H, H), (H, OUT)]
    for i, (a, b) in enumerate(head):
        inp['Wh%d' % i] = jax.random.normal(ks[10 + i], (a, b), jnp.float32) * 0.05
        inp['bh%d' % i] = jnp.zeros((b,), jnp.float32)
    return inp


def reference(x, edge_index, batch, Wg0, bg0, Wg1, bg1, Wg2, bg2, Wg3, bg3, Wg4, bg4,
              Wh0, bh0, Wh1, bh1, Wh2, bh2):
    src, dst = edge_index[0], edge_index[1]
    em = jnp.ones((E,), jnp.float32)
    # GCN layers before coarsening
    h = jax.nn.relu(_gcn(x, Wg0, bg0, src, dst, em, N))
    h = jax.nn.relu(_gcn(h, Wg1, bg1, src, dst, em, N))
    # clustering on detached features (original uses .detach().cpu().numpy())
    seg = _kmeans_seg(jax.lax.stop_gradient(h), batch)
    # coarsen_graph(reduce='mean')
    nC = NB * NC
    hc = _seg_mean(h, seg, nC)
    csrc, cdst = seg[src], seg[dst]
    cem = (csrc != cdst).astype(jnp.float32)  # drop self-loop edges by zero-weighting
    cbatch = jnp.arange(nC, dtype=jnp.int32) // NC
    # GCN layers after coarsening
    h2 = jax.nn.relu(_gcn(hc, Wg2, bg2, csrc, cdst, cem, nC))
    h2 = jax.nn.relu(_gcn(h2, Wg3, bg3, csrc, cdst, cem, nC))
    h2 = jax.nn.relu(_gcn(h2, Wg4, bg4, csrc, cdst, cem, nC))
    # MLPGraphHead: global mean pool + MLP (dropout is identity in eval)
    g = _seg_mean(h2, cbatch, NB)
    g = jax.nn.gelu(g @ Wh0 + bh0)
    g = jax.nn.gelu(g @ Wh1 + bh1)
    return g @ Wh2 + bh2

if __name__ == "__main__":
    import jax
    _d = setup_inputs()
    print(jax.jit(kernel)(*tuple(_d.values())))

</pallas_src>

<mosaic_0001>
#map = affine_map<(d0, d1) -> (0, 0, 0)>
#map1 = affine_map<(d0, d1) -> (0, 0)>
module attributes {stable_mosaic.version = 14 : i64} {
  func.func @_sc_deg_body(%arg0: i32, %arg1: i32, %arg2: memref<32x125x80xi32, #tpu.memory_space<hbm>>, %arg3: memref<80x128xf32, #tpu.memory_space<hbm>>, %arg4: memref<10240x128xf32, #tpu.memory_space<hbm>>, %arg5: memref<2x10240x128xf32, #tpu.memory_space<hbm>>, %arg6: memref<125x80xi32, #tpu.memory_space<vmem>>, %arg7: memref<80x128xf32, #tpu.memory_space<vmem>>, %arg8: memref<10240x128xf32, #tpu.memory_space<vmem_shared>>) attributes {dimension_semantics = [#tpu.dimension_semantics<core_parallel>, #tpu.dimension_semantics<subcore_parallel>], iteration_bounds = array<i64: 2, 16>, scalar_prefetch = 0 : i64, scratch_operands = 3 : i64, tpu.core_type = #tpu.core_type<sc_vector_subcore>, window_params = [{transform_indices = #map}, {transform_indices = #map1}, {transform_indices = #map1}, {transform_indices = #map}]} {
    %mul3A = arith.constant 16 : i32
    %mul3A_0 = arith.muli %arg0, %mul3A : i32
    %add3A = arith.addi %mul3A_0, %arg1 : i32
    "tpu.region"() ({
      %run_scoped3A = tpu.sem_alloc : memref<!tpu.dma_semaphore, #tpu.memory_space<semaphore_mem>>
      %dma_start3A = arith.constant 0 : i32
      %dma_start3A_15 = arith.constant 0 : i32
      %dma_start3A_16 = tpu.memref_slice %arg2[%add3A, %dma_start3A, %dma_start3A_15] : memref<32x125x80xi32, #tpu.memory_space<hbm>> -> memref<1x125x80xi32, #tpu.memory_space<hbm>>
      %dma_start3A_17 = tpu.memref_squeeze %dma_start3A_16 : memref<1x125x80xi32, #tpu.memory_space<hbm>> -> memref<125x80xi32, #tpu.memory_space<hbm>>
      %dma_start3A_18 = arith.constant 0 : i32
      %dma_start3A_19 = arith.constant 0 : i32
      %dma_start3A_20 = tpu.memref_slice %arg2[%add3A, %dma_start3A_18, %dma_start3A_19] : memref<32x125x80xi32, #tpu.memory_space<hbm>> -> memref<1x125x80xi32, #tpu.memory_space<hbm>>
      %dma_start3A_21 = tpu.memref_squeeze %dma_start3A_20 : memref<1x125x80xi32, #tpu.memory_space<hbm>> -> memref<125x80xi32, #tpu.memory_space<hbm>>
      tpu.enqueue_dma source(%dma_start3A_21 : memref<125x80xi32, #tpu.memory_space<hbm>>) target(%arg6 : memref<125x80xi32, #tpu.memory_space<vmem>>) target_semaphore(%run_scoped3A : memref<!tpu.dma_semaphore, #tpu.memory_space<semaphore_mem>>)
      %dma_wait3A = arith.constant 0 : i32
      %dma_wait3A_22 = arith.constant 0 : i32
      %dma_wait3A_23 = tpu.memref_slice %arg2[%add3A, %dma_wait3A, %dma_wait3A_22] : memref<32x125x80xi32, #tpu.memory_space<hbm>> -> memref<1x125x80xi32, #tpu.memory_space<hbm>>
      %dma_wait3A_24 = tpu.memref_squeeze %dma_wait3A_23 : memref<1x125x80xi32, #tpu.memory_space<hbm>> -> memref<125x80xi32, #tpu.memory_space<hbm>>
      %dma_wait3A_25 = arith.constant 0 : i32
      %dma_wait3A_26 = arith.constant 0 : i32
      %dma_wait3A_27 = tpu.memref_slice %arg2[%add3A, %dma_wait3A_25, %dma_wait3A_26] : memref<32x125x80xi32, #tpu.memory_space<hbm>> -> memref<1x125x80xi32, #tpu.memory_space<hbm>>
      %dma_wait3A_28 = tpu.memref_squeeze %dma_wait3A_27 : memref<1x125x80xi32, #tpu.memory_space<hbm>> -> memref<125x80xi32, #tpu.memory_space<hbm>>
      tpu.wait_dma2 semaphore(%run_scoped3A : memref<!tpu.dma_semaphore, #tpu.memory_space<semaphore_mem>>) src(%dma_wait3A_28 : memref<125x80xi32, #tpu.memory_space<hbm>>) dst(%arg6 : memref<125x80xi32, #tpu.memory_space<vmem>>)
      tpu.yield
    }) : () -> ()
    "tpu.region"() ({
      %run_scoped3A = tpu.sem_alloc : memref<!tpu.dma_semaphore, #tpu.memory_space<semaphore_mem>>
      tpu.enqueue_dma source(%arg3 : memref<80x128xf32, #tpu.memory_space<hbm>>) target(%arg7 : memref<80x128xf32, #tpu.memory_space<vmem>>) target_semaphore(%run_scoped3A : memref<!tpu.dma_semaphore, #tpu.memory_space<semaphore_mem>>)
      tpu.wait_dma2 semaphore(%run_scoped3A : memref<!tpu.dma_semaphore, #tpu.memory_space<semaphore_mem>>) src(%arg3 : memref<80x128xf32, #tpu.memory_space<hbm>>) dst(%arg7 : memref<80x128xf32, #tpu.memory_space<vmem>>)
      tpu.yield
    }) : () -> ()
    %mul3A_1 = arith.constant 640 : i32
    %mul3A_2 = arith.muli %arg1, %mul3A_1 : i32
    %mul3A_3 = arith.constant 640 : i32
    %mul3A_4 = arith.muli %arg1, %mul3A_3 : i32
    "tpu.region"() ({
      %run_scoped3A = tpu.sem_alloc : memref<!tpu.dma_semaphore, #tpu.memory_space<semaphore_mem>>
      %dma_start3A = arith.constant 0 : i32
      %dma_start3A_15 = tpu.memref_slice %arg8[%mul3A_4, %dma_start3A] : memref<10240x128xf32, #tpu.memory_space<vmem_shared>> -> memref<640x128xf32, #tpu.memory_space<vmem_shared>>
      %dma_start3A_16 = arith.constant 0 : i32
      %dma_start3A_17 = tpu.memref_slice %arg4[%mul3A_2, %dma_start3A_16] : memref<10240x128xf32, #tpu.memory_space<hbm>> -> memref<640x128xf32, #tpu.memory_space<hbm>>
      tpu.enqueue_dma source(%dma_start3A_17 : memref<640x128xf32, #tpu.memory_space<hbm>>) target(%dma_start3A_15 : memref<640x128xf32, #tpu.memory_space<vmem_shared>>) target_semaphore(%run_scoped3A : memref<!tpu.dma_semaphore, #tpu.memory_space<semaphore_mem>>)
      %dma_wait3A = arith.constant 0 : i32
      %dma_wait3A_18 = tpu.memref_slice %arg8[%mul3A_4, %dma_wait3A] : memref<10240x128xf32, #tpu.memory_space<vmem_shared>> -> memref<640x128xf32, #tpu.memory_space<vmem_shared>>
      %dma_wait3A_19 = arith.constant 0 : i32
      %dma_wait3A_20 = tpu.memref_slice %arg4[%mul3A_2, %dma_wait3A_19] : memref<10240x128xf32, #tpu.memory_space<hbm>> -> memref<640x128xf32, #tpu.memory_space<hbm>>
      tpu.wait_dma2 semaphore(%run_scoped3A : memref<!tpu.dma_semaphore, #tpu.memory_space<semaphore_mem>>) src(%dma_wait3A_20 : memref<640x128xf32, #tpu.memory_space<hbm>>) dst(%dma_wait3A_18 : memref<640x128xf32, #tpu.memory_space<vmem_shared>>)
      tpu.yield
    }) : () -> ()
    %barrier3A = arith.constant 0 : index
    tpu.barrier barrier_id(%barrier3A)
    %scan3A = arith.constant 0 : i32
    %scan3A_5 = arith.constant 0 : i32
    %scan3A_6 = arith.constant 125 : i32
    %scan3A_7 = arith.addi %scan3A_5, %scan3A_6 : i32
    %scan3A_8 = arith.constant 1 : i32
    scf.for %scan3A_15 = %scan3A_5 to %scan3A_7 step %scan3A_8  : i32 {
      "tpu.region"() ({
        %run_scoped3A = tpu.sem_alloc : memref<!tpu.dma_semaphore, #tpu.memory_space<semaphore_mem>>
        %dma_start3A = arith.constant 0 : i32
        %dma_start3A_16 = tpu.memref_slice %arg6[%scan3A_15, %dma_start3A] : memref<125x80xi32, #tpu.memory_space<vmem>> -> memref<1x80xi32, #tpu.memory_space<vmem>>
        %dma_start3A_17 = tpu.memref_squeeze %dma_start3A_16 : memref<1x80xi32, #tpu.memory_space<vmem>> -> memref<80xi32, #tpu.memory_space<vmem>>
        %dma_start3A_18 = arith.constant 0 : i32
        %dma_start3A_19 = arith.constant 0 : i32
        %dma_start3A_20 = tpu.memref_slice %arg8[%dma_start3A_18, %dma_start3A_19] : memref<10240x128xf32, #tpu.memory_space<vmem_shared>> -> memref<10240x128xf32, #tpu.memory_space<vmem_shared>>
        tpu.enqueue_indirect_dma source(%arg7 : memref<80x128xf32, #tpu.memory_space<vmem>>) target(%dma_start3A_20 : memref<10240x128xf32, #tpu.memory_space<vmem_shared>>) offsets(%dma_start3A_17 : memref<80xi32, #tpu.memory_space<vmem>>) semaphore(%run_scoped3A : memref<!tpu.dma_semaphore, #tpu.memory_space<semaphore_mem>>) {add = true}
        %dma_wait3A = arith.constant 0 : i32
        %dma_wait3A_21 = tpu.memref_slice %arg6[%scan3A_15, %dma_wait3A] : memref<125x80xi32, #tpu.memory_space<vmem>> -> memref<1x80xi32, #tpu.memory_space<vmem>>
        %dma_wait3A_22 = tpu.memref_squeeze %dma_wait3A_21 : memref<1x80xi32, #tpu.memory_space<vmem>> -> memref<80xi32, #tpu.memory_space<vmem>>
        %dma_wait3A_23 = arith.constant 0 : i32
        %dma_wait3A_24 = arith.constant 0 : i32
        %dma_wait3A_25 = tpu.memref_slice %arg8[%dma_wait3A_23, %dma_wait3A_24] : memref<10240x128xf32, #tpu.memory_space<vmem_shared>> -> memref<10240x128xf32, #tpu.memory_space<vmem_shared>>
        tpu.wait_indirect_dma semaphore(%run_scoped3A : memref<!tpu.dma_semaphore, #tpu.memory_space<semaphore_mem>>) src(%arg7 : memref<80x128xf32, #tpu.memory_space<vmem>>) dst(%dma_wait3A_25 : memref<10240x128xf32, #tpu.memory_space<vmem_shared>>)
        tpu.yield
      }) : () -> ()
    }
    %scan3A_9 = arith.constant 125 : i32
    %barrier3A_10 = arith.constant 0 : index
    tpu.barrier barrier_id(%barrier3A_10)
    %mul3A_11 = arith.constant 640 : i32
    %mul3A_12 = arith.muli %arg1, %mul3A_11 : i32
    %mul3A_13 = arith.constant 640 : i32
    %mul3A_14 = arith.muli %arg1, %mul3A_13 : i32
    "tpu.region"() ({
      %run_scoped3A = tpu.sem_alloc : memref<!tpu.dma_semaphore, #tpu.memory_space<semaphore_mem>>
      %dma_start3A = arith.constant 0 : i32
      %dma_start3A_15 = tpu.memref_slice %arg5[%arg0, %mul3A_14, %dma_start3A] : memref<2x10240x128xf32, #tpu.memory_space<hbm>> -> memref<1x640x128xf32, #tpu.memory_space<hbm>>
      %dma_start3A_16 = tpu.memref_squeeze %dma_start3A_15 : memref<1x640x128xf32, #tpu.memory_space<hbm>> -> memref<640x128xf32, #tpu.memory_space<hbm>>
      %dma_start3A_17 = arith.constant 0 : i32
      %dma_start3A_18 = tpu.memref_slice %arg8[%mul3A_12, %dma_start3A_17] : memref<10240x128xf32, #tpu.memory_space<vmem_shared>> -> memref<640x128xf32, #tpu.memory_space<vmem_shared>>
      tpu.enqueue_dma source(%dma_start3A_18 : memref<640x128xf32, #tpu.memory_space<vmem_shared>>) target(%dma_start3A_16 : memref<640x128xf32, #tpu.memory_space<hbm>>) target_semaphore(%run_scoped3A : memref<!tpu.dma_semaphore, #tpu.memory_space<semaphore_mem>>)
      %dma_wait3A = arith.constant 0 : i32
      %dma_wait3A_19 = tpu.memref_slice %arg5[%arg0, %mul3A_14, %dma_wait3A] : memref<2x10240x128xf32, #tpu.memory_space<hbm>> -> memref<1x640x128xf32, #tpu.memory_space<hbm>>
      %dma_wait3A_20 = tpu.memref_squeeze %dma_wait3A_19 : memref<1x640x128xf32, #tpu.memory_space<hbm>> -> memref<640x128xf32, #tpu.memory_space<hbm>>
      %dma_wait3A_21 = arith.constant 0 : i32
      %dma_wait3A_22 = tpu.memref_slice %arg8[%mul3A_12, %dma_wait3A_21] : memref<10240x128xf32, #tpu.memory_space<vmem_shared>> -> memref<640x128xf32, #tpu.memory_space<vmem_shared>>
      tpu.wait_dma2 semaphore(%run_scoped3A : memref<!tpu.dma_semaphore, #tpu.memory_space<semaphore_mem>>) src(%dma_wait3A_22 : memref<640x128xf32, #tpu.memory_space<vmem_shared>>) dst(%dma_wait3A_20 : memref<640x128xf32, #tpu.memory_space<hbm>>)
      tpu.yield
    }) : () -> ()
    return
  }
}

#map = affine_map<(d0, d1) -> (0)>
#map1 = affine_map<(d0, d1) -> (0, 0)>
#map2 = affine_map<(d0, d1) -> (0, 0, 0)>
module attributes {stable_mosaic.version = 14 : i64} {
  func.func @_sc_count_body(%arg0: i32, %arg1: i32, %arg2: memref<10000xi32, #tpu.memory_space<hbm>>, %arg3: memref<32x10000xi32, #tpu.memory_space<hbm>>, %arg4: memref<32x10000xi32, #tpu.memory_space<hbm>>, %arg5: memref<80x128xf32, #tpu.memory_space<hbm>>, %arg6: memref<6400x128xf32, #tpu.memory_space<hbm>>, %arg7: memref<2x6400x128xf32, #tpu.memory_space<hbm>>, %arg8: memref<10000xi32, #tpu.memory_space<vmem>>, %arg9: memref<10000xi32, #tpu.memory_space<vmem>>, %arg10: memref<10000xi32, #tpu.memory_space<vmem>>, %arg11: memref<1x80xi32, #tpu.memory_space<vmem>>, %arg12: memref<80x128xf32, #tpu.memory_space<vmem>>, %arg13: memref<6400x128xf32, #tpu.memory_space<vmem_shared>>) attributes {dimension_semantics = [#tpu.dimension_semantics<core_parallel>, #tpu.dimension_semantics<subcore_parallel>], iteration_bounds = array<i64: 2, 16>, scalar_prefetch = 0 : i64, scratch_operands = 6 : i64, tpu.core_type = #tpu.core_type<sc_vector_subcore>, window_params = [{transform_indices = #map}, {transform_indices = #map1}, {transform_indices = #map1}, {transform_indices = #map1}, {transform_indices = #map1}, {transform_indices = #map2}]} {
    %mul3A = arith.constant 16 : i32
    %mul3A_0 = arith.muli %arg0, %mul3A : i32
    %add3A = arith.addi %mul3A_0, %arg1 : i32
    "tpu.region"() ({
      %run_scoped3A = tpu.sem_alloc : memref<!tpu.dma_semaphore, #tpu.memory_space<semaphore_mem>>
      tpu.enqueue_dma source(%arg2 : memref<10000xi32, #tpu.memory_space<hbm>>) target(%arg8 : memref<10000xi32, #tpu.memory_space<vmem>>) target_semaphore(%run_scoped3A : memref<!tpu.dma_semaphore, #tpu.memory_space<semaphore_mem>>)
      tpu.wait_dma2 semaphore(%run_scoped3A : memref<!tpu.dma_semaphore, #tpu.memory_space<semaphore_mem>>) src(%arg2 : memref<10000xi32, #tpu.memory_space<hbm>>) dst(%arg8 : memref<10000xi32, #tpu.memory_space<vmem>>)
      tpu.yield
    }) : () -> ()
    "tpu.region"() ({
      %run_scoped3A = tpu.sem_alloc : memref<!tpu.dma_semaphore, #tpu.memory_space<semaphore_mem>>
      %dma_start3A = arith.constant 0 : i32
      %dma_start3A_15 = tpu.memref_slice %arg3[%add3A, %dma_start3A] : memref<32x10000xi32, #tpu.memory_space<hbm>> -> memref<1x10000xi32, #tpu.memory_space<hbm>>
      %dma_start3A_16 = tpu.memref_squeeze %dma_start3A_15 : memref<1x10000xi32, #tpu.memory_space<hbm>> -> memref<10000xi32, #tpu.memory_space<hbm>>
      %dma_start3A_17 = arith.constant 0 : i32
      %dma_start3A_18 = tpu.memref_slice %arg3[%add3A, %dma_start3A_17] : memref<32x10000xi32, #tpu.memory_space<hbm>> -> memref<1x10000xi32, #tpu.memory_space<hbm>>
      %dma_start3A_19 = tpu.memref_squeeze %dma_start3A_18 : memref<1x10000xi32, #tpu.memory_space<hbm>> -> memref<10000xi32, #tpu.memory_space<hbm>>
      tpu.enqueue_dma source(%dma_start3A_19 : memref<10000xi32, #tpu.memory_space<hbm>>) target(%arg9 : memref<10000xi32, #tpu.memory_space<vmem>>) target_semaphore(%run_scoped3A : memref<!tpu.dma_semaphore, #tpu.memory_space<semaphore_mem>>)
      %dma_wait3A = arith.constant 0 : i32
      %dma_wait3A_20 = tpu.memref_slice %arg3[%add3A, %dma_wait3A] : memref<32x10000xi32, #tpu.memory_space<hbm>> -> memref<1x10000xi32, #tpu.memory_space<hbm>>
      %dma_wait3A_21 = tpu.memref_squeeze %dma_wait3A_20 : memref<1x10000xi32, #tpu.memory_space<hbm>> -> memref<10000xi32, #tpu.memory_space<hbm>>
      %dma_wait3A_22 = arith.constant 0 : i32
      %dma_wait3A_23 = tpu.memref_slice %arg3[%add3A, %dma_wait3A_22] : memref<32x10000xi32, #tpu.memory_space<hbm>> -> memref<1x10000xi32, #tpu.memory_space<hbm>>
      %dma_wait3A_24 = tpu.memref_squeeze %dma_wait3A_23 : memref<1x10000xi32, #tpu.memory_space<hbm>> -> memref<10000xi32, #tpu.memory_space<hbm>>
      tpu.wait_dma2 semaphore(%run_scoped3A : memref<!tpu.dma_semaphore, #tpu.memory_space<semaphore_mem>>) src(%dma_wait3A_24 : memref<10000xi32, #tpu.memory_space<hbm>>) dst(%arg9 : memref<10000xi32, #tpu.memory_space<vmem>>)
      tpu.yield
    }) : () -> ()
    "tpu.region"() ({
      %run_scoped3A = tpu.sem_alloc : memref<!tpu.dma_semaphore, #tpu.memory_space<semaphore_mem>>
      %dma_start3A = arith.constant 0 : i32
      %dma_start3A_15 = tpu.memref_slice %arg4[%add3A, %dma_start3A] : memref<32x10000xi32, #tpu.memory_space<hbm>> -> memref<1x10000xi32, #tpu.memory_space<hbm>>
      %dma_start3A_16 = tpu.memref_squeeze %dma_start3A_15 : memref<1x10000xi32, #tpu.memory_space<hbm>> -> memref<10000xi32, #tpu.memory_space<hbm>>
      %dma_start3A_17 = arith.constant 0 : i32
      %dma_start3A_18 = tpu.memref_slice %arg4[%add3A, %dma_start3A_17] : memref<32x10000xi32, #tpu.memory_space<hbm>> -> memref<1x10000xi32, #tpu.memory_space<hbm>>
      %dma_start3A_19 = tpu.memref_squeeze %dma_start3A_18 : memref<1x10000xi32, #tpu.memory_space<hbm>> -> memref<10000xi32, #tpu.memory_space<hbm>>
      tpu.enqueue_dma source(%dma_start3A_19 : memref<10000xi32, #tpu.memory_space<hbm>>) target(%arg10 : memref<10000xi32, #tpu.memory_space<vmem>>) target_semaphore(%run_scoped3A : memref<!tpu.dma_semaphore, #tpu.memory_space<semaphore_mem>>)
      %dma_wait3A = arith.constant 0 : i32
      %dma_wait3A_20 = tpu.memref_slice %arg4[%add3A, %dma_wait3A] : memref<32x10000xi32, #tpu.memory_space<hbm>> -> memref<1x10000xi32, #tpu.memory_space<hbm>>
      %dma_wait3A_21 = tpu.memref_squeeze %dma_wait3A_20 : memref<1x10000xi32, #tpu.memory_space<hbm>> -> memref<10000xi32, #tpu.memory_space<hbm>>
      %dma_wait3A_22 = arith.constant 0 : i32
      %dma_wait3A_23 = tpu.memref_slice %arg4[%add3A, %dma_wait3A_22] : memref<32x10000xi32, #tpu.memory_space<hbm>> -> memref<1x10000xi32, #tpu.memory_space<hbm>>
      %dma_wait3A_24 = tpu.memref_squeeze %dma_wait3A_23 : memref<1x10000xi32, #tpu.memory_space<hbm>> -> memref<10000xi32, #tpu.memory_space<hbm>>
      tpu.wait_dma2 semaphore(%run_scoped3A : memref<!tpu.dma_semaphore, #tpu.memory_space<semaphore_mem>>) src(%dma_wait3A_24 : memref<10000xi32, #tpu.memory_space<hbm>>) dst(%arg10 : memref<10000xi32, #tpu.memory_space<vmem>>)
      tpu.yield
    }) : () -> ()
    "tpu.region"() ({
      %run_scoped3A = tpu.sem_alloc : memref<!tpu.dma_semaphore, #tpu.memory_space<semaphore_mem>>
      tpu.enqueue_dma source(%arg5 : memref<80x128xf32, #tpu.memory_space<hbm>>) target(%arg12 : memref<80x128xf32, #tpu.memory_space<vmem>>) target_semaphore(%run_scoped3A : memref<!tpu.dma_semaphore, #tpu.memory_space<semaphore_mem>>)
      tpu.wait_dma2 semaphore(%run_scoped3A : memref<!tpu.dma_semaphore, #tpu.memory_space<semaphore_mem>>) src(%arg5 : memref<80x128xf32, #tpu.memory_space<hbm>>) dst(%arg12 : memref<80x128xf32, #tpu.memory_space<vmem>>)
      tpu.yield
    }) : () -> ()
    %mul3A_1 = arith.constant 400 : i32
    %mul3A_2 = arith.muli %arg1, %mul3A_1 : i32
    %mul3A_3 = arith.constant 400 : i32
    %mul3A_4 = arith.muli %arg1, %mul3A_3 : i32
    "tpu.region"() ({
      %run_scoped3A = tpu.sem_alloc : memref<!tpu.dma_semaphore, #tpu.memory_space<semaphore_mem>>
      %dma_start3A = arith.constant 0 : i32
      %dma_start3A_15 = tpu.memref_slice %arg13[%mul3A_4, %dma_start3A] : memref<6400x128xf32, #tpu.memory_space<vmem_shared>> -> memref<400x128xf32, #tpu.memory_space<vmem_shared>>
      %dma_start3A_16 = arith.constant 0 : i32
      %dma_start3A_17 = tpu.memref_slice %arg6[%mul3A_2, %dma_start3A_16] : memref<6400x128xf32, #tpu.memory_space<hbm>> -> memref<400x128xf32, #tpu.memory_space<hbm>>
      tpu.enqueue_dma source(%dma_start3A_17 : memref<400x128xf32, #tpu.memory_space<hbm>>) target(%dma_start3A_15 : memref<400x128xf32, #tpu.memory_space<vmem_shared>>) target_semaphore(%run_scoped3A : memref<!tpu.dma_semaphore, #tpu.memory_space<semaphore_mem>>)
      %dma_wait3A = arith.constant 0 : i32
      %dma_wait3A_18 = tpu.memref_slice %arg13[%mul3A_4, %dma_wait3A] : memref<6400x128xf32, #tpu.memory_space<vmem_shared>> -> memref<400x128xf32, #tpu.memory_space<vmem_shared>>
      %dma_wait3A_19 = arith.constant 0 : i32
      %dma_wait3A_20 = tpu.memref_slice %arg6[%mul3A_2, %dma_wait3A_19] : memref<6400x128xf32, #tpu.memory_space<hbm>> -> memref<400x128xf32, #tpu.memory_space<hbm>>
      tpu.wait_dma2 semaphore(%run_scoped3A : memref<!tpu.dma_semaphore, #tpu.memory_space<semaphore_mem>>) src(%dma_wait3A_20 : memref<400x128xf32, #tpu.memory_space<hbm>>) dst(%dma_wait3A_18 : memref<400x128xf32, #tpu.memory_space<vmem_shared>>)
      tpu.yield
    }) : () -> ()
    %barrier3A = arith.constant 0 : index
    tpu.barrier barrier_id(%barrier3A)
    %scan3A = arith.constant 0 : i32
    %scan3A_5 = arith.constant 0 : i32
    %scan3A_6 = arith.constant 125 : i32
    %scan3A_7 = arith.addi %scan3A_5, %scan3A_6 : i32
    %scan3A_8 = arith.constant 1 : i32
    scf.for %scan3A_15 = %scan3A_5 to %scan3A_7 step %scan3A_8  : i32 {
      %mul3A_16 = arith.constant 5 : i32
      %mul3A_17 = arith.muli %scan3A_15, %mul3A_16 : i32
      %add3A_18 = arith.constant 0 : i32
      %add3A_19 = arith.addi %mul3A_17, %add3A_18 : i32
      %mul3A_20 = arith.constant 16 : i32
      %mul3A_21 = arith.muli %add3A_19, %mul3A_20 : i32
      %get3A = arith.index_cast %mul3A_21 : i32 to index
      %get3A_22 = tpu.vector_load %arg9[%get3A] {strides = array<i32>} : memref<10000xi32, #tpu.memory_space<vmem>>, vector<16xi32>,
      %get3A_23 = arith.index_cast %mul3A_21 : i32 to index
      %get3A_24 = tpu.vector_load %arg10[%get3A_23] {strides = array<i32>} : memref<10000xi32, #tpu.memory_space<vmem>>, vector<16xi32>,
      %gather3A = tpu.vector_load_idx %arg8[%get3A_22] : memref<10000xi32, #tpu.memory_space<vmem>>[vector<16xi32>], vector<16xi32>,
      %gather3A_25 = tpu.vector_load_idx %arg8[%get3A_24] : memref<10000xi32, #tpu.memory_space<vmem>>[vector<16xi32>], vector<16xi32>,
      %mul3A_26 = arith.constant 80 : i32
      %mul3A_27 = vector.broadcast %mul3A_26 : i32 to vector<16xi32>
      %mul3A_28 = arith.muli %gather3A, %mul3A_27 : vector<16xi32>
      %add3A_29 = arith.addi %mul3A_28, %gather3A_25 : vector<16xi32>
      %swap3A = arith.constant 0 : i32
      %swap3A_30 = arith.constant 0 : i32
      %swap3A_31 = tpu.memref_slice %arg11[%swap3A, %swap3A_30] : memref<1x80xi32, #tpu.memory_space<vmem>> -> memref<1x80xi32, #tpu.memory_space<vmem>>
      %swap3A_32 = tpu.memref_squeeze %swap3A_31 : memref<1x80xi32, #tpu.memory_space<vmem>> -> memref<80xi32, #tpu.memory_space<vmem>>
      %swap3A_33 = arith.constant 0 : index
      %swap3A_34 = tpu.vector_load %swap3A_32[%swap3A_33] {strides = array<i32>} : memref<80xi32, #tpu.memory_space<vmem>>, vector<16xi32>,
      tpu.vector_store %swap3A_32[%swap3A_33], %add3A_29 {strides = array<i32>} : memref<80xi32, #tpu.memory_space<vmem>>, vector<16xi32>,
      %mul3A_35 = arith.constant 5 : i32
      %mul3A_36 = arith.muli %scan3A_15, %mul3A_35 : i32
      %add3A_37 = arith.constant 1 : i32
      %add3A_38 = arith.addi %mul3A_36, %add3A_37 : i32
      %mul3A_39 = arith.constant 16 : i32
      %mul3A_40 = arith.muli %add3A_38, %mul3A_39 : i32
      %get3A_41 = arith.index_cast %mul3A_40 : i32 to index
      %get3A_42 = tpu.vector_load %arg9[%get3A_41] {strides = array<i32>} : memref<10000xi32, #tpu.memory_space<vmem>>, vector<16xi32>,
      %get3A_43 = arith.index_cast %mul3A_40 : i32 to index
      %get3A_44 = tpu.vector_load %arg10[%get3A_43] {strides = array<i32>} : memref<10000xi32, #tpu.memory_space<vmem>>, vector<16xi32>,
      %gather3A_45 = tpu.vector_load_idx %arg8[%get3A_42] : memref<10000xi32, #tpu.memory_space<vmem>>[vector<16xi32>], vector<16xi32>,
      %gather3A_46 = tpu.vector_load_idx %arg8[%get3A_44] : memref<10000xi32, #tpu.memory_space<vmem>>[vector<16xi32>], vector<16xi32>,
      %mul3A_47 = arith.constant 80 : i32
      %mul3A_48 = vector.broadcast %mul3A_47 : i32 to vector<16xi32>
      %mul3A_49 = arith.muli %gather3A_45, %mul3A_48 : vector<16xi32>
      %add3A_50 = arith.addi %mul3A_49, %gather3A_46 : vector<16xi32>
      %swap3A_51 = arith.constant 0 : i32
      %swap3A_52 = arith.constant 0 : i32
      %swap3A_53 = tpu.memref_slice %arg11[%swap3A_51, %swap3A_52] : memref<1x80xi32, #tpu.memory_space<vmem>> -> memref<1x80xi32, #tpu.memory_space<vmem>>
      %swap3A_54 = tpu.memref_squeeze %swap3A_53 : memref<1x80xi32, #tpu.memory_space<vmem>> -> memref<80xi32, #tpu.memory_space<vmem>>
      %swap3A_55 = arith.constant 16 : index
      %swap3A_56 = tpu.vector_load %swap3A_54[%swap3A_55] {strides = array<i32>} : memref<80xi32, #tpu.memory_space<vmem>>, vector<16xi32>,
      tpu.vector_store %swap3A_54[%swap3A_55], %add3A_50 {strides = array<i32>} : memref<80xi32, #tpu.memory_space<vmem>>, vector<16xi32>,
      %mul3A_57 = arith.constant 5 : i32
      %mul3A_58 = arith.muli %scan3A_15, %mul3A_57 : i32
      %add3A_59 = arith.constant 2 : i32
      %add3A_60 = arith.addi %mul3A_58, %add3A_59 : i32
      %mul3A_61 = arith.constant 16 : i32
      %mul3A_62 = arith.muli %add3A_60, %mul3A_61 : i32
      %get3A_63 = arith.index_cast %mul3A_62 : i32 to index
      %get3A_64 = tpu.vector_load %arg9[%get3A_63] {strides = array<i32>} : memref<10000xi32, #tpu.memory_space<vmem>>, vector<16xi32>,
      %get3A_65 = arith.index_cast %mul3A_62 : i32 to index
      %get3A_66 = tpu.vector_load %arg10[%get3A_65] {strides = array<i32>} : memref<10000xi32, #tpu.memory_space<vmem>>, vector<16xi32>,
      %gather3A_67 = tpu.vector_load_idx %arg8[%get3A_64] : memref<10000xi32, #tpu.memory_space<vmem>>[vector<16xi32>], vector<16xi32>,
      %gather3A_68 = tpu.vector_load_idx %arg8[%get3A_66] : memref<10000xi32, #tpu.memory_space<vmem>>[vector<16xi32>], vector<16xi32>,
      %mul3A_69 = arith.constant 80 : i32
      %mul3A_70 = vector.broadcast %mul3A_69 : i32 to vector<16xi32>
      %mul3A_71 = arith.muli %gather3A_67, %mul3A_70 : vector<16xi32>
      %add3A_72 = arith.addi %mul3A_71, %gather3A_68 : vector<16xi32>
      %swap3A_73 = arith.constant 0 : i32
      %swap3A_74 = arith.constant 0 : i32
      %swap3A_75 = tpu.memref_slice %arg11[%swap3A_73, %swap3A_74] : memref<1x80xi32, #tpu.memory_space<vmem>> -> memref<1x80xi32, #tpu.memory_space<vmem>>
      %swap3A_76 = tpu.memref_squeeze %swap3A_75 : memref<1x80xi32, #tpu.memory_space<vmem>> -> memref<80xi32, #tpu.memory_space<vmem>>
      %swap3A_77 = arith.constant 32 : index
      %swap3A_78 = tpu.vector_load %swap3A_76[%swap3A_77] {strides = array<i32>} : memref<80xi32, #tpu.memory_space<vmem>>, vector<16xi32>,
      tpu.vector_store %swap3A_76[%swap3A_77], %add3A_72 {strides = array<i32>} : memref<80xi32, #tpu.memory_space<vmem>>, vector<16xi32>,
      %mul3A_79 = arith.constant 5 : i32
      %mul3A_80 = arith.muli %scan3A_15, %mul3A_79 : i32
      %add3A_81 = arith.constant 3 : i32
      %add3A_82 = arith.addi %mul3A_80, %add3A_81 : i32
      %mul3A_83 = arith.constant 16 : i32
      %mul3A_84 = arith.muli %add3A_82, %mul3A_83 : i32
      %get3A_85 = arith.index_cast %mul3A_84 : i32 to index
      %get3A_86 = tpu.vector_load %arg9[%get3A_85] {strides = array<i32>} : memref<10000xi32, #tpu.memory_space<vmem>>, vector<16xi32>,
      %get3A_87 = arith.index_cast %mul3A_84 : i32 to index
      %get3A_88 = tpu.vector_load %arg10[%get3A_87] {strides = array<i32>} : memref<10000xi32, #tpu.memory_space<vmem>>, vector<16xi32>,
      %gather3A_89 = tpu.vector_load_idx %arg8[%get3A_86] : memref<10000xi32, #tpu.memory_space<vmem>>[vector<16xi32>], vector<16xi32>,
      %gather3A_90 = tpu.vector_load_idx %arg8[%get3A_88] : memref<10000xi32, #tpu.memory_space<vmem>>[vector<16xi32>], vector<16xi32>,
      %mul3A_91 = arith.constant 80 : i32
      %mul3A_92 = vector.broadcast %mul3A_91 : i32 to vector<16xi32>
      %mul3A_93 = arith.muli %gather3A_89, %mul3A_92 : vector<16xi32>
      %add3A_94 = arith.addi %mul3A_93, %gather3A_90 : vector<16xi32>
      %swap3A_95 = arith.constant 0 : i32
      %swap3A_96 = arith.constant 0 : i32
      %swap3A_97 = tpu.memref_slice %arg11[%swap3A_95, %swap3A_96] : memref<1x80xi32, #tpu.memory_space<vmem>> -> memref<1x80xi32, #tpu.memory_space<vmem>>
      %swap3A_98 = tpu.memref_squeeze %swap3A_97 : memref<1x80xi32, #tpu.memory_space<vmem>> -> memref<80xi32, #tpu.memory_space<vmem>>
      %swap3A_99 = arith.constant 48 : index
      %swap3A_100 = tpu.vector_load %swap3A_98[%swap3A_99] {strides = array<i32>} : memref<80xi32, #tpu.memory_space<vmem>>, vector<16xi32>,
      tpu.vector_store %swap3A_98[%swap3A_99], %add3A_94 {strides = array<i32>} : memref<80xi32, #tpu.memory_space<vmem>>, vector<16xi32>,
      %mul3A_101 = arith.constant 5 : i32
      %mul3A_102 = arith.muli %scan3A_15, %mul3A_101 : i32
      %add3A_103 = arith.constant 4 : i32
      %add3A_104 = arith.addi %mul3A_102, %add3A_103 : i32
      %mul3A_105 = arith.constant 16 : i32
      %mul3A_106 = arith.muli %add3A_104, %mul3A_105 : i32
      %get3A_107 = arith.index_cast %mul3A_106 : i32 to index
      %get3A_108 = tpu.vector_load %arg9[%get3A_107] {strides = array<i32>} : memref<10000xi32, #tpu.memory_space<vmem>>, vector<16xi32>,
      %get3A_109 = arith.index_cast %mul3A_106 : i32 to index
      %get3A_110 = tpu.vector_load %arg10[%get3A_109] {strides = array<i32>} : memref<10000xi32, #tpu.memory_space<vmem>>, vector<16xi32>,
      %gather3A_111 = tpu.vector_load_idx %arg8[%get3A_108] : memref<10000xi32, #tpu.memory_space<vmem>>[vector<16xi32>], vector<16xi32>,
      %gather3A_112 = tpu.vector_load_idx %arg8[%get3A_110] : memref<10000xi32, #tpu.memory_space<vmem>>[vector<16xi32>], vector<16xi32>,
      %mul3A_113 = arith.constant 80 : i32
      %mul3A_114 = vector.broadcast %mul3A_113 : i32 to vector<16xi32>
      %mul3A_115 = arith.muli %gather3A_111, %mul3A_114 : vector<16xi32>
      %add3A_116 = arith.addi %mul3A_115, %gather3A_112 : vector<16xi32>
      %swap3A_117 = arith.constant 0 : i32
      %swap3A_118 = arith.constant 0 : i32
      %swap3A_119 = tpu.memref_slice %arg11[%swap3A_117, %swap3A_118] : memref<1x80xi32, #tpu.memory_space<vmem>> -> memref<1x80xi32, #tpu.memory_space<vmem>>
      %swap3A_120 = tpu.memref_squeeze %swap3A_119 : memref<1x80xi32, #tpu.memory_space<vmem>> -> memref<80xi32, #tpu.memory_space<vmem>>
      %swap3A_121 = arith.constant 64 : index
      %swap3A_122 = tpu.vector_load %swap3A_120[%swap3A_121] {strides = array<i32>} : memref<80xi32, #tpu.memory_space<vmem>>, vector<16xi32>,
      tpu.vector_store %swap3A_120[%swap3A_121], %add3A_116 {strides = array<i32>} : memref<80xi32, #tpu.memory_space<vmem>>, vector<16xi32>,
      %run_scoped3A = arith.constant 0 : i32
      "tpu.region"() ({
        %run_scoped3A_123 = tpu.sem_alloc : memref<!tpu.dma_semaphore, #tpu.memory_space<semaphore_mem>>
        %dma_start3A = arith.constant 0 : i32
        %dma_start3A_124 = tpu.memref_slice %arg11[%run_scoped3A, %dma_start3A] : memref<1x80xi32, #tpu.memory_space<vmem>> -> memref<1x80xi32, #tpu.memory_space<vmem>>
        %dma_start3A_125 = tpu.memref_squeeze %dma_start3A_124 : memref<1x80xi32, #tpu.memory_space<vmem>> -> memref<80xi32, #tpu.memory_space<vmem>>
        %dma_start3A_126 = arith.constant 0 : i32
        %dma_start3A_127 = arith.constant 0 : i32
        %dma_start3A_128 = tpu.memref_slice %arg13[%dma_start3A_126, %dma_start3A_127] : memref<6400x128xf32, #tpu.memory_space<vmem_shared>> -> memref<6400x128xf32, #tpu.memory_space<vmem_shared>>
        tpu.enqueue_indirect_dma source(%arg12 : memref<80x128xf32, #tpu.memory_space<vmem>>) target(%dma_start3A_128 : memref<6400x128xf32, #tpu.memory_space<vmem_shared>>) offsets(%dma_start3A_125 : memref<80xi32, #tpu.memory_space<vmem>>) semaphore(%run_scoped3A_123 : memref<!tpu.dma_semaphore, #tpu.memory_space<semaphore_mem>>) {add = true}
        %dma_wait3A = arith.constant 0 : i32
        %dma_wait3A_129 = tpu.memref_slice %arg11[%run_scoped3A, %dma_wait3A] : memref<1x80xi32, #tpu.memory_space<vmem>> -> memref<1x80xi32, #tpu.memory_space<vmem>>
        %dma_wait3A_130 = tpu.memref_squeeze %dma_wait3A_129 : memref<1x80xi32, #tpu.memory_space<vmem>> -> memref<80xi32, #tpu.memory_space<vmem>>
        %dma_wait3A_131 = arith.constant 0 : i32
        %dma_wait3A_132 = arith.constant 0 : i32
        %dma_wait3A_133 = tpu.memref_slice %arg13[%dma_wait3A_131, %dma_wait3A_132] : memref<6400x128xf32, #tpu.memory_space<vmem_shared>> -> memref<6400x128xf32, #tpu.memory_space<vmem_shared>>
        tpu.wait_indirect_dma semaphore(%run_scoped3A_123 : memref<!tpu.dma_semaphore, #tpu.memory_space<semaphore_mem>>) src(%arg12 : memref<80x128xf32, #tpu.memory_space<vmem>>) dst(%dma_wait3A_133 : memref<6400x128xf32, #tpu.memory_space<vmem_shared>>)
        tpu.yield
      }) : () -> ()
    }
    %scan3A_9 = arith.constant 125 : i32
    %barrier3A_10 = arith.constant 0 : index
    tpu.barrier barrier_id(%barrier3A_10)
    %mul3A_11 = arith.constant 400 : i32
    %mul3A_12 = arith.muli %arg1, %mul3A_11 : i32
    %mul3A_13 = arith.constant 400 : i32
    %mul3A_14 = arith.muli %arg1, %mul3A_13 : i32
    "tpu.region"() ({
      %run_scoped3A = tpu.sem_alloc : memref<!tpu.dma_semaphore, #tpu.memory_space<semaphore_mem>>
      %dma_start3A = arith.constant 0 : i32
      %dma_start3A_15 = tpu.memref_slice %arg7[%arg0, %mul3A_14, %dma_start3A] : memref<2x6400x128xf32, #tpu.memory_space<hbm>> -> memref<1x400x128xf32, #tpu.memory_space<hbm>>
      %dma_start3A_16 = tpu.memref_squeeze %dma_start3A_15 : memref<1x400x128xf32, #tpu.memory_space<hbm>> -> memref<400x128xf32, #tpu.memory_space<hbm>>
      %dma_start3A_17 = arith.constant 0 : i32
      %dma_start3A_18 = tpu.memref_slice %arg13[%mul3A_12, %dma_start3A_17] : memref<6400x128xf32, #tpu.memory_space<vmem_shared>> -> memref<400x128xf32, #tpu.memory_space<vmem_shared>>
      tpu.enqueue_dma source(%dma_start3A_18 : memref<400x128xf32, #tpu.memory_space<vmem_shared>>) target(%dma_start3A_16 : memref<400x128xf32, #tpu.memory_space<hbm>>) target_semaphore(%run_scoped3A : memref<!tpu.dma_semaphore, #tpu.memory_space<semaphore_mem>>)
      %dma_wait3A = arith.constant 0 : i32
      %dma_wait3A_19 = tpu.memref_slice %arg7[%arg0, %mul3A_14, %dma_wait3A] : memref<2x6400x128xf32, #tpu.memory_space<hbm>> -> memref<1x400x128xf32, #tpu.memory_space<hbm>>
      %dma_wait3A_20 = tpu.memref_squeeze %dma_wait3A_19 : memref<1x400x128xf32, #tpu.memory_space<hbm>> -> memref<400x128xf32, #tpu.memory_space<hbm>>
      %dma_wait3A_21 = arith.constant 0 : i32
      %dma_wait3A_22 = tpu.memref_slice %arg13[%mul3A_12, %dma_wait3A_21] : memref<6400x128xf32, #tpu.memory_space<vmem_shared>> -> memref<400x128xf32, #tpu.memory_space<vmem_shared>>
      tpu.wait_dma2 semaphore(%run_scoped3A : memref<!tpu.dma_semaphore, #tpu.memory_space<semaphore_mem>>) src(%dma_wait3A_22 : memref<400x128xf32, #tpu.memory_space<vmem_shared>>) dst(%dma_wait3A_20 : memref<400x128xf32, #tpu.memory_space<hbm>>)
      tpu.yield
    }) : () -> ()
    return
  }
}

#map = affine_map<(d0, d1) -> (0, 0)>
#map1 = affine_map<(d0, d1) -> (0, 0, 0)>
module attributes {stable_mosaic.version = 14 : i64} {
  func.func @_sc_agg_body(%arg0: i32, %arg1: i32, %arg2: memref<10000x128xf32, #tpu.memory_space<hbm>>, %arg3: memref<32x10000xi32, #tpu.memory_space<hbm>>, %arg4: memref<32x125x80xi32, #tpu.memory_space<hbm>>, %arg5: memref<10240x128xf32, #tpu.memory_space<hbm>>, %arg6: memref<2x10240x128xf32, #tpu.memory_space<hbm>>, %arg7: memref<10000xi32, #tpu.memory_space<vmem>>, %arg8: memref<125x80xi32, #tpu.memory_space<vmem>>, %arg9: memref<80x128xf32, #tpu.memory_space<vmem>>, %arg10: memref<80x128xf32, #tpu.memory_space<vmem>>, %arg11: memref<10240x128xf32, #tpu.memory_space<vmem_shared>>, %arg12: memref<!tpu.dma_semaphore, #tpu.memory_space<semaphore_mem>>) attributes {dimension_semantics = [#tpu.dimension_semantics<core_parallel>, #tpu.dimension_semantics<subcore_parallel>], iteration_bounds = array<i64: 2, 16>, scalar_prefetch = 0 : i64, scratch_operands = 6 : i64, tpu.core_type = #tpu.core_type<sc_vector_subcore>, window_params = [{transform_indices = #map}, {transform_indices = #map}, {transform_indices = #map1}, {transform_indices = #map}, {transform_indices = #map1}]} {
    %mul3A = arith.constant 16 : i32
    %mul3A_0 = arith.muli %arg0, %mul3A : i32
    %add3A = arith.addi %mul3A_0, %arg1 : i32
    "tpu.region"() ({
      %run_scoped3A_23 = tpu.sem_alloc : memref<!tpu.dma_semaphore, #tpu.memory_space<semaphore_mem>>
      %dma_start3A_24 = arith.constant 0 : i32
      %dma_start3A_25 = tpu.memref_slice %arg3[%add3A, %dma_start3A_24] : memref<32x10000xi32, #tpu.memory_space<hbm>> -> memref<1x10000xi32, #tpu.memory_space<hbm>>
      %dma_start3A_26 = tpu.memref_squeeze %dma_start3A_25 : memref<1x10000xi32, #tpu.memory_space<hbm>> -> memref<10000xi32, #tpu.memory_space<hbm>>
      %dma_start3A_27 = arith.constant 0 : i32
      %dma_start3A_28 = tpu.memref_slice %arg3[%add3A, %dma_start3A_27] : memref<32x10000xi32, #tpu.memory_space<hbm>> -> memref<1x10000xi32, #tpu.memory_space<hbm>>
      %dma_start3A_29 = tpu.memref_squeeze %dma_start3A_28 : memref<1x10000xi32, #tpu.memory_space<hbm>> -> memref<10000xi32, #tpu.memory_space<hbm>>
      tpu.enqueue_dma source(%dma_start3A_29 : memref<10000xi32, #tpu.memory_space<hbm>>) target(%arg7 : memref<10000xi32, #tpu.memory_space<vmem>>) target_semaphore(%run_scoped3A_23 : memref<!tpu.dma_semaphore, #tpu.memory_space<semaphore_mem>>)
      %dma_wait3A_30 = arith.constant 0 : i32
      %dma_wait3A_31 = tpu.memref_slice %arg3[%add3A, %dma_wait3A_30] : memref<32x10000xi32, #tpu.memory_space<hbm>> -> memref<1x10000xi32, #tpu.memory_space<hbm>>
      %dma_wait3A_32 = tpu.memref_squeeze %dma_wait3A_31 : memref<1x10000xi32, #tpu.memory_space<hbm>> -> memref<10000xi32, #tpu.memory_space<hbm>>
      %dma_wait3A_33 = arith.constant 0 : i32
      %dma_wait3A_34 = tpu.memref_slice %arg3[%add3A, %dma_wait3A_33] : memref<32x10000xi32, #tpu.memory_space<hbm>> -> memref<1x10000xi32, #tpu.memory_space<hbm>>
      %dma_wait3A_35 = tpu.memref_squeeze %dma_wait3A_34 : memref<1x10000xi32, #tpu.memory_space<hbm>> -> memref<10000xi32, #tpu.memory_space<hbm>>
      tpu.wait_dma2 semaphore(%run_scoped3A_23 : memref<!tpu.dma_semaphore, #tpu.memory_space<semaphore_mem>>) src(%dma_wait3A_35 : memref<10000xi32, #tpu.memory_space<hbm>>) dst(%arg7 : memref<10000xi32, #tpu.memory_space<vmem>>)
      tpu.yield
    }) : () -> ()
    "tpu.region"() ({
      %run_scoped3A_23 = tpu.sem_alloc : memref<!tpu.dma_semaphore, #tpu.memory_space<semaphore_mem>>
      %dma_start3A_24 = arith.constant 0 : i32
      %dma_start3A_25 = arith.constant 0 : i32
      %dma_start3A_26 = tpu.memref_slice %arg4[%add3A, %dma_start3A_24, %dma_start3A_25] : memref<32x125x80xi32, #tpu.memory_space<hbm>> -> memref<1x125x80xi32, #tpu.memory_space<hbm>>
      %dma_start3A_27 = tpu.memref_squeeze %dma_start3A_26 : memref<1x125x80xi32, #tpu.memory_space<hbm>> -> memref<125x80xi32, #tpu.memory_space<hbm>>
      %dma_start3A_28 = arith.constant 0 : i32
      %dma_start3A_29 = arith.constant 0 : i32
      %dma_start3A_30 = tpu.memref_slice %arg4[%add3A, %dma_start3A_28, %dma_start3A_29] : memref<32x125x80xi32, #tpu.memory_space<hbm>> -> memref<1x125x80xi32, #tpu.memory_space<hbm>>
      %dma_start3A_31 = tpu.memref_squeeze %dma_start3A_30 : memref<1x125x80xi32, #tpu.memory_space<hbm>> -> memref<125x80xi32, #tpu.memory_space<hbm>>
      tpu.enqueue_dma source(%dma_start3A_31 : memref<125x80xi32, #tpu.memory_space<hbm>>) target(%arg8 : memref<125x80xi32, #tpu.memory_space<vmem>>) target_semaphore(%run_scoped3A_23 : memref<!tpu.dma_semaphore, #tpu.memory_space<semaphore_mem>>)
      %dma_wait3A_32 = arith.constant 0 : i32
      %dma_wait3A_33 = arith.constant 0 : i32
      %dma_wait3A_34 = tpu.memref_slice %arg4[%add3A, %dma_wait3A_32, %dma_wait3A_33] : memref<32x125x80xi32, #tpu.memory_space<hbm>> -> memref<1x125x80xi32, #tpu.memory_space<hbm>>
      %dma_wait3A_35 = tpu.memref_squeeze %dma_wait3A_34 : memref<1x125x80xi32, #tpu.memory_space<hbm>> -> memref<125x80xi32, #tpu.memory_space<hbm>>
      %dma_wait3A_36 = arith.constant 0 : i32
      %dma_wait3A_37 = arith.constant 0 : i32
      %dma_wait3A_38 = tpu.memref_slice %arg4[%add3A, %dma_wait3A_36, %dma_wait3A_37] : memref<32x125x80xi32, #tpu.memory_space<hbm>> -> memref<1x125x80xi32, #tpu.memory_space<hbm>>
      %dma_wait3A_39 = tpu.memref_squeeze %dma_wait3A_38 : memref<1x125x80xi32, #tpu.memory_space<hbm>> -> memref<125x80xi32, #tpu.memory_space<hbm>>
      tpu.wait_dma2 semaphore(%run_scoped3A_23 : memref<!tpu.dma_semaphore, #tpu.memory_space<semaphore_mem>>) src(%dma_wait3A_39 : memref<125x80xi32, #tpu.memory_space<hbm>>) dst(%arg8 : memref<125x80xi32, #tpu.memory_space<vmem>>)
      tpu.yield
    }) : () -> ()
    %mul3A_1 = arith.constant 640 : i32
    %mul3A_2 = arith.muli %arg1, %mul3A_1 : i32
    %mul3A_3 = arith.constant 640 : i32
    %mul3A_4 = arith.muli %arg1, %mul3A_3 : i32
    "tpu.region"() ({
      %run_scoped3A_23 = tpu.sem_alloc : memref<!tpu.dma_semaphore, #tpu.memory_space<semaphore_mem>>
      %dma_start3A_24 = arith.constant 0 : i32
      %dma_start3A_25 = tpu.memref_slice %arg11[%mul3A_4, %dma_start3A_24] : memref<10240x128xf32, #tpu.memory_space<vmem_shared>> -> memref<640x128xf32, #tpu.memory_space<vmem_shared>>
      %dma_start3A_26 = arith.constant 0 : i32
      %dma_start3A_27 = tpu.memref_slice %arg5[%mul3A_2, %dma_start3A_26] : memref<10240x128xf32, #tpu.memory_space<hbm>> -> memref<640x128xf32, #tpu.memory_space<hbm>>
      tpu.enqueue_dma source(%dma_start3A_27 : memref<640x128xf32, #tpu.memory_space<hbm>>) target(%dma_start3A_25 : memref<640x128xf32, #tpu.memory_space<vmem_shared>>) target_semaphore(%run_scoped3A_23 : memref<!tpu.dma_semaphore, #tpu.memory_space<semaphore_mem>>)
      %dma_wait3A_28 = arith.constant 0 : i32
      %dma_wait3A_29 = tpu.memref_slice %arg11[%mul3A_4, %dma_wait3A_28] : memref<10240x128xf32, #tpu.memory_space<vmem_shared>> -> memref<640x128xf32, #tpu.memory_space<vmem_shared>>
      %dma_wait3A_30 = arith.constant 0 : i32
      %dma_wait3A_31 = tpu.memref_slice %arg5[%mul3A_2, %dma_wait3A_30] : memref<10240x128xf32, #tpu.memory_space<hbm>> -> memref<640x128xf32, #tpu.memory_space<hbm>>
      tpu.wait_dma2 semaphore(%run_scoped3A_23 : memref<!tpu.dma_semaphore, #tpu.memory_space<semaphore_mem>>) src(%dma_wait3A_31 : memref<640x128xf32, #tpu.memory_space<hbm>>) dst(%dma_wait3A_29 : memref<640x128xf32, #tpu.memory_space<vmem_shared>>)
      tpu.yield
    }) : () -> ()
    %barrier3A = arith.constant 0 : index
    tpu.barrier barrier_id(%barrier3A)
    %dma_start3A = arith.constant 0 : i32
    %dma_start3A_5 = tpu.memref_slice %arg7[%dma_start3A] : memref<10000xi32, #tpu.memory_space<vmem>> -> memref<80xi32, #tpu.memory_space<vmem>>
    %dma_start3A_6 = arith.constant 0 : i32
    %dma_start3A_7 = arith.constant 0 : i32
    %dma_start3A_8 = tpu.memref_slice %arg2[%dma_start3A_6, %dma_start3A_7] : memref<10000x128xf32, #tpu.memory_space<hbm>> -> memref<10000x128xf32, #tpu.memory_space<hbm>>
    tpu.enqueue_indirect_dma source(%dma_start3A_8 : memref<10000x128xf32, #tpu.memory_space<hbm>>) target(%arg9 : memref<80x128xf32, #tpu.memory_space<vmem>>) offsets(%dma_start3A_5 : memref<80xi32, #tpu.memory_space<vmem>>) semaphore(%arg12 : memref<!tpu.dma_semaphore, #tpu.memory_space<semaphore_mem>>)
    %scan3A = arith.constant 0 : i32
    %scan3A_9 = arith.constant 0 : i32
    %scan3A_10 = arith.constant 62 : i32
    %scan3A_11 = arith.addi %scan3A_9, %scan3A_10 : i32
    %scan3A_12 = arith.constant 1 : i32
    scf.for %scan3A_23 = %scan3A_9 to %scan3A_11 step %scan3A_12  : i32 {
      %mul3A_24 = arith.constant 2 : i32
      %mul3A_25 = arith.muli %mul3A_24, %scan3A_23 : i32
      %add3A_26 = arith.constant 1 : i32
      %add3A_27 = arith.addi %mul3A_25, %add3A_26 : i32
      %mul3A_28 = arith.constant 80 : i32
      %mul3A_29 = arith.muli %add3A_27, %mul3A_28 : i32
      %dma_start3A_30 = tpu.memref_slice %arg7[%mul3A_29] : memref<10000xi32, #tpu.memory_space<vmem>> -> memref<80xi32, #tpu.memory_space<vmem>>
      %dma_start3A_31 = arith.constant 0 : i32
      %dma_start3A_32 = arith.constant 0 : i32
      %dma_start3A_33 = tpu.memref_slice %arg2[%dma_start3A_31, %dma_start3A_32] : memref<10000x128xf32, #tpu.memory_space<hbm>> -> memref<10000x128xf32, #tpu.memory_space<hbm>>
      tpu.enqueue_indirect_dma source(%dma_start3A_33 : memref<10000x128xf32, #tpu.memory_space<hbm>>) target(%arg10 : memref<80x128xf32, #tpu.memory_space<vmem>>) offsets(%dma_start3A_30 : memref<80xi32, #tpu.memory_space<vmem>>) semaphore(%arg12 : memref<!tpu.dma_semaphore, #tpu.memory_space<semaphore_mem>>)
      %mul3A_34 = arith.constant 80 : i32
      %mul3A_35 = arith.muli %mul3A_25, %mul3A_34 : i32
      %dma_wait3A_36 = tpu.memref_slice %arg7[%mul3A_35] : memref<10000xi32, #tpu.memory_space<vmem>> -> memref<80xi32, #tpu.memory_space<vmem>>
      %dma_wait3A_37 = arith.constant 0 : i32
      %dma_wait3A_38 = arith.constant 0 : i32
      %dma_wait3A_39 = tpu.memref_slice %arg2[%dma_wait3A_37, %dma_wait3A_38] : memref<10000x128xf32, #tpu.memory_space<hbm>> -> memref<10000x128xf32, #tpu.memory_space<hbm>>
      tpu.wait_indirect_dma semaphore(%arg12 : memref<!tpu.dma_semaphore, #tpu.memory_space<semaphore_mem>>) src(%dma_wait3A_39 : memref<10000x128xf32, #tpu.memory_space<hbm>>) dst(%arg9 : memref<80x128xf32, #tpu.memory_space<vmem>>)
      "tpu.region"() ({
        %run_scoped3A_58 = tpu.sem_alloc : memref<!tpu.dma_semaphore, #tpu.memory_space<semaphore_mem>>
        %dma_start3A_59 = arith.constant 0 : i32
        %dma_start3A_60 = tpu.memref_slice %arg8[%mul3A_25, %dma_start3A_59] : memref<125x80xi32, #tpu.memory_space<vmem>> -> memref<1x80xi32, #tpu.memory_space<vmem>>
        %dma_start3A_61 = tpu.memref_squeeze %dma_start3A_60 : memref<1x80xi32, #tpu.memory_space<vmem>> -> memref<80xi32, #tpu.memory_space<vmem>>
        %dma_start3A_62 = arith.constant 0 : i32
        %dma_start3A_63 = arith.constant 0 : i32
        %dma_start3A_64 = tpu.memref_slice %arg11[%dma_start3A_62, %dma_start3A_63] : memref<10240x128xf32, #tpu.memory_space<vmem_shared>> -> memref<10240x128xf32, #tpu.memory_space<vmem_shared>>
        tpu.enqueue_indirect_dma source(%arg9 : memref<80x128xf32, #tpu.memory_space<vmem>>) target(%dma_start3A_64 : memref<10240x128xf32, #tpu.memory_space<vmem_shared>>) offsets(%dma_start3A_61 : memref<80xi32, #tpu.memory_space<vmem>>) semaphore(%run_scoped3A_58 : memref<!tpu.dma_semaphore, #tpu.memory_space<semaphore_mem>>) {add = true}
        %dma_wait3A_65 = arith.constant 0 : i32
        %dma_wait3A_66 = tpu.memref_slice %arg8[%mul3A_25, %dma_wait3A_65] : memref<125x80xi32, #tpu.memory_space<vmem>> -> memref<1x80xi32, #tpu.memory_space<vmem>>
        %dma_wait3A_67 = tpu.memref_squeeze %dma_wait3A_66 : memref<1x80xi32, #tpu.memory_space<vmem>> -> memref<80xi32, #tpu.memory_space<vmem>>
        %dma_wait3A_68 = arith.constant 0 : i32
        %dma_wait3A_69 = arith.constant 0 : i32
        %dma_wait3A_70 = tpu.memref_slice %arg11[%dma_wait3A_68, %dma_wait3A_69] : memref<10240x128xf32, #tpu.memory_space<vmem_shared>> -> memref<10240x128xf32, #tpu.memory_space<vmem_shared>>
        tpu.wait_indirect_dma semaphore(%run_scoped3A_58 : memref<!tpu.dma_semaphore, #tpu.memory_space<semaphore_mem>>) src(%arg9 : memref<80x128xf32, #tpu.memory_space<vmem>>) dst(%dma_wait3A_70 : memref<10240x128xf32, #tpu.memory_space<vmem_shared>>)
        tpu.yield
      }) : () -> ()
      %add3A_40 = arith.constant 2 : i32
      %add3A_41 = arith.addi %mul3A_25, %add3A_40 : i32
      %mul3A_42 = arith.constant 80 : i32
      %mul3A_43 = arith.muli %add3A_41, %mul3A_42 : i32
      %dma_start3A_44 = tpu.memref_slice %arg7[%mul3A_43] : memref<10000xi32, #tpu.memory_space<vmem>> -> memref<80xi32, #tpu.memory_space<vmem>>
      %dma_start3A_45 = arith.constant 0 : i32
      %dma_start3A_46 = arith.constant 0 : i32
      %dma_start3A_47 = tpu.memref_slice %arg2[%dma_start3A_45, %dma_start3A_46] : memref<10000x128xf32, #tpu.memory_space<hbm>> -> memref<10000x128xf32, #tpu.memory_space<hbm>>
      tpu.enqueue_indirect_dma source(%dma_start3A_47 : memref<10000x128xf32, #tpu.memory_space<hbm>>) target(%arg9 : memref<80x128xf32, #tpu.memory_space<vmem>>) offsets(%dma_start3A_44 : memref<80xi32, #tpu.memory_space<vmem>>) semaphore(%arg12 : memref<!tpu.dma_semaphore, #tpu.memory_space<semaphore_mem>>)
      %add3A_48 = arith.constant 1 : i32
      %add3A_49 = arith.addi %mul3A_25, %add3A_48 : i32
      %mul3A_50 = arith.constant 80 : i32
      %mul3A_51 = arith.muli %add3A_49, %mul3A_50 : i32
      %dma_wait3A_52 = tpu.memref_slice %arg7[%mul3A_51] : memref<10000xi32, #tpu.memory_space<vmem>> -> memref<80xi32, #tpu.memory_space<vmem>>
      %dma_wait3A_53 = arith.constant 0 : i32
      %dma_wait3A_54 = arith.constant 0 : i32
      %dma_wait3A_55 = tpu.memref_slice %arg2[%dma_wait3A_53, %dma_wait3A_54] : memref<10000x128xf32, #tpu.memory_space<hbm>> -> memref<10000x128xf32, #tpu.memory_space<hbm>>
      tpu.wait_indirect_dma semaphore(%arg12 : memref<!tpu.dma_semaphore, #tpu.memory_space<semaphore_mem>>) src(%dma_wait3A_55 : memref<10000x128xf32, #tpu.memory_space<hbm>>) dst(%arg10 : memref<80x128xf32, #tpu.memory_space<vmem>>)
      %add3A_56 = arith.constant 1 : i32
      %add3A_57 = arith.addi %mul3A_25, %add3A_56 : i32
      "tpu.region"() ({
        %run_scoped3A_58 = tpu.sem_alloc : memref<!tpu.dma_semaphore, #tpu.memory_space<semaphore_mem>>
        %dma_start3A_59 = arith.constant 0 : i32
        %dma_start3A_60 = tpu.memref_slice %arg8[%add3A_57, %dma_start3A_59] : memref<125x80xi32, #tpu.memory_space<vmem>> -> memref<1x80xi32, #tpu.memory_space<vmem>>
        %dma_start3A_61 = tpu.memref_squeeze %dma_start3A_60 : memref<1x80xi32, #tpu.memory_space<vmem>> -> memref<80xi32, #tpu.memory_space<vmem>>
        %dma_start3A_62 = arith.constant 0 : i32
        %dma_start3A_63 = arith.constant 0 : i32
        %dma_start3A_64 = tpu.memref_slice %arg11[%dma_start3A_62, %dma_start3A_63] : memref<10240x128xf32, #tpu.memory_space<vmem_shared>> -> memref<10240x128xf32, #tpu.memory_space<vmem_shared>>
        tpu.enqueue_indirect_dma source(%arg10 : memref<80x128xf32, #tpu.memory_space<vmem>>) target(%dma_start3A_64 : memref<10240x128xf32, #tpu.memory_space<vmem_shared>>) offsets(%dma_start3A_61 : memref<80xi32, #tpu.memory_space<vmem>>) semaphore(%run_scoped3A_58 : memref<!tpu.dma_semaphore, #tpu.memory_space<semaphore_mem>>) {add = true}
        %dma_wait3A_65 = arith.constant 0 : i32
        %dma_wait3A_66 = tpu.memref_slice %arg8[%add3A_57, %dma_wait3A_65] : memref<125x80xi32, #tpu.memory_space<vmem>> -> memref<1x80xi32, #tpu.memory_space<vmem>>
        %dma_wait3A_67 = tpu.memref_squeeze %dma_wait3A_66 : memref<1x80xi32, #tpu.memory_space<vmem>> -> memref<80xi32, #tpu.memory_space<vmem>>
        %dma_wait3A_68 = arith.constant 0 : i32
        %dma_wait3A_69 = arith.constant 0 : i32
        %dma_wait3A_70 = tpu.memref_slice %arg11[%dma_wait3A_68, %dma_wait3A_69] : memref<10240x128xf32, #tpu.memory_space<vmem_shared>> -> memref<10240x128xf32, #tpu.memory_space<vmem_shared>>
        tpu.wait_indirect_dma semaphore(%run_scoped3A_58 : memref<!tpu.dma_semaphore, #tpu.memory_space<semaphore_mem>>) src(%arg10 : memref<80x128xf32, #tpu.memory_space<vmem>>) dst(%dma_wait3A_70 : memref<10240x128xf32, #tpu.memory_space<vmem_shared>>)
        tpu.yield
      }) : () -> ()
    }
    %scan3A_13 = arith.constant 62 : i32
    %dma_wait3A = arith.constant 9920 : i32
    %dma_wait3A_14 = tpu.memref_slice %arg7[%dma_wait3A] : memref<10000xi32, #tpu.memory_space<vmem>> -> memref<80xi32, #tpu.memory_space<vmem>>
    %dma_wait3A_15 = arith.constant 0 : i32
    %dma_wait3A_16 = arith.constant 0 : i32
    %dma_wait3A_17 = tpu.memref_slice %arg2[%dma_wait3A_15, %dma_wait3A_16] : memref<10000x128xf32, #tpu.memory_space<hbm>> -> memref<10000x128xf32, #tpu.memory_space<hbm>>
    tpu.wait_indirect_dma semaphore(%arg12 : memref<!tpu.dma_semaphore, #tpu.memory_space<semaphore_mem>>) src(%dma_wait3A_17 : memref<10000x128xf32, #tpu.memory_space<hbm>>) dst(%arg9 : memref<80x128xf32, #tpu.memory_space<vmem>>)
    %run_scoped3A = arith.constant 124 : i32
    "tpu.region"() ({
      %run_scoped3A_23 = tpu.sem_alloc : memref<!tpu.dma_semaphore, #tpu.memory_space<semaphore_mem>>
      %dma_start3A_24 = arith.constant 0 : i32
      %dma_start3A_25 = tpu.memref_slice %arg8[%run_scoped3A, %dma_start3A_24] : memref<125x80xi32, #tpu.memory_space<vmem>> -> memref<1x80xi32, #tpu.memory_space<vmem>>
      %dma_start3A_26 = tpu.memref_squeeze %dma_start3A_25 : memref<1x80xi32, #tpu.memory_space<vmem>> -> memref<80xi32, #tpu.memory_space<vmem>>
      %dma_start3A_27 = arith.constant 0 : i32
      %dma_start3A_28 = arith.constant 0 : i32
      %dma_start3A_29 = tpu.memref_slice %arg11[%dma_start3A_27, %dma_start3A_28] : memref<10240x128xf32, #tpu.memory_space<vmem_shared>> -> memref<10240x128xf32, #tpu.memory_space<vmem_shared>>
      tpu.enqueue_indirect_dma source(%arg9 : memref<80x128xf32, #tpu.memory_space<vmem>>) target(%dma_start3A_29 : memref<10240x128xf32, #tpu.memory_space<vmem_shared>>) offsets(%dma_start3A_26 : memref<80xi32, #tpu.memory_space<vmem>>) semaphore(%run_scoped3A_23 : memref<!tpu.dma_semaphore, #tpu.memory_space<semaphore_mem>>) {add = true}
      %dma_wait3A_30 = arith.constant 0 : i32
      %dma_wait3A_31 = tpu.memref_slice %arg8[%run_scoped3A, %dma_wait3A_30] : memref<125x80xi32, #tpu.memory_space<vmem>> -> memref<1x80xi32, #tpu.memory_space<vmem>>
      %dma_wait3A_32 = tpu.memref_squeeze %dma_wait3A_31 : memref<1x80xi32, #tpu.memory_space<vmem>> -> memref<80xi32, #tpu.memory_space<vmem>>
      %dma_wait3A_33 = arith.constant 0 : i32
      %dma_wait3A_34 = arith.constant 0 : i32
      %dma_wait3A_35 = tpu.memref_slice %arg11[%dma_wait3A_33, %dma_wait3A_34] : memref<10240x128xf32, #tpu.memory_space<vmem_shared>> -> memref<10240x128xf32, #tpu.memory_space<vmem_shared>>
      tpu.wait_indirect_dma semaphore(%run_scoped3A_23 : memref<!tpu.dma_semaphore, #tpu.memory_space<semaphore_mem>>) src(%arg9 : memref<80x128xf32, #tpu.memory_space<vmem>>) dst(%dma_wait3A_35 : memref<10240x128xf32, #tpu.memory_space<vmem_shared>>)
      tpu.yield
    }) : () -> ()
    %barrier3A_18 = arith.constant 0 : index
    tpu.barrier barrier_id(%barrier3A_18)
    %mul3A_19 = arith.constant 640 : i32
    %mul3A_20 = arith.muli %arg1, %mul3A_19 : i32
    %mul3A_21 = arith.constant 640 : i32
    %mul3A_22 = arith.muli %arg1, %mul3A_21 : i32
    "tpu.region"() ({
      %run_scoped3A_23 = tpu.sem_alloc : memref<!tpu.dma_semaphore, #tpu.memory_space<semaphore_mem>>
      %dma_start3A_24 = arith.constant 0 : i32
      %dma_start3A_25 = tpu.memref_slice %arg6[%arg0, %mul3A_22, %dma_start3A_24] : memref<2x10240x128xf32, #tpu.memory_space<hbm>> -> memref<1x640x128xf32, #tpu.memory_space<hbm>>
      %dma_start3A_26 = tpu.memref_squeeze %dma_start3A_25 : memref<1x640x128xf32, #tpu.memory_space<hbm>> -> memref<640x128xf32, #tpu.memory_space<hbm>>
      %dma_start3A_27 = arith.constant 0 : i32
      %dma_start3A_28 = tpu.memref_slice %arg11[%mul3A_20, %dma_start3A_27] : memref<10240x128xf32, #tpu.memory_space<vmem_shared>> -> memref<640x128xf32, #tpu.memory_space<vmem_shared>>
      tpu.enqueue_dma source(%dma_start3A_28 : memref<640x128xf32, #tpu.memory_space<vmem_shared>>) target(%dma_start3A_26 : memref<640x128xf32, #tpu.memory_space<hbm>>) target_semaphore(%run_scoped3A_23 : memref<!tpu.dma_semaphore, #tpu.memory_space<semaphore_mem>>)
      %dma_wait3A_29 = arith.constant 0 : i32
      %dma_wait3A_30 = tpu.memref_slice %arg6[%arg0, %mul3A_22, %dma_wait3A_29] : memref<2x10240x128xf32, #tpu.memory_space<hbm>> -> memref<1x640x128xf32, #tpu.memory_space<hbm>>
      %dma_wait3A_31 = tpu.memref_squeeze %dma_wait3A_30 : memref<1x640x128xf32, #tpu.memory_space<hbm>> -> memref<640x128xf32, #tpu.memory_space<hbm>>
      %dma_wait3A_32 = arith.constant 0 : i32
      %dma_wait3A_33 = tpu.memref_slice %arg11[%mul3A_20, %dma_wait3A_32] : memref<10240x128xf32, #tpu.memory_space<vmem_shared>> -> memref<640x128xf32, #tpu.memory_space<vmem_shared>>
      tpu.wait_dma2 semaphore(%run_scoped3A_23 : memref<!tpu.dma_semaphore, #tpu.memory_space<semaphore_mem>>) src(%dma_wait3A_33 : memref<640x128xf32, #tpu.memory_space<vmem_shared>>) dst(%dma_wait3A_31 : memref<640x128xf32, #tpu.memory_space<hbm>>)
      tpu.yield
    }) : () -> ()
    return
  }
}

#map = affine_map<(d0, d1) -> (0, 0)>
#map1 = affine_map<(d0, d1) -> (0, 0, 0)>
module attributes {stable_mosaic.version = 14 : i64} {
  func.func @_sc_agg_body(%arg0: i32, %arg1: i32, %arg2: memref<10000x128xf32, #tpu.memory_space<hbm>>, %arg3: memref<32x10000xi32, #tpu.memory_space<hbm>>, %arg4: memref<32x125x80xi32, #tpu.memory_space<hbm>>, %arg5: memref<10240x128xf32, #tpu.memory_space<hbm>>, %arg6: memref<2x10240x128xf32, #tpu.memory_space<hbm>>, %arg7: memref<10000xi32, #tpu.memory_space<vmem>>, %arg8: memref<125x80xi32, #tpu.memory_space<vmem>>, %arg9: memref<80x128xf32, #tpu.memory_space<vmem>>, %arg10: memref<80x128xf32, #tpu.memory_space<vmem>>, %arg11: memref<10240x128xf32, #tpu.memory_space<vmem_shared>>, %arg12: memref<!tpu.dma_semaphore, #tpu.memory_space<semaphore_mem>>) attributes {dimension_semantics = [#tpu.dimension_semantics<core_parallel>, #tpu.dimension_semantics<subcore_parallel>], iteration_bounds = array<i64: 2, 16>, scalar_prefetch = 0 : i64, scratch_operands = 6 : i64, tpu.core_type = #tpu.core_type<sc_vector_subcore>, window_params = [{transform_indices = #map}, {transform_indices = #map}, {transform_indices = #map1}, {transform_indices = #map}, {transform_indices = #map1}]} {
    %mul3A = arith.constant 16 : i32
    %mul3A_0 = arith.muli %arg0, %mul3A : i32
    %add3A = arith.addi %mul3A_0, %arg1 : i32
    "tpu.region"() ({
      %run_scoped3A_23 = tpu.sem_alloc : memref<!tpu.dma_semaphore, #tpu.memory_space<semaphore_mem>>
      %dma_start3A_24 = arith.constant 0 : i32
      %dma_start3A_25 = tpu.memref_slice %arg3[%add3A, %dma_start3A_24] : memref<32x10000xi32, #tpu.memory_space<hbm>> -> memref<1x10000xi32, #tpu.memory_space<hbm>>
      %dma_start3A_26 = tpu.memref_squeeze %dma_start3A_25 : memref<1x10000xi32, #tpu.memory_space<hbm>> -> memref<10000xi32, #tpu.memory_space<hbm>>
      %dma_start3A_27 = arith.constant 0 : i32
      %dma_start3A_28 = tpu.memref_slice %arg3[%add3A, %dma_start3A_27] : memref<32x10000xi32, #tpu.memory_space<hbm>> -> memref<1x10000xi32, #tpu.memory_space<hbm>>
      %dma_start3A_29 = tpu.memref_squeeze %dma_start3A_28 : memref<1x10000xi32, #tpu.memory_space<hbm>> -> memref<10000xi32, #tpu.memory_space<hbm>>
      tpu.enqueue_dma source(%dma_start3A_29 : memref<10000xi32, #tpu.memory_space<hbm>>) target(%arg7 : memref<10000xi32, #tpu.memory_space<vmem>>) target_semaphore(%run_scoped3A_23 : memref<!tpu.dma_semaphore, #tpu.memory_space<semaphore_mem>>)
      %dma_wait3A_30 = arith.constant 0 : i32
      %dma_wait3A_31 = tpu.memref_slice %arg3[%add3A, %dma_wait3A_30] : memref<32x10000xi32, #tpu.memory_space<hbm>> -> memref<1x10000xi32, #tpu.memory_space<hbm>>
      %dma_wait3A_32 = tpu.memref_squeeze %dma_wait3A_31 : memref<1x10000xi32, #tpu.memory_space<hbm>> -> memref<10000xi32, #tpu.memory_space<hbm>>
      %dma_wait3A_33 = arith.constant 0 : i32
      %dma_wait3A_34 = tpu.memref_slice %arg3[%add3A, %dma_wait3A_33] : memref<32x10000xi32, #tpu.memory_space<hbm>> -> memref<1x10000xi32, #tpu.memory_space<hbm>>
      %dma_wait3A_35 = tpu.memref_squeeze %dma_wait3A_34 : memref<1x10000xi32, #tpu.memory_space<hbm>> -> memref<10000xi32, #tpu.memory_space<hbm>>
      tpu.wait_dma2 semaphore(%run_scoped3A_23 : memref<!tpu.dma_semaphore, #tpu.memory_space<semaphore_mem>>) src(%dma_wait3A_35 : memref<10000xi32, #tpu.memory_space<hbm>>) dst(%arg7 : memref<10000xi32, #tpu.memory_space<vmem>>)
      tpu.yield
    }) : () -> ()
    "tpu.region"() ({
      %run_scoped3A_23 = tpu.sem_alloc : memref<!tpu.dma_semaphore, #tpu.memory_space<semaphore_mem>>
      %dma_start3A_24 = arith.constant 0 : i32
      %dma_start3A_25 = arith.constant 0 : i32
      %dma_start3A_26 = tpu.memref_slice %arg4[%add3A, %dma_start3A_24, %dma_start3A_25] : memref<32x125x80xi32, #tpu.memory_space<hbm>> -> memref<1x125x80xi32, #tpu.memory_space<hbm>>
      %dma_start3A_27 = tpu.memref_squeeze %dma_start3A_26 : memref<1x125x80xi32, #tpu.memory_space<hbm>> -> memref<125x80xi32, #tpu.memory_space<hbm>>
      %dma_start3A_28 = arith.constant 0 : i32
      %dma_start3A_29 = arith.constant 0 : i32
      %dma_start3A_30 = tpu.memref_slice %arg4[%add3A, %dma_start3A_28, %dma_start3A_29] : memref<32x125x80xi32, #tpu.memory_space<hbm>> -> memref<1x125x80xi32, #tpu.memory_space<hbm>>
      %dma_start3A_31 = tpu.memref_squeeze %dma_start3A_30 : memref<1x125x80xi32, #tpu.memory_space<hbm>> -> memref<125x80xi32, #tpu.memory_space<hbm>>
      tpu.enqueue_dma source(%dma_start3A_31 : memref<125x80xi32, #tpu.memory_space<hbm>>) target(%arg8 : memref<125x80xi32, #tpu.memory_space<vmem>>) target_semaphore(%run_scoped3A_23 : memref<!tpu.dma_semaphore, #tpu.memory_space<semaphore_mem>>)
      %dma_wait3A_32 = arith.constant 0 : i32
      %dma_wait3A_33 = arith.constant 0 : i32
      %dma_wait3A_34 = tpu.memref_slice %arg4[%add3A, %dma_wait3A_32, %dma_wait3A_33] : memref<32x125x80xi32, #tpu.memory_space<hbm>> -> memref<1x125x80xi32, #tpu.memory_space<hbm>>
      %dma_wait3A_35 = tpu.memref_squeeze %dma_wait3A_34 : memref<1x125x80xi32, #tpu.memory_space<hbm>> -> memref<125x80xi32, #tpu.memory_space<hbm>>
      %dma_wait3A_36 = arith.constant 0 : i32
      %dma_wait3A_37 = arith.constant 0 : i32
      %dma_wait3A_38 = tpu.memref_slice %arg4[%add3A, %dma_wait3A_36, %dma_wait3A_37] : memref<32x125x80xi32, #tpu.memory_space<hbm>> -> memref<1x125x80xi32, #tpu.memory_space<hbm>>
      %dma_wait3A_39 = tpu.memref_squeeze %dma_wait3A_38 : memref<1x125x80xi32, #tpu.memory_space<hbm>> -> memref<125x80xi32, #tpu.memory_space<hbm>>
      tpu.wait_dma2 semaphore(%run_scoped3A_23 : memref<!tpu.dma_semaphore, #tpu.memory_space<semaphore_mem>>) src(%dma_wait3A_39 : memref<125x80xi32, #tpu.memory_space<hbm>>) dst(%arg8 : memref<125x80xi32, #tpu.memory_space<vmem>>)
      tpu.yield
    }) : () -> ()
    %mul3A_1 = arith.constant 640 : i32
    %mul3A_2 = arith.muli %arg1, %mul3A_1 : i32
    %mul3A_3 = arith.constant 640 : i32
    %mul3A_4 = arith.muli %arg1, %mul3A_3 : i32
    "tpu.region"() ({
      %run_scoped3A_23 = tpu.sem_alloc : memref<!tpu.dma_semaphore, #tpu.memory_space<semaphore_mem>>
      %dma_start3A_24 = arith.constant 0 : i32
      %dma_start3A_25 = tpu.memref_slice %arg11[%mul3A_4, %dma_start3A_24] : memref<10240x128xf32, #tpu.memory_space<vmem_shared>> -> memref<640x128xf32, #tpu.memory_space<vmem_shared>>
      %dma_start3A_26 = arith.constant 0 : i32
      %dma_start3A_27 = tpu.memref_slice %arg5[%mul3A_2, %dma_start3A_26] : memref<10240x128xf32, #tpu.memory_space<hbm>> -> memref<640x128xf32, #tpu.memory_space<hbm>>
      tpu.enqueue_dma source(%dma_start3A_27 : memref<640x128xf32, #tpu.memory_space<hbm>>) target(%dma_start3A_25 : memref<640x128xf32, #tpu.memory_space<vmem_shared>>) target_semaphore(%run_scoped3A_23 : memref<!tpu.dma_semaphore, #tpu.memory_space<semaphore_mem>>)
      %dma_wait3A_28 = arith.constant 0 : i32
      %dma_wait3A_29 = tpu.memref_slice %arg11[%mul3A_4, %dma_wait3A_28] : memref<10240x128xf32, #tpu.memory_space<vmem_shared>> -> memref<640x128xf32, #tpu.memory_space<vmem_shared>>
      %dma_wait3A_30 = arith.constant 0 : i32
      %dma_wait3A_31 = tpu.memref_slice %arg5[%mul3A_2, %dma_wait3A_30] : memref<10240x128xf32, #tpu.memory_space<hbm>> -> memref<640x128xf32, #tpu.memory_space<hbm>>
      tpu.wait_dma2 semaphore(%run_scoped3A_23 : memref<!tpu.dma_semaphore, #tpu.memory_space<semaphore_mem>>) src(%dma_wait3A_31 : memref<640x128xf32, #tpu.memory_space<hbm>>) dst(%dma_wait3A_29 : memref<640x128xf32, #tpu.memory_space<vmem_shared>>)
      tpu.yield
    }) : () -> ()
    %barrier3A = arith.constant 0 : index
    tpu.barrier barrier_id(%barrier3A)
    %dma_start3A = arith.constant 0 : i32
    %dma_start3A_5 = tpu.memref_slice %arg7[%dma_start3A] : memref<10000xi32, #tpu.memory_space<vmem>> -> memref<80xi32, #tpu.memory_space<vmem>>
    %dma_start3A_6 = arith.constant 0 : i32
    %dma_start3A_7 = arith.constant 0 : i32
    %dma_start3A_8 = tpu.memref_slice %arg2[%dma_start3A_6, %dma_start3A_7] : memref<10000x128xf32, #tpu.memory_space<hbm>> -> memref<10000x128xf32, #tpu.memory_space<hbm>>
    tpu.enqueue_indirect_dma source(%dma_start3A_8 : memref<10000x128xf32, #tpu.memory_space<hbm>>) target(%arg9 : memref<80x128xf32, #tpu.memory_space<vmem>>) offsets(%dma_start3A_5 : memref<80xi32, #tpu.memory_space<vmem>>) semaphore(%arg12 : memref<!tpu.dma_semaphore, #tpu.memory_space<semaphore_mem>>)
    %scan3A = arith.constant 0 : i32
    %scan3A_9 = arith.constant 0 : i32
    %scan3A_10 = arith.constant 62 : i32
    %scan3A_11 = arith.addi %scan3A_9, %scan3A_10 : i32
    %scan3A_12 = arith.constant 1 : i32
    scf.for %scan3A_23 = %scan3A_9 to %scan3A_11 step %scan3A_12  : i32 {
      %mul3A_24 = arith.constant 2 : i32
      %mul3A_25 = arith.muli %mul3A_24, %scan3A_23 : i32
      %add3A_26 = arith.constant 1 : i32
      %add3A_27 = arith.addi %mul3A_25, %add3A_26 : i32
      %mul3A_28 = arith.constant 80 : i32
      %mul3A_29 = arith.muli %add3A_27, %mul3A_28 : i32
      %dma_start3A_30 = tpu.memref_slice %arg7[%mul3A_29] : memref<10000xi32, #tpu.memory_space<vmem>> -> memref<80xi32, #tpu.memory_space<vmem>>
      %dma_start3A_31 = arith.constant 0 : i32
      %dma_start3A_32 = arith.constant 0 : i32
      %dma_start3A_33 = tpu.memref_slice %arg2[%dma_start3A_31, %dma_start3A_32] : memref<10000x128xf32, #tpu.memory_space<hbm>> -> memref<10000x128xf32, #tpu.memory_space<hbm>>
      tpu.enqueue_indirect_dma source(%dma_start3A_33 : memref<10000x128xf32, #tpu.memory_space<hbm>>) target(%arg10 : memref<80x128xf32, #tpu.memory_space<vmem>>) offsets(%dma_start3A_30 : memref<80xi32, #tpu.memory_space<vmem>>) semaphore(%arg12 : memref<!tpu.dma_semaphore, #tpu.memory_space<semaphore_mem>>)
      %mul3A_34 = arith.constant 80 : i32
      %mul3A_35 = arith.muli %mul3A_25, %mul3A_34 : i32
      %dma_wait3A_36 = tpu.memref_slice %arg7[%mul3A_35] : memref<10000xi32, #tpu.memory_space<vmem>> -> memref<80xi32, #tpu.memory_space<vmem>>
      %dma_wait3A_37 = arith.constant 0 : i32
      %dma_wait3A_38 = arith.constant 0 : i32
      %dma_wait3A_39 = tpu.memref_slice %arg2[%dma_wait3A_37, %dma_wait3A_38] : memref<10000x128xf32, #tpu.memory_space<hbm>> -> memref<10000x128xf32, #tpu.memory_space<hbm>>
      tpu.wait_indirect_dma semaphore(%arg12 : memref<!tpu.dma_semaphore, #tpu.memory_space<semaphore_mem>>) src(%dma_wait3A_39 : memref<10000x128xf32, #tpu.memory_space<hbm>>) dst(%arg9 : memref<80x128xf32, #tpu.memory_space<vmem>>)
      "tpu.region"() ({
        %run_scoped3A_58 = tpu.sem_alloc : memref<!tpu.dma_semaphore, #tpu.memory_space<semaphore_mem>>
        %dma_start3A_59 = arith.constant 0 : i32
        %dma_start3A_60 = tpu.memref_slice %arg8[%mul3A_25, %dma_start3A_59] : memref<125x80xi32, #tpu.memory_space<vmem>> -> memref<1x80xi32, #tpu.memory_space<vmem>>
        %dma_start3A_61 = tpu.memref_squeeze %dma_start3A_60 : memref<1x80xi32, #tpu.memory_space<vmem>> -> memref<80xi32, #tpu.memory_space<vmem>>
        %dma_start3A_62 = arith.constant 0 : i32
        %dma_start3A_63 = arith.constant 0 : i32
        %dma_start3A_64 = tpu.memref_slice %arg11[%dma_start3A_62, %dma_start3A_63] : memref<10240x128xf32, #tpu.memory_space<vmem_shared>> -> memref<10240x128xf32, #tpu.memory_space<vmem_shared>>
        tpu.enqueue_indirect_dma source(%arg9 : memref<80x128xf32, #tpu.memory_space<vmem>>) target(%dma_start3A_64 : memref<10240x128xf32, #tpu.memory_space<vmem_shared>>) offsets(%dma_start3A_61 : memref<80xi32, #tpu.memory_space<vmem>>) semaphore(%run_scoped3A_58 : memref<!tpu.dma_semaphore, #tpu.memory_space<semaphore_mem>>) {add = true}
        %dma_wait3A_65 = arith.constant 0 : i32
        %dma_wait3A_66 = tpu.memref_slice %arg8[%mul3A_25, %dma_wait3A_65] : memref<125x80xi32, #tpu.memory_space<vmem>> -> memref<1x80xi32, #tpu.memory_space<vmem>>
        %dma_wait3A_67 = tpu.memref_squeeze %dma_wait3A_66 : memref<1x80xi32, #tpu.memory_space<vmem>> -> memref<80xi32, #tpu.memory_space<vmem>>
        %dma_wait3A_68 = arith.constant 0 : i32
        %dma_wait3A_69 = arith.constant 0 : i32
        %dma_wait3A_70 = tpu.memref_slice %arg11[%dma_wait3A_68, %dma_wait3A_69] : memref<10240x128xf32, #tpu.memory_space<vmem_shared>> -> memref<10240x128xf32, #tpu.memory_space<vmem_shared>>
        tpu.wait_indirect_dma semaphore(%run_scoped3A_58 : memref<!tpu.dma_semaphore, #tpu.memory_space<semaphore_mem>>) src(%arg9 : memref<80x128xf32, #tpu.memory_space<vmem>>) dst(%dma_wait3A_70 : memref<10240x128xf32, #tpu.memory_space<vmem_shared>>)
        tpu.yield
      }) : () -> ()
      %add3A_40 = arith.constant 2 : i32
      %add3A_41 = arith.addi %mul3A_25, %add3A_40 : i32
      %mul3A_42 = arith.constant 80 : i32
      %mul3A_43 = arith.muli %add3A_41, %mul3A_42 : i32
      %dma_start3A_44 = tpu.memref_slice %arg7[%mul3A_43] : memref<10000xi32, #tpu.memory_space<vmem>> -> memref<80xi32, #tpu.memory_space<vmem>>
      %dma_start3A_45 = arith.constant 0 : i32
      %dma_start3A_46 = arith.constant 0 : i32
      %dma_start3A_47 = tpu.memref_slice %arg2[%dma_start3A_45, %dma_start3A_46] : memref<10000x128xf32, #tpu.memory_space<hbm>> -> memref<10000x128xf32, #tpu.memory_space<hbm>>
      tpu.enqueue_indirect_dma source(%dma_start3A_47 : memref<10000x128xf32, #tpu.memory_space<hbm>>) target(%arg9 : memref<80x128xf32, #tpu.memory_space<vmem>>) offsets(%dma_start3A_44 : memref<80xi32, #tpu.memory_space<vmem>>) semaphore(%arg12 : memref<!tpu.dma_semaphore, #tpu.memory_space<semaphore_mem>>)
      %add3A_48 = arith.constant 1 : i32
      %add3A_49 = arith.addi %mul3A_25, %add3A_48 : i32
      %mul3A_50 = arith.constant 80 : i32
      %mul3A_51 = arith.muli %add3A_49, %mul3A_50 : i32
      %dma_wait3A_52 = tpu.memref_slice %arg7[%mul3A_51] : memref<10000xi32, #tpu.memory_space<vmem>> -> memref<80xi32, #tpu.memory_space<vmem>>
      %dma_wait3A_53 = arith.constant 0 : i32
      %dma_wait3A_54 = arith.constant 0 : i32
      %dma_wait3A_55 = tpu.memref_slice %arg2[%dma_wait3A_53, %dma_wait3A_54] : memref<10000x128xf32, #tpu.memory_space<hbm>> -> memref<10000x128xf32, #tpu.memory_space<hbm>>
      tpu.wait_indirect_dma semaphore(%arg12 : memref<!tpu.dma_semaphore, #tpu.memory_space<semaphore_mem>>) src(%dma_wait3A_55 : memref<10000x128xf32, #tpu.memory_space<hbm>>) dst(%arg10 : memref<80x128xf32, #tpu.memory_space<vmem>>)
      %add3A_56 = arith.constant 1 : i32
      %add3A_57 = arith.addi %mul3A_25, %add3A_56 : i32
      "tpu.region"() ({
        %run_scoped3A_58 = tpu.sem_alloc : memref<!tpu.dma_semaphore, #tpu.memory_space<semaphore_mem>>
        %dma_start3A_59 = arith.constant 0 : i32
        %dma_start3A_60 = tpu.memref_slice %arg8[%add3A_57, %dma_start3A_59] : memref<125x80xi32, #tpu.memory_space<vmem>> -> memref<1x80xi32, #tpu.memory_space<vmem>>
        %dma_start3A_61 = tpu.memref_squeeze %dma_start3A_60 : memref<1x80xi32, #tpu.memory_space<vmem>> -> memref<80xi32, #tpu.memory_space<vmem>>
        %dma_start3A_62 = arith.constant 0 : i32
        %dma_start3A_63 = arith.constant 0 : i32
        %dma_start3A_64 = tpu.memref_slice %arg11[%dma_start3A_62, %dma_start3A_63] : memref<10240x128xf32, #tpu.memory_space<vmem_shared>> -> memref<10240x128xf32, #tpu.memory_space<vmem_shared>>
        tpu.enqueue_indirect_dma source(%arg10 : memref<80x128xf32, #tpu.memory_space<vmem>>) target(%dma_start3A_64 : memref<10240x128xf32, #tpu.memory_space<vmem_shared>>) offsets(%dma_start3A_61 : memref<80xi32, #tpu.memory_space<vmem>>) semaphore(%run_scoped3A_58 : memref<!tpu.dma_semaphore, #tpu.memory_space<semaphore_mem>>) {add = true}
        %dma_wait3A_65 = arith.constant 0 : i32
        %dma_wait3A_66 = tpu.memref_slice %arg8[%add3A_57, %dma_wait3A_65] : memref<125x80xi32, #tpu.memory_space<vmem>> -> memref<1x80xi32, #tpu.memory_space<vmem>>
        %dma_wait3A_67 = tpu.memref_squeeze %dma_wait3A_66 : memref<1x80xi32, #tpu.memory_space<vmem>> -> memref<80xi32, #tpu.memory_space<vmem>>
        %dma_wait3A_68 = arith.constant 0 : i32
        %dma_wait3A_69 = arith.constant 0 : i32
        %dma_wait3A_70 = tpu.memref_slice %arg11[%dma_wait3A_68, %dma_wait3A_69] : memref<10240x128xf32, #tpu.memory_space<vmem_shared>> -> memref<10240x128xf32, #tpu.memory_space<vmem_shared>>
        tpu.wait_indirect_dma semaphore(%run_scoped3A_58 : memref<!tpu.dma_semaphore, #tpu.memory_space<semaphore_mem>>) src(%arg10 : memref<80x128xf32, #tpu.memory_space<vmem>>) dst(%dma_wait3A_70 : memref<10240x128xf32, #tpu.memory_space<vmem_shared>>)
        tpu.yield
      }) : () -> ()
    }
    %scan3A_13 = arith.constant 62 : i32
    %dma_wait3A = arith.constant 9920 : i32
    %dma_wait3A_14 = tpu.memref_slice %arg7[%dma_wait3A] : memref<10000xi32, #tpu.memory_space<vmem>> -> memref<80xi32, #tpu.memory_space<vmem>>
    %dma_wait3A_15 = arith.constant 0 : i32
    %dma_wait3A_16 = arith.constant 0 : i32
    %dma_wait3A_17 = tpu.memref_slice %arg2[%dma_wait3A_15, %dma_wait3A_16] : memref<10000x128xf32, #tpu.memory_space<hbm>> -> memref<10000x128xf32, #tpu.memory_space<hbm>>
    tpu.wait_indirect_dma semaphore(%arg12 : memref<!tpu.dma_semaphore, #tpu.memory_space<semaphore_mem>>) src(%dma_wait3A_17 : memref<10000x128xf32, #tpu.memory_space<hbm>>) dst(%arg9 : memref<80x128xf32, #tpu.memory_space<vmem>>)
    %run_scoped3A = arith.constant 124 : i32
    "tpu.region"() ({
      %run_scoped3A_23 = tpu.sem_alloc : memref<!tpu.dma_semaphore, #tpu.memory_space<semaphore_mem>>
      %dma_start3A_24 = arith.constant 0 : i32
      %dma_start3A_25 = tpu.memref_slice %arg8[%run_scoped3A, %dma_start3A_24] : memref<125x80xi32, #tpu.memory_space<vmem>> -> memref<1x80xi32, #tpu.memory_space<vmem>>
      %dma_start3A_26 = tpu.memref_squeeze %dma_start3A_25 : memref<1x80xi32, #tpu.memory_space<vmem>> -> memref<80xi32, #tpu.memory_space<vmem>>
      %dma_start3A_27 = arith.constant 0 : i32
      %dma_start3A_28 = arith.constant 0 : i32
      %dma_start3A_29 = tpu.memref_slice %arg11[%dma_start3A_27, %dma_start3A_28] : memref<10240x128xf32, #tpu.memory_space<vmem_shared>> -> memref<10240x128xf32, #tpu.memory_space<vmem_shared>>
      tpu.enqueue_indirect_dma source(%arg9 : memref<80x128xf32, #tpu.memory_space<vmem>>) target(%dma_start3A_29 : memref<10240x128xf32, #tpu.memory_space<vmem_shared>>) offsets(%dma_start3A_26 : memref<80xi32, #tpu.memory_space<vmem>>) semaphore(%run_scoped3A_23 : memref<!tpu.dma_semaphore, #tpu.memory_space<semaphore_mem>>) {add = true}
      %dma_wait3A_30 = arith.constant 0 : i32
      %dma_wait3A_31 = tpu.memref_slice %arg8[%run_scoped3A, %dma_wait3A_30] : memref<125x80xi32, #tpu.memory_space<vmem>> -> memref<1x80xi32, #tpu.memory_space<vmem>>
      %dma_wait3A_32 = tpu.memref_squeeze %dma_wait3A_31 : memref<1x80xi32, #tpu.memory_space<vmem>> -> memref<80xi32, #tpu.memory_space<vmem>>
      %dma_wait3A_33 = arith.constant 0 : i32
      %dma_wait3A_34 = arith.constant 0 : i32
      %dma_wait3A_35 = tpu.memref_slice %arg11[%dma_wait3A_33, %dma_wait3A_34] : memref<10240x128xf32, #tpu.memory_space<vmem_shared>> -> memref<10240x128xf32, #tpu.memory_space<vmem_shared>>
      tpu.wait_indirect_dma semaphore(%run_scoped3A_23 : memref<!tpu.dma_semaphore, #tpu.memory_space<semaphore_mem>>) src(%arg9 : memref<80x128xf32, #tpu.memory_space<vmem>>) dst(%dma_wait3A_35 : memref<10240x128xf32, #tpu.memory_space<vmem_shared>>)
      tpu.yield
    }) : () -> ()
    %barrier3A_18 = arith.constant 0 : index
    tpu.barrier barrier_id(%barrier3A_18)
    %mul3A_19 = arith.constant 640 : i32
    %mul3A_20 = arith.muli %arg1, %mul3A_19 : i32
    %mul3A_21 = arith.constant 640 : i32
    %mul3A_22 = arith.muli %arg1, %mul3A_21 : i32
    "tpu.region"() ({
      %run_scoped3A_23 = tpu.sem_alloc : memref<!tpu.dma_semaphore, #tpu.memory_space<semaphore_mem>>
      %dma_start3A_24 = arith.constant 0 : i32
      %dma_start3A_25 = tpu.memref_slice %arg6[%arg0, %mul3A_22, %dma_start3A_24] : memref<2x10240x128xf32, #tpu.memory_space<hbm>> -> memref<1x640x128xf32, #tpu.memory_space<hbm>>
      %dma_start3A_26 = tpu.memref_squeeze %dma_start3A_25 : memref<1x640x128xf32, #tpu.memory_space<hbm>> -> memref<640x128xf32, #tpu.memory_space<hbm>>
      %dma_start3A_27 = arith.constant 0 : i32
      %dma_start3A_28 = tpu.memref_slice %arg11[%mul3A_20, %dma_start3A_27] : memref<10240x128xf32, #tpu.memory_space<vmem_shared>> -> memref<640x128xf32, #tpu.memory_space<vmem_shared>>
      tpu.enqueue_dma source(%dma_start3A_28 : memref<640x128xf32, #tpu.memory_space<vmem_shared>>) target(%dma_start3A_26 : memref<640x128xf32, #tpu.memory_space<hbm>>) target_semaphore(%run_scoped3A_23 : memref<!tpu.dma_semaphore, #tpu.memory_space<semaphore_mem>>)
      %dma_wait3A_29 = arith.constant 0 : i32
      %dma_wait3A_30 = tpu.memref_slice %arg6[%arg0, %mul3A_22, %dma_wait3A_29] : memref<2x10240x128xf32, #tpu.memory_space<hbm>> -> memref<1x640x128xf32, #tpu.memory_space<hbm>>
      %dma_wait3A_31 = tpu.memref_squeeze %dma_wait3A_30 : memref<1x640x128xf32, #tpu.memory_space<hbm>> -> memref<640x128xf32, #tpu.memory_space<hbm>>
      %dma_wait3A_32 = arith.constant 0 : i32
      %dma_wait3A_33 = tpu.memref_slice %arg11[%mul3A_20, %dma_wait3A_32] : memref<10240x128xf32, #tpu.memory_space<vmem_shared>> -> memref<640x128xf32, #tpu.memory_space<vmem_shared>>
      tpu.wait_dma2 semaphore(%run_scoped3A_23 : memref<!tpu.dma_semaphore, #tpu.memory_space<semaphore_mem>>) src(%dma_wait3A_33 : memref<640x128xf32, #tpu.memory_space<vmem_shared>>) dst(%dma_wait3A_31 : memref<640x128xf32, #tpu.memory_space<hbm>>)
      tpu.yield
    }) : () -> ()
    return
  }
}

module attributes {stable_mosaic.version = 14 : i64} {
  func.func @_tc_y_body(%arg0: i32, %arg1: memref<2000x128xf32, #tpu.memory_space<vmem>>, %arg2: memref<128x128xf32, #tpu.memory_space<vmem>>, %arg3: memref<128xf32, #tpu.memory_space<vmem>>, %arg4: memref<2000x128xf32, #tpu.memory_space<vmem>>, %arg5: memref<2000x128xf32, #tpu.memory_space<vmem>>, %arg6: memref<2000x128xf32, #tpu.memory_space<vmem>>, %arg7: memref<2000x128xf32, #tpu.memory_space<vmem>>) attributes {dimension_semantics = [#tpu.dimension_semantics<arbitrary>], iteration_bounds = array<i64: 5>, scalar_prefetch = 0 : i64, scratch_operands = 0 : i64, tpu.core_type = #tpu.core_type<tc>, window_params = [{transform_indices = @transform_0, window_bounds = array<i64: 2000, 128>}, {pipeline_mode = #tpu.pipeline_mode<synchronous>, transform_indices = @transform_1, window_bounds = array<i64: 128, 128>}, {pipeline_mode = #tpu.pipeline_mode<synchronous>, transform_indices = @transform_2, window_bounds = array<i64: 128>}, {transform_indices = @transform_3, window_bounds = array<i64: 2000, 128>}, {transform_indices = @transform_4, window_bounds = array<i64: 2000, 128>}, {transform_indices = @transform_5, window_bounds = array<i64: 2000, 128>}, {transform_indices = @transform_6, window_bounds = array<i64: 2000, 128>}]} {
    %get3A = arith.constant 0 : index
    %get3A_0 = arith.constant 0 : index
    %get3A_1 = vector.load %arg4[%get3A, %get3A_0] : memref<2000x128xf32, #tpu.memory_space<vmem>>, vector<2000x128xf32>
    %get3A_2 = arith.constant 0 : index
    %get3A_3 = arith.constant 0 : index
    %get3A_4 = vector.load %arg5[%get3A_2, %get3A_3] : memref<2000x128xf32, #tpu.memory_space<vmem>>, vector<2000x128xf32>
    %slice3A = vector.extract_strided_slice %get3A_1 {offsets = [0, 0], sizes = [2000, 1], strides = [1, 1]} : vector<2000x128xf32> to vector<2000x1xf32>
    %slice3A_5 = vector.extract_strided_slice %get3A_4 {offsets = [0, 0], sizes = [2000, 1], strides = [1, 1]} : vector<2000x128xf32> to vector<2000x1xf32>
    %add3A = arith.addf %slice3A, %slice3A_5 : vector<2000x1xf32>
    %add3A_6 = arith.constant 1.000000e+00 : f32
    %add3A_7 = vector.broadcast %add3A_6 : f32 to vector<2000x1xf32>
    %add3A_8 = arith.addf %add3A, %add3A_7 : vector<2000x1xf32>
    %rsqrt3A = math.rsqrt %add3A_8 : vector<2000x1xf32>
    %mul3A = arith.mulf %rsqrt3A, %rsqrt3A : vector<2000x1xf32>
    %get3A_9 = arith.constant 0 : index
    %get3A_10 = arith.constant 0 : index
    %get3A_11 = vector.load %arg1[%get3A_9, %get3A_10] : memref<2000x128xf32, #tpu.memory_space<vmem>>, vector<2000x128xf32>
    %get3A_12 = arith.constant 0 : index
    %get3A_13 = arith.constant 0 : index
    %get3A_14 = vector.load %arg2[%get3A_12, %get3A_13] : memref<128x128xf32, #tpu.memory_space<vmem>>, vector<128x128xf32>
    %dot_general3A = arith.constant dense<0.000000e+00> : vector<2000x128xf32>
    %dot_general3A_15 = tpu.matmul %get3A_11, %get3A_14, %dot_general3A {dimension_numbers = #tpu.dot_dimension_numbers<[1], [0], [0], [1], [0, 0, 1, 1], [], []>, precision = #tpu.contract_precision<fp32>, transpose_lhs_hint = false} : vector<2000x128xf32>, vector<128x128xf32>, vector<2000x128xf32> -> vector<2000x128xf32>
    %mul3A_16 = vector.broadcast %rsqrt3A : vector<2000x1xf32> to vector<2000x128xf32>
    %mul3A_17 = arith.mulf %dot_general3A_15, %mul3A_16 : vector<2000x128xf32>
    %swap3A = arith.constant 0 : index
    %swap3A_18 = arith.constant 0 : index
    %swap3A_19 = vector.load %arg6[%swap3A, %swap3A_18] : memref<2000x128xf32, #tpu.memory_space<vmem>>, vector<2000x128xf32>
    tpu.vector_store %arg6[%swap3A, %swap3A_18], %mul3A_17 {strides = array<i32>} : memref<2000x128xf32, #tpu.memory_space<vmem>>, vector<2000x128xf32>,
    %mul3A_20 = vector.broadcast %mul3A : vector<2000x1xf32> to vector<2000x128xf32>
    %mul3A_21 = arith.mulf %dot_general3A_15, %mul3A_20 : vector<2000x128xf32>
    %get3A_22 = arith.constant 0 : index
    %get3A_23 = vector.load %arg3[%get3A_22] : memref<128xf32, #tpu.memory_space<vmem>>, vector<128xf32>
    %broadcast_in_dim3A = vector.shape_cast %get3A_23 : vector<128xf32> to vector<1x128xf32>
    %add3A_24 = vector.broadcast %broadcast_in_dim3A : vector<1x128xf32> to vector<2000x128xf32>
    %add3A_25 = arith.addf %mul3A_21, %add3A_24 : vector<2000x128xf32>
    %swap3A_26 = arith.constant 0 : index
    %swap3A_27 = arith.constant 0 : index
    %swap3A_28 = vector.load %arg7[%swap3A_26, %swap3A_27] : memref<2000x128xf32, #tpu.memory_space<vmem>>, vector<2000x128xf32>
    tpu.vector_store %arg7[%swap3A_26, %swap3A_27], %add3A_25 {strides = array<i32>} : memref<2000x128xf32, #tpu.memory_space<vmem>>, vector<2000x128xf32>,
    return
  }
  func.func @transform_0(%arg0: i32) -> (i32, i32) {
    %c0_i32 = arith.constant 0 : i32
    %c0_i32_0 = arith.constant 0 : i32
    return %arg0, %c0_i32 : i32, i32
  }
  func.func @transform_1(%arg0: i32) -> (i32, i32) {
    %c0_i32 = arith.constant 0 : i32
    %c0_i32_0 = arith.constant 0 : i32
    %c0_i32_1 = arith.constant 0 : i32
    return %c0_i32, %c0_i32_0 : i32, i32
  }
  func.func @transform_2(%arg0: i32) -> i32 {
    %c0_i32 = arith.constant 0 : i32
    %c0_i32_0 = arith.constant 0 : i32
    return %c0_i32 : i32
  }
  func.func @transform_3(%arg0: i32) -> (i32, i32) {
    %c0_i32 = arith.constant 0 : i32
    %c0_i32_0 = arith.constant 0 : i32
    return %arg0, %c0_i32 : i32, i32
  }
  func.func @transform_4(%arg0: i32) -> (i32, i32) {
    %c0_i32 = arith.constant 0 : i32
    %c0_i32_0 = arith.constant 0 : i32
    return %arg0, %c0_i32 : i32, i32
  }
  func.func @transform_5(%arg0: i32) -> (i32, i32) {
    %c0_i32 = arith.constant 0 : i32
    %c0_i32_0 = arith.constant 0 : i32
    return %arg0, %c0_i32 : i32, i32
  }
  func.func @transform_6(%arg0: i32) -> (i32, i32) {
    %c0_i32 = arith.constant 0 : i32
    %c0_i32_0 = arith.constant 0 : i32
    return %arg0, %c0_i32 : i32, i32
  }
}

module attributes {stable_mosaic.version = 14 : i64} {
  func.func @_tc_hrelu_body(%arg0: i32, %arg1: memref<2000x128xf32, #tpu.memory_space<vmem>>, %arg2: memref<2000x128xf32, #tpu.memory_space<vmem>>, %arg3: memref<2000x128xf32, #tpu.memory_space<vmem>>, %arg4: memref<2000x128xf32, #tpu.memory_space<vmem>>, %arg5: memref<2000x128xf32, #tpu.memory_space<vmem>>, %arg6: memref<2000x128xf32, #tpu.memory_space<vmem>>) attributes {dimension_semantics = [#tpu.dimension_semantics<arbitrary>], iteration_bounds = array<i64: 5>, scalar_prefetch = 0 : i64, scratch_operands = 0 : i64, tpu.core_type = #tpu.core_type<tc>, window_params = [{transform_indices = @transform_0, window_bounds = array<i64: 2000, 128>}, {transform_indices = @transform_1, window_bounds = array<i64: 2000, 128>}, {transform_indices = @transform_2, window_bounds = array<i64: 2000, 128>}, {transform_indices = @transform_3, window_bounds = array<i64: 2000, 128>}, {transform_indices = @transform_4, window_bounds = array<i64: 2000, 128>}, {transform_indices = @transform_5, window_bounds = array<i64: 2000, 128>}]} {
    %get3A = arith.constant 0 : index
    %get3A_0 = arith.constant 0 : index
    %get3A_1 = vector.load %arg4[%get3A, %get3A_0] : memref<2000x128xf32, #tpu.memory_space<vmem>>, vector<2000x128xf32>
    %get3A_2 = arith.constant 0 : index
    %get3A_3 = arith.constant 0 : index
    %get3A_4 = vector.load %arg5[%get3A_2, %get3A_3] : memref<2000x128xf32, #tpu.memory_space<vmem>>, vector<2000x128xf32>
    %slice3A = vector.extract_strided_slice %get3A_1 {offsets = [0, 0], sizes = [2000, 1], strides = [1, 1]} : vector<2000x128xf32> to vector<2000x1xf32>
    %slice3A_5 = vector.extract_strided_slice %get3A_4 {offsets = [0, 0], sizes = [2000, 1], strides = [1, 1]} : vector<2000x128xf32> to vector<2000x1xf32>
    %add3A = arith.addf %slice3A, %slice3A_5 : vector<2000x1xf32>
    %add3A_6 = arith.constant 1.000000e+00 : f32
    %add3A_7 = vector.broadcast %add3A_6 : f32 to vector<2000x1xf32>
    %add3A_8 = arith.addf %add3A, %add3A_7 : vector<2000x1xf32>
    %rsqrt3A = math.rsqrt %add3A_8 : vector<2000x1xf32>
    %get3A_9 = arith.constant 0 : index
    %get3A_10 = arith.constant 0 : index
    %get3A_11 = vector.load %arg1[%get3A_9, %get3A_10] : memref<2000x128xf32, #tpu.memory_space<vmem>>, vector<2000x128xf32>
    %get3A_12 = arith.constant 0 : index
    %get3A_13 = arith.constant 0 : index
    %get3A_14 = vector.load %arg2[%get3A_12, %get3A_13] : memref<2000x128xf32, #tpu.memory_space<vmem>>, vector<2000x128xf32>
    %add3A_15 = arith.addf %get3A_11, %get3A_14 : vector<2000x128xf32>
    %mul3A = vector.broadcast %rsqrt3A : vector<2000x1xf32> to vector<2000x128xf32>
    %mul3A_16 = arith.mulf %mul3A, %add3A_15 : vector<2000x128xf32>
    %get3A_17 = arith.constant 0 : index
    %get3A_18 = arith.constant 0 : index
    %get3A_19 = vector.load %arg3[%get3A_17, %get3A_18] : memref<2000x128xf32, #tpu.memory_space<vmem>>, vector<2000x128xf32>
    %add3A_20 = arith.addf %mul3A_16, %get3A_19 : vector<2000x128xf32>
    %max3A = arith.constant 0.000000e+00 : f32
    %max3A_21 = vector.broadcast %max3A : f32 to vector<2000x128xf32>
    %max3A_22 = arith.maximumf %add3A_20, %max3A_21 : vector<2000x128xf32>
    %swap3A = arith.constant 0 : index
    %swap3A_23 = arith.constant 0 : index
    %swap3A_24 = vector.load %arg6[%swap3A, %swap3A_23] : memref<2000x128xf32, #tpu.memory_space<vmem>>, vector<2000x128xf32>
    tpu.vector_store %arg6[%swap3A, %swap3A_23], %max3A_22 {strides = array<i32>} : memref<2000x128xf32, #tpu.memory_space<vmem>>, vector<2000x128xf32>,
    return
  }
  func.func @transform_0(%arg0: i32) -> (i32, i32) {
    %c0_i32 = arith.constant 0 : i32
    %c0_i32_0 = arith.constant 0 : i32
    return %arg0, %c0_i32 : i32, i32
  }
  func.func @transform_1(%arg0: i32) -> (i32, i32) {
    %c0_i32 = arith.constant 0 : i32
    %c0_i32_0 = arith.constant 0 : i32
    return %arg0, %c0_i32 : i32, i32
  }
  func.func @transform_2(%arg0: i32) -> (i32, i32) {
    %c0_i32 = arith.constant 0 : i32
    %c0_i32_0 = arith.constant 0 : i32
    return %arg0, %c0_i32 : i32, i32
  }
  func.func @transform_3(%arg0: i32) -> (i32, i32) {
    %c0_i32 = arith.constant 0 : i32
    %c0_i32_0 = arith.constant 0 : i32
    return %arg0, %c0_i32 : i32, i32
  }
  func.func @transform_4(%arg0: i32) -> (i32, i32) {
    %c0_i32 = arith.constant 0 : i32
    %c0_i32_0 = arith.constant 0 : i32
    return %arg0, %c0_i32 : i32, i32
  }
  func.func @transform_5(%arg0: i32) -> (i32, i32) {
    %c0_i32 = arith.constant 0 : i32
    %c0_i32_0 = arith.constant 0 : i32
    return %arg0, %c0_i32 : i32, i32
  }
}

module attributes {stable_mosaic.version = 14 : i64} {
  func.func @_tc_kmeans_body(%arg0: i32, %arg1: i32, %arg2: memref<2000x128xf32, #tpu.memory_space<vmem>>, %arg3: memref<2000x1xi32, #tpu.memory_space<vmem>>, %arg4: memref<2000x1xi32, #tpu.memory_space<vmem>>, %arg5: memref<5x16x128xf32, #tpu.memory_space<vmem>>, %arg6: memref<80x128xf32, #tpu.memory_space<vmem>>, %arg7: memref<80x1xf32, #tpu.memory_space<vmem>>, %arg8: memref<16x640xf32, #tpu.memory_space<vmem>>) attributes {dimension_semantics = [#tpu.dimension_semantics<arbitrary>, #tpu.dimension_semantics<arbitrary>], iteration_bounds = array<i64: 11, 5>, scalar_prefetch = 0 : i64, scratch_operands = 3 : i64, tpu.core_type = #tpu.core_type<tc>, window_params = [{transform_indices = @transform_0, window_bounds = array<i64: 2000, 128>}, {transform_indices = @transform_1, window_bounds = array<i64: 2000, 1>}, {transform_indices = @transform_2, window_bounds = array<i64: 2000, 1>}, {pipeline_mode = #tpu.pipeline_mode<synchronous>, transform_indices = @transform_3, window_bounds = array<i64: 5, 16, 128>}]} {
    %get3A = arith.constant 0 : index
    %get3A_0 = arith.constant 0 : index
    %get3A_1 = vector.load %arg2[%get3A, %get3A_0] : memref<2000x128xf32, #tpu.memory_space<vmem>>, vector<2000x128xf32>
    %get3A_2 = arith.constant 0 : index
    %get3A_3 = arith.constant 0 : index
    %get3A_4 = vector.load %arg3[%get3A_2, %get3A_3] : memref<2000x1xi32, #tpu.memory_space<vmem>>, vector<2000x1xi32>
    %iota3A = tpu.iota {dimensions = array<i32: 1>} : vector<2000x16xi32>
    %eq3A = vector.broadcast %get3A_4 : vector<2000x1xi32> to vector<2000x16xi32>
    %eq3A_5 = arith.cmpi eq, %eq3A, %iota3A : vector<2000x16xi32>
    %jit3A = arith.constant 1.000000e+00 : f32
    %jit3A_6 = arith.constant 0.000000e+00 : f32
    %broadcast_in_dim3A = vector.broadcast %jit3A : f32 to vector<2000x16xf32>
    %broadcast_in_dim3A_7 = vector.broadcast %jit3A_6 : f32 to vector<2000x16xf32>
    %select_n3A = arith.select %eq3A_5, %broadcast_in_dim3A, %broadcast_in_dim3A_7 : vector<2000x16xi1>, vector<2000x16xf32>
    %iota3A_8 = tpu.iota {dimensions = array<i32: 1>} : vector<2000x80xi32>
    %broadcast_in_dim3A_9 = arith.constant 1.000000e+00 : f32
    %broadcast_in_dim3A_10 = vector.broadcast %broadcast_in_dim3A_9 : f32 to vector<2000x1xf32>
    %iota3A_11 = tpu.iota {dimensions = array<i32: 0>} : vector<2000x1xi32>
    %mul3A = arith.constant 2000 : i32
    %mul3A_12 = arith.muli %arg1, %mul3A : i32
    %add3A = vector.broadcast %mul3A_12 : i32 to vector<2000x1xi32>
    %add3A_13 = arith.addi %iota3A_11, %add3A : vector<2000x1xi32>
    %jit3A_14 = arith.constant 5 : i32
    %eq3A_15 = arith.constant 0 : i32
    %eq3A_16 = arith.cmpi eq, %jit3A_14, %eq3A_15 : i32
    %jit3A_17 = arith.constant 1 : i32
    %select_n3A_18 = arith.select %eq3A_16, %jit3A_17, %jit3A_14 : i32
    %rem3A = vector.broadcast %select_n3A_18 : i32 to vector<2000x1xi32>
    %rem3A_19 = arith.remsi %add3A_13, %rem3A : vector<2000x1xi32>
    %ne3A = arith.constant 0 : i32
    %ne3A_20 = vector.broadcast %ne3A : i32 to vector<2000x1xi32>
    %ne3A_21 = arith.cmpi ne, %rem3A_19, %ne3A_20 : vector<2000x1xi32>
    %lt3A = arith.constant 0 : i32
    %lt3A_22 = vector.broadcast %lt3A : i32 to vector<2000x1xi32>
    %lt3A_23 = arith.cmpi slt, %rem3A_19, %lt3A_22 : vector<2000x1xi32>
    %lt3A_24 = arith.constant 0 : i32
    %lt3A_25 = arith.cmpi slt, %select_n3A_18, %lt3A_24 : i32
    %ne3A_26 = vector.broadcast %lt3A_25 : i1 to vector<2000x1xi1>
    %ne3A_27 = vector.broadcast %ne3A_26 : vector<2000x1xi1> to vector<2000x1xi1>
    %ne3A_28 = arith.xori %lt3A_23, %ne3A_27 : vector<2000x1xi1>
    %and3A = arith.andi %ne3A_28, %ne3A_21 : vector<2000x1xi1>
    %add3A_29 = vector.broadcast %select_n3A_18 : i32 to vector<2000x1xi32>
    %add3A_30 = arith.addi %rem3A_19, %add3A_29 : vector<2000x1xi32>
    %select_n3A_31 = arith.select %and3A, %add3A_30, %rem3A_19 : vector<2000x1xi1>, vector<2000x1xi32>
    %get3A_32 = arith.constant 0 : index
    %get3A_33 = arith.constant 0 : index
    %get3A_34 = vector.load %arg8[%get3A_32, %get3A_33] : memref<16x640xf32, #tpu.memory_space<vmem>>, vector<16x640xf32>
    %dot_general3A = arith.constant dense<0.000000e+00> : vector<2000x640xf32>
    %dot_general3A_35 = tpu.matmul %select_n3A, %get3A_34, %dot_general3A {dimension_numbers = #tpu.dot_dimension_numbers<[1], [0], [0], [1], [0, 0, 1, 1], [], []>, precision = #tpu.contract_precision<fp32>, transpose_lhs_hint = false} : vector<2000x16xf32>, vector<16x640xf32>, vector<2000x640xf32> -> vector<2000x640xf32>
    %broadcast_in_dim3A_36 = arith.constant 0 : i32
    %broadcast_in_dim3A_37 = vector.broadcast %broadcast_in_dim3A_36 : i32 to vector<2000x1xi32>
    %slice3A = vector.extract_strided_slice %dot_general3A_35 {offsets = [0, 0], sizes = [2000, 128], strides = [1, 1]} : vector<2000x640xf32> to vector<2000x128xf32>
    %sub3A = arith.subf %get3A_1, %slice3A : vector<2000x128xf32>
    %mul3A_38 = arith.mulf %sub3A, %sub3A : vector<2000x128xf32>
    %reduce_sum3A = arith.constant dense<0.000000e+00> : vector<2000xf32>
    %reduce_sum3A_39 = vector.multi_reduction <add>, %mul3A_38, %reduce_sum3A [1] : vector<2000x128xf32> to vector<2000xf32>
    %broadcast_in_dim3A_40 = vector.shape_cast %reduce_sum3A_39 : vector<2000xf32> to vector<2000x1xf32>
    %slice3A_41 = vector.extract_strided_slice %dot_general3A_35 {offsets = [0, 128], sizes = [2000, 128], strides = [1, 1]} : vector<2000x640xf32> to vector<2000x128xf32>
    %sub3A_42 = arith.subf %get3A_1, %slice3A_41 : vector<2000x128xf32>
    %mul3A_43 = arith.mulf %sub3A_42, %sub3A_42 : vector<2000x128xf32>
    %reduce_sum3A_44 = arith.constant dense<0.000000e+00> : vector<2000xf32>
    %reduce_sum3A_45 = vector.multi_reduction <add>, %mul3A_43, %reduce_sum3A_44 [1] : vector<2000x128xf32> to vector<2000xf32>
    %broadcast_in_dim3A_46 = vector.shape_cast %reduce_sum3A_45 : vector<2000xf32> to vector<2000x1xf32>
    %lt3A_47 = arith.cmpf olt, %broadcast_in_dim3A_46, %broadcast_in_dim3A_40 : vector<2000x1xf32>
    %jit3A_48 = arith.constant 1 : i32
    %broadcast_in_dim3A_49 = vector.broadcast %jit3A_48 : i32 to vector<2000x1xi32>
    %select_n3A_50 = arith.select %lt3A_47, %broadcast_in_dim3A_49, %broadcast_in_dim3A_37 : vector<2000x1xi1>, vector<2000x1xi32>
    %select_n3A_51 = arith.select %lt3A_47, %broadcast_in_dim3A_46, %broadcast_in_dim3A_40 : vector<2000x1xi1>, vector<2000x1xf32>
    %slice3A_52 = vector.extract_strided_slice %dot_general3A_35 {offsets = [0, 256], sizes = [2000, 128], strides = [1, 1]} : vector<2000x640xf32> to vector<2000x128xf32>
    %sub3A_53 = arith.subf %get3A_1, %slice3A_52 : vector<2000x128xf32>
    %mul3A_54 = arith.mulf %sub3A_53, %sub3A_53 : vector<2000x128xf32>
    %reduce_sum3A_55 = arith.constant dense<0.000000e+00> : vector<2000xf32>
    %reduce_sum3A_56 = vector.multi_reduction <add>, %mul3A_54, %reduce_sum3A_55 [1] : vector<2000x128xf32> to vector<2000xf32>
    %broadcast_in_dim3A_57 = vector.shape_cast %reduce_sum3A_56 : vector<2000xf32> to vector<2000x1xf32>
    %lt3A_58 = arith.cmpf olt, %broadcast_in_dim3A_57, %select_n3A_51 : vector<2000x1xf32>
    %jit3A_59 = arith.constant 2 : i32
    %broadcast_in_dim3A_60 = vector.broadcast %jit3A_59 : i32 to vector<2000x1xi32>
    %select_n3A_61 = arith.select %lt3A_58, %broadcast_in_dim3A_60, %select_n3A_50 : vector<2000x1xi1>, vector<2000x1xi32>
    %select_n3A_62 = arith.select %lt3A_58, %broadcast_in_dim3A_57, %select_n3A_51 : vector<2000x1xi1>, vector<2000x1xf32>
    %slice3A_63 = vector.extract_strided_slice %dot_general3A_35 {offsets = [0, 384], sizes = [2000, 128], strides = [1, 1]} : vector<2000x640xf32> to vector<2000x128xf32>
    %sub3A_64 = arith.subf %get3A_1, %slice3A_63 : vector<2000x128xf32>
    %mul3A_65 = arith.mulf %sub3A_64, %sub3A_64 : vector<2000x128xf32>
    %reduce_sum3A_66 = arith.constant dense<0.000000e+00> : vector<2000xf32>
    %reduce_sum3A_67 = vector.multi_reduction <add>, %mul3A_65, %reduce_sum3A_66 [1] : vector<2000x128xf32> to vector<2000xf32>
    %broadcast_in_dim3A_68 = vector.shape_cast %reduce_sum3A_67 : vector<2000xf32> to vector<2000x1xf32>
    %lt3A_69 = arith.cmpf olt, %broadcast_in_dim3A_68, %select_n3A_62 : vector<2000x1xf32>
    %jit3A_70 = arith.constant 3 : i32
    %broadcast_in_dim3A_71 = vector.broadcast %jit3A_70 : i32 to vector<2000x1xi32>
    %select_n3A_72 = arith.select %lt3A_69, %broadcast_in_dim3A_71, %select_n3A_61 : vector<2000x1xi1>, vector<2000x1xi32>
    %select_n3A_73 = arith.select %lt3A_69, %broadcast_in_dim3A_68, %select_n3A_62 : vector<2000x1xi1>, vector<2000x1xf32>
    %slice3A_74 = vector.extract_strided_slice %dot_general3A_35 {offsets = [0, 512], sizes = [2000, 128], strides = [1, 1]} : vector<2000x640xf32> to vector<2000x128xf32>
    %sub3A_75 = arith.subf %get3A_1, %slice3A_74 : vector<2000x128xf32>
    %mul3A_76 = arith.mulf %sub3A_75, %sub3A_75 : vector<2000x128xf32>
    %reduce_sum3A_77 = arith.constant dense<0.000000e+00> : vector<2000xf32>
    %reduce_sum3A_78 = vector.multi_reduction <add>, %mul3A_76, %reduce_sum3A_77 [1] : vector<2000x128xf32> to vector<2000xf32>
    %broadcast_in_dim3A_79 = vector.shape_cast %reduce_sum3A_78 : vector<2000xf32> to vector<2000x1xf32>
    %lt3A_80 = arith.cmpf olt, %broadcast_in_dim3A_79, %select_n3A_73 : vector<2000x1xf32>
    %jit3A_81 = arith.constant 4 : i32
    %broadcast_in_dim3A_82 = vector.broadcast %jit3A_81 : i32 to vector<2000x1xi32>
    %select_n3A_83 = arith.select %lt3A_80, %broadcast_in_dim3A_82, %select_n3A_72 : vector<2000x1xi1>, vector<2000x1xi32>
    %eq3A_84 = arith.constant 0 : i32
    %eq3A_85 = arith.cmpi eq, %arg0, %eq3A_84 : i32
    %select_n3A_86 = arith.select %eq3A_85, %select_n3A_31, %select_n3A_83 : vector<2000x1xi32>
    %mul3A_87 = arith.constant 5 : i32
    %mul3A_88 = vector.broadcast %mul3A_87 : i32 to vector<2000x1xi32>
    %mul3A_89 = arith.muli %get3A_4, %mul3A_88 : vector<2000x1xi32>
    %add3A_90 = arith.addi %mul3A_89, %select_n3A_86 : vector<2000x1xi32>
    %swap3A = arith.constant 0 : index
    %swap3A_91 = arith.constant 0 : index
    %swap3A_92 = vector.load %arg4[%swap3A, %swap3A_91] : memref<2000x1xi32, #tpu.memory_space<vmem>>, vector<2000x1xi32>
    tpu.vector_store %arg4[%swap3A, %swap3A_91], %add3A_90 {strides = array<i32>} : memref<2000x1xi32, #tpu.memory_space<vmem>>, vector<2000x1xi32>,
    %mul3A_93 = arith.constant 16 : i32
    %mul3A_94 = vector.broadcast %mul3A_93 : i32 to vector<2000x1xi32>
    %mul3A_95 = arith.muli %select_n3A_86, %mul3A_94 : vector<2000x1xi32>
    %add3A_96 = arith.addi %mul3A_95, %get3A_4 : vector<2000x1xi32>
    %eq3A_97 = vector.broadcast %add3A_96 : vector<2000x1xi32> to vector<2000x80xi32>
    %eq3A_98 = arith.cmpi eq, %eq3A_97, %iota3A_8 : vector<2000x80xi32>
    %jit3A_99 = arith.constant 1.000000e+00 : f32
    %jit3A_100 = arith.constant 0.000000e+00 : f32
    %broadcast_in_dim3A_101 = vector.broadcast %jit3A_99 : f32 to vector<2000x80xf32>
    %broadcast_in_dim3A_102 = vector.broadcast %jit3A_100 : f32 to vector<2000x80xf32>
    %select_n3A_103 = arith.select %eq3A_98, %broadcast_in_dim3A_101, %broadcast_in_dim3A_102 : vector<2000x80xi1>, vector<2000x80xf32>
    %dot_general3A_104 = arith.constant dense<0.000000e+00> : vector<80x128xf32>
    %dot_general3A_105 = tpu.matmul %select_n3A_103, %get3A_1, %dot_general3A_104 {dimension_numbers = #tpu.dot_dimension_numbers<[0], [0], [1], [1], [0, 1, 1, 1], [], []>, precision = #tpu.contract_precision<fp32>, transpose_lhs_hint = false} : vector<2000x80xf32>, vector<2000x128xf32>, vector<80x128xf32> -> vector<80x128xf32>
    %dot_general3A_106 = arith.constant dense<0.000000e+00> : vector<80x1xf32>
    %dot_general3A_107 = tpu.matmul %select_n3A_103, %broadcast_in_dim3A_10, %dot_general3A_106 {dimension_numbers = #tpu.dot_dimension_numbers<[0], [0], [1], [1], [0, 1, 1, 1], [], []>, precision = #tpu.contract_precision<fp32>, transpose_lhs_hint = false} : vector<2000x80xf32>, vector<2000x1xf32>, vector<80x1xf32> -> vector<80x1xf32>
    %eq3A_108 = arith.constant 0 : i32
    %eq3A_109 = arith.cmpi eq, %arg1, %eq3A_108 : i32
    %convert_element_type3A = arith.extui %eq3A_109 : i1 to i32
    %cond3A = arith.constant 0 : i32
    %cond3A_110 = arith.cmpi ne, %convert_element_type3A, %cond3A : i32
    scf.if %cond3A_110 {
      %swap3A_128 = arith.constant 0 : index
      %swap3A_129 = arith.constant 0 : index
      %swap3A_130 = vector.load %arg6[%swap3A_128, %swap3A_129] : memref<80x128xf32, #tpu.memory_space<vmem>>, vector<80x128xf32>
      tpu.vector_store %arg6[%swap3A_128, %swap3A_129], %dot_general3A_105 {strides = array<i32>} : memref<80x128xf32, #tpu.memory_space<vmem>>, vector<80x128xf32>,
      %swap3A_131 = arith.constant 0 : index
      %swap3A_132 = arith.constant 0 : index
      %swap3A_133 = vector.load %arg7[%swap3A_131, %swap3A_132] : memref<80x1xf32, #tpu.memory_space<vmem>>, vector<80x1xf32>
      tpu.vector_store %arg7[%swap3A_131, %swap3A_132], %dot_general3A_107 {strides = array<i32>} : memref<80x1xf32, #tpu.memory_space<vmem>>, vector<80x1xf32>,
    } else {
    }
    %gt3A = arith.constant 0 : i32
    %gt3A_111 = arith.cmpi sgt, %arg1, %gt3A : i32
    %convert_element_type3A_112 = arith.extui %gt3A_111 : i1 to i32
    %cond3A_113 = arith.constant 0 : i32
    %cond3A_114 = arith.cmpi ne, %convert_element_type3A_112, %cond3A_113 : i32
    scf.if %cond3A_114 {
      %get3A_128 = arith.constant 0 : index
      %get3A_129 = arith.constant 0 : index
      %get3A_130 = vector.load %arg6[%get3A_128, %get3A_129] : memref<80x128xf32, #tpu.memory_space<vmem>>, vector<80x128xf32>
      %add3A_131 = arith.addf %get3A_130, %dot_general3A_105 : vector<80x128xf32>
      %swap3A_132 = arith.constant 0 : index
      %swap3A_133 = arith.constant 0 : index
      %swap3A_134 = vector.load %arg6[%swap3A_132, %swap3A_133] : memref<80x128xf32, #tpu.memory_space<vmem>>, vector<80x128xf32>
      tpu.vector_store %arg6[%swap3A_132, %swap3A_133], %add3A_131 {strides = array<i32>} : memref<80x128xf32, #tpu.memory_space<vmem>>, vector<80x128xf32>,
      %get3A_135 = arith.constant 0 : index
      %get3A_136 = arith.constant 0 : index
      %get3A_137 = vector.load %arg7[%get3A_135, %get3A_136] : memref<80x1xf32, #tpu.memory_space<vmem>>, vector<80x1xf32>
      %add3A_138 = arith.addf %get3A_137, %dot_general3A_107 : vector<80x1xf32>
      %swap3A_139 = arith.constant 0 : index
      %swap3A_140 = arith.constant 0 : index
      %swap3A_141 = vector.load %arg7[%swap3A_139, %swap3A_140] : memref<80x1xf32, #tpu.memory_space<vmem>>, vector<80x1xf32>
      tpu.vector_store %arg7[%swap3A_139, %swap3A_140], %add3A_138 {strides = array<i32>} : memref<80x1xf32, #tpu.memory_space<vmem>>, vector<80x1xf32>,
    } else {
    }
    %eq3A_115 = arith.constant 4 : i32
    %eq3A_116 = arith.cmpi eq, %arg1, %eq3A_115 : i32
    %convert_element_type3A_117 = arith.extui %eq3A_116 : i1 to i32
    %cond3A_118 = arith.constant 0 : i32
    %cond3A_119 = arith.cmpi ne, %convert_element_type3A_117, %cond3A_118 : i32
    scf.if %cond3A_119 {
      %get3A_128 = arith.constant 0 : index
      %get3A_129 = arith.constant 0 : index
      %get3A_130 = vector.load %arg6[%get3A_128, %get3A_129] : memref<80x128xf32, #tpu.memory_space<vmem>>, vector<80x128xf32>
      %get3A_131 = arith.constant 0 : index
      %get3A_132 = arith.constant 0 : index
      %get3A_133 = vector.load %arg7[%get3A_131, %get3A_132] : memref<80x1xf32, #tpu.memory_space<vmem>>, vector<80x1xf32>
      %max3A = arith.constant 1.000000e+00 : f32
      %max3A_134 = vector.broadcast %max3A : f32 to vector<80x1xf32>
      %max3A_135 = arith.maximumf %get3A_133, %max3A_134 : vector<80x1xf32>
      %div3A = vector.broadcast %max3A_135 : vector<80x1xf32> to vector<80x128xf32>
      %div3A_136 = arith.divf %get3A_130, %div3A : vector<80x128xf32>
      %slice3A_137 = vector.extract_strided_slice %div3A_136 {offsets = [0, 0], sizes = [16, 128], strides = [1, 1]} : vector<80x128xf32> to vector<16x128xf32>
      %swap3A_138 = arith.constant 0 : index
      %swap3A_139 = arith.constant 0 : index
      %swap3A_140 = vector.load %arg8[%swap3A_138, %swap3A_139] : memref<16x640xf32, #tpu.memory_space<vmem>>, vector<16x128xf32>
      tpu.vector_store %arg8[%swap3A_138, %swap3A_139], %slice3A_137 {strides = array<i32>} : memref<16x640xf32, #tpu.memory_space<vmem>>, vector<16x128xf32>,
      %slice3A_141 = vector.extract_strided_slice %div3A_136 {offsets = [16, 0], sizes = [16, 128], strides = [1, 1]} : vector<80x128xf32> to vector<16x128xf32>
      %swap3A_142 = arith.constant 0 : index
      %swap3A_143 = arith.constant 128 : index
      %swap3A_144 = vector.load %arg8[%swap3A_142, %swap3A_143] : memref<16x640xf32, #tpu.memory_space<vmem>>, vector<16x128xf32>
      tpu.vector_store %arg8[%swap3A_142, %swap3A_143], %slice3A_141 {strides = array<i32>} : memref<16x640xf32, #tpu.memory_space<vmem>>, vector<16x128xf32>,
      %slice3A_145 = vector.extract_strided_slice %div3A_136 {offsets = [32, 0], sizes = [16, 128], strides = [1, 1]} : vector<80x128xf32> to vector<16x128xf32>
      %swap3A_146 = arith.constant 0 : index
      %swap3A_147 = arith.constant 256 : index
      %swap3A_148 = vector.load %arg8[%swap3A_146, %swap3A_147] : memref<16x640xf32, #tpu.memory_space<vmem>>, vector<16x128xf32>
      tpu.vector_store %arg8[%swap3A_146, %swap3A_147], %slice3A_145 {strides = array<i32>} : memref<16x640xf32, #tpu.memory_space<vmem>>, vector<16x128xf32>,
      %slice3A_149 = vector.extract_strided_slice %div3A_136 {offsets = [48, 0], sizes = [16, 128], strides = [1, 1]} : vector<80x128xf32> to vector<16x128xf32>
      %swap3A_150 = arith.constant 0 : index
      %swap3A_151 = arith.constant 384 : index
      %swap3A_152 = vector.load %arg8[%swap3A_150, %swap3A_151] : memref<16x640xf32, #tpu.memory_space<vmem>>, vector<16x128xf32>
      tpu.vector_store %arg8[%swap3A_150, %swap3A_151], %slice3A_149 {strides = array<i32>} : memref<16x640xf32, #tpu.memory_space<vmem>>, vector<16x128xf32>,
      %slice3A_153 = vector.extract_strided_slice %div3A_136 {offsets = [64, 0], sizes = [16, 128], strides = [1, 1]} : vector<80x128xf32> to vector<16x128xf32>
      %swap3A_154 = arith.constant 0 : index
      %swap3A_155 = arith.constant 512 : index
      %swap3A_156 = vector.load %arg8[%swap3A_154, %swap3A_155] : memref<16x640xf32, #tpu.memory_space<vmem>>, vector<16x128xf32>
      tpu.vector_store %arg8[%swap3A_154, %swap3A_155], %slice3A_153 {strides = array<i32>} : memref<16x640xf32, #tpu.memory_space<vmem>>, vector<16x128xf32>,
    } else {
    }
    %eq3A_120 = arith.constant 10 : i32
    %eq3A_121 = arith.cmpi eq, %arg0, %eq3A_120 : i32
    %eq3A_122 = arith.constant 4 : i32
    %eq3A_123 = arith.cmpi eq, %arg1, %eq3A_122 : i32
    %and3A_124 = arith.andi %eq3A_121, %eq3A_123 : i1
    %convert_element_type3A_125 = arith.extui %and3A_124 : i1 to i32
    %cond3A_126 = arith.constant 0 : i32
    %cond3A_127 = arith.cmpi ne, %convert_element_type3A_125, %cond3A_126 : i32
    scf.if %cond3A_127 {
      %get3A_128 = arith.constant 0 : index
      %get3A_129 = arith.constant 0 : index
      %get3A_130 = vector.load %arg6[%get3A_128, %get3A_129] : memref<80x128xf32, #tpu.memory_space<vmem>>, vector<80x128xf32>
      %get3A_131 = arith.constant 0 : index
      %get3A_132 = arith.constant 0 : index
      %get3A_133 = vector.load %arg7[%get3A_131, %get3A_132] : memref<80x1xf32, #tpu.memory_space<vmem>>, vector<80x1xf32>
      %max3A = arith.constant 1.000000e+00 : f32
      %max3A_134 = vector.broadcast %max3A : f32 to vector<80x1xf32>
      %max3A_135 = arith.maximumf %get3A_133, %max3A_134 : vector<80x1xf32>
      %div3A = vector.broadcast %max3A_135 : vector<80x1xf32> to vector<80x128xf32>
      %div3A_136 = arith.divf %get3A_130, %div3A : vector<80x128xf32>
      %slice3A_137 = vector.extract_strided_slice %div3A_136 {offsets = [0, 0], sizes = [16, 128], strides = [1, 1]} : vector<80x128xf32> to vector<16x128xf32>
      %swap3A_138 = arith.constant 0 : index
      %swap3A_139 = arith.constant 0 : index
      %swap3A_140 = arith.constant 0 : index
      %swap3A_141 = vector.load %arg5[%swap3A_138, %swap3A_139, %swap3A_140] : memref<5x16x128xf32, #tpu.memory_space<vmem>>, vector<1x16x128xf32>
      %swap3A_142 = vector.shape_cast %swap3A_141 : vector<1x16x128xf32> to vector<16x128xf32>
      %swap3A_143 = vector.shape_cast %slice3A_137 : vector<16x128xf32> to vector<1x16x128xf32>
      tpu.vector_store %arg5[%swap3A_138, %swap3A_139, %swap3A_140], %swap3A_143 {strides = array<i32>} : memref<5x16x128xf32, #tpu.memory_space<vmem>>, vector<1x16x128xf32>,
      %slice3A_144 = vector.extract_strided_slice %div3A_136 {offsets = [16, 0], sizes = [16, 128], strides = [1, 1]} : vector<80x128xf32> to vector<16x128xf32>
      %swap3A_145 = arith.constant 1 : index
      %swap3A_146 = arith.constant 0 : index
      %swap3A_147 = arith.constant 0 : index
      %swap3A_148 = vector.load %arg5[%swap3A_145, %swap3A_146, %swap3A_147] : memref<5x16x128xf32, #tpu.memory_space<vmem>>, vector<1x16x128xf32>
      %swap3A_149 = vector.shape_cast %swap3A_148 : vector<1x16x128xf32> to vector<16x128xf32>
      %swap3A_150 = vector.shape_cast %slice3A_144 : vector<16x128xf32> to vector<1x16x128xf32>
      tpu.vector_store %arg5[%swap3A_145, %swap3A_146, %swap3A_147], %swap3A_150 {strides = array<i32>} : memref<5x16x128xf32, #tpu.memory_space<vmem>>, vector<1x16x128xf32>,
      %slice3A_151 = vector.extract_strided_slice %div3A_136 {offsets = [32, 0], sizes = [16, 128], strides = [1, 1]} : vector<80x128xf32> to vector<16x128xf32>
      %swap3A_152 = arith.constant 2 : index
      %swap3A_153 = arith.constant 0 : index
      %swap3A_154 = arith.constant 0 : index
      %swap3A_155 = vector.load %arg5[%swap3A_152, %swap3A_153, %swap3A_154] : memref<5x16x128xf32, #tpu.memory_space<vmem>>, vector<1x16x128xf32>
      %swap3A_156 = vector.shape_cast %swap3A_155 : vector<1x16x128xf32> to vector<16x128xf32>
      %swap3A_157 = vector.shape_cast %slice3A_151 : vector<16x128xf32> to vector<1x16x128xf32>
      tpu.vector_store %arg5[%swap3A_152, %swap3A_153, %swap3A_154], %swap3A_157 {strides = array<i32>} : memref<5x16x128xf32, #tpu.memory_space<vmem>>, vector<1x16x128xf32>,
      %slice3A_158 = vector.extract_strided_slice %div3A_136 {offsets = [48, 0], sizes = [16, 128], strides = [1, 1]} : vector<80x128xf32> to vector<16x128xf32>
      %swap3A_159 = arith.constant 3 : index
      %swap3A_160 = arith.constant 0 : index
      %swap3A_161 = arith.constant 0 : index
      %swap3A_162 = vector.load %arg5[%swap3A_159, %swap3A_160, %swap3A_161] : memref<5x16x128xf32, #tpu.memory_space<vmem>>, vector<1x16x128xf32>
      %swap3A_163 = vector.shape_cast %swap3A_162 : vector<1x16x128xf32> to vector<16x128xf32>
      %swap3A_164 = vector.shape_cast %slice3A_158 : vector<16x128xf32> to vector<1x16x128xf32>
      tpu.vector_store %arg5[%swap3A_159, %swap3A_160, %swap3A_161], %swap3A_164 {strides = array<i32>} : memref<5x16x128xf32, #tpu.memory_space<vmem>>, vector<1x16x128xf32>,
      %slice3A_165 = vector.extract_strided_slice %div3A_136 {offsets = [64, 0], sizes = [16, 128], strides = [1, 1]} : vector<80x128xf32> to vector<16x128xf32>
      %swap3A_166 = arith.constant 4 : index
      %swap3A_167 = arith.constant 0 : index
      %swap3A_168 = arith.constant 0 : index
      %swap3A_169 = vector.load %arg5[%swap3A_166, %swap3A_167, %swap3A_168] : memref<5x16x128xf32, #tpu.memory_space<vmem>>, vector<1x16x128xf32>
      %swap3A_170 = vector.shape_cast %swap3A_169 : vector<1x16x128xf32> to vector<16x128xf32>
      %swap3A_171 = vector.shape_cast %slice3A_165 : vector<16x128xf32> to vector<1x16x128xf32>
      tpu.vector_store %arg5[%swap3A_166, %swap3A_167, %swap3A_168], %swap3A_171 {strides = array<i32>} : memref<5x16x128xf32, #tpu.memory_space<vmem>>, vector<1x16x128xf32>,
    } else {
    }
    return
  }
  func.func @transform_0(%arg0: i32, %arg1: i32) -> (i32, i32) {
    %c0_i32 = arith.constant 0 : i32
    %c0_i32_0 = arith.constant 0 : i32
    return %arg1, %c0_i32 : i32, i32
  }
  func.func @transform_1(%arg0: i32, %arg1: i32) -> (i32, i32) {
    %c0_i32 = arith.constant 0 : i32
    %c0_i32_0 = arith.constant 0 : i32
    return %arg1, %c0_i32 : i32, i32
  }
  func.func @transform_2(%arg0: i32, %arg1: i32) -> (i32, i32) {
    %c0_i32 = arith.constant 0 : i32
    %c0_i32_0 = arith.constant 0 : i32
    return %arg1, %c0_i32 : i32, i32
  }
  func.func @transform_3(%arg0: i32, %arg1: i32) -> (i32, i32, i32) {
    %c0_i32 = arith.constant 0 : i32
    %c0_i32_0 = arith.constant 0 : i32
    %c0_i32_1 = arith.constant 0 : i32
    %c0_i32_2 = arith.constant 0 : i32
    return %c0_i32, %c0_i32_0, %c0_i32_1 : i32, i32, i32
  }
}

module attributes {stable_mosaic.version = 14 : i64} {
  func.func @_tc_coarse_body(%arg0: memref<80x80xf32, #tpu.memory_space<vmem>>, %arg1: memref<80x80xf32, #tpu.memory_space<vmem>>, %arg2: memref<80x128xf32, #tpu.memory_space<vmem>>, %arg3: memref<128x128xf32, #tpu.memory_space<vmem>>, %arg4: memref<128xf32, #tpu.memory_space<vmem>>, %arg5: memref<128x128xf32, #tpu.memory_space<vmem>>, %arg6: memref<128xf32, #tpu.memory_space<vmem>>, %arg7: memref<128x128xf32, #tpu.memory_space<vmem>>, %arg8: memref<128xf32, #tpu.memory_space<vmem>>, %arg9: memref<128x128xf32, #tpu.memory_space<vmem>>, %arg10: memref<128xf32, #tpu.memory_space<vmem>>, %arg11: memref<128x128xf32, #tpu.memory_space<vmem>>, %arg12: memref<128xf32, #tpu.memory_space<vmem>>, %arg13: memref<128x10xf32, #tpu.memory_space<vmem>>, %arg14: memref<10xf32, #tpu.memory_space<vmem>>, %arg15: memref<16x10xf32, #tpu.memory_space<vmem>>) attributes {dimension_semantics = [], scalar_prefetch = 0 : i64, scratch_operands = 0 : i64, tpu.core_type = #tpu.core_type<tc>} {
    %get3A = arith.constant 0 : index
    %get3A_0 = arith.constant 0 : index
    %get3A_1 = vector.load %arg0[%get3A, %get3A_0] : memref<80x80xf32, #tpu.memory_space<vmem>>, vector<80x80xf32>
    %get3A_2 = arith.constant 0 : index
    %get3A_3 = arith.constant 0 : index
    %get3A_4 = vector.load %arg1[%get3A_2, %get3A_3] : memref<80x80xf32, #tpu.memory_space<vmem>>, vector<80x80xf32>
    %add3A = arith.addf %get3A_1, %get3A_4 : vector<80x80xf32>
    %iota3A = tpu.iota {dimensions = array<i32: 0>} : vector<80x80xi32>
    %iota3A_5 = tpu.iota {dimensions = array<i32: 1>} : vector<80x80xi32>
    %eq3A = arith.cmpi eq, %iota3A, %iota3A_5 : vector<80x80xi32>
    %jit3A = arith.constant 0.000000e+00 : f32
    %broadcast_in_dim3A = vector.broadcast %jit3A : f32 to vector<80x80xf32>
    %select_n3A = arith.select %eq3A, %broadcast_in_dim3A, %add3A : vector<80x80xi1>, vector<80x80xf32>
    %broadcast_in_dim3A_6 = arith.constant 1.000000e+00 : f32
    %broadcast_in_dim3A_7 = vector.broadcast %broadcast_in_dim3A_6 : f32 to vector<80x1xf32>
    %dot_general3A = arith.constant dense<0.000000e+00> : vector<80x1xf32>
    %dot_general3A_8 = tpu.matmul %select_n3A, %broadcast_in_dim3A_7, %dot_general3A {dimension_numbers = #tpu.dot_dimension_numbers<[0], [0], [1], [1], [0, 1, 1, 1], [], []>, precision = #tpu.contract_precision<fp32>, transpose_lhs_hint = false} : vector<80x80xf32>, vector<80x1xf32>, vector<80x1xf32> -> vector<80x1xf32>
    %add3A_9 = arith.constant 1.000000e+00 : f32
    %add3A_10 = vector.broadcast %add3A_9 : f32 to vector<80x1xf32>
    %add3A_11 = arith.addf %dot_general3A_8, %add3A_10 : vector<80x1xf32>
    %reduce_sum3A = arith.constant dense<0.000000e+00> : vector<80xf32>
    %reduce_sum3A_12 = vector.multi_reduction <add>, %select_n3A, %reduce_sum3A [0] : vector<80x80xf32> to vector<80xf32>
    %broadcast_in_dim3A_13 = vector.shape_cast %reduce_sum3A_12 : vector<80xf32> to vector<1x80xf32>
    %add3A_14 = arith.constant 1.000000e+00 : f32
    %add3A_15 = vector.broadcast %add3A_14 : f32 to vector<1x80xf32>
    %add3A_16 = arith.addf %broadcast_in_dim3A_13, %add3A_15 : vector<1x80xf32>
    %rsqrt3A = math.rsqrt %add3A_11 : vector<80x1xf32>
    %rsqrt3A_17 = math.rsqrt %add3A_16 : vector<1x80xf32>
    %mul3A = arith.mulf %rsqrt3A, %rsqrt3A : vector<80x1xf32>
    %mul3A_18 = vector.broadcast %rsqrt3A : vector<80x1xf32> to vector<80x80xf32>
    %mul3A_19 = arith.mulf %select_n3A, %mul3A_18 : vector<80x80xf32>
    %mul3A_20 = vector.broadcast %rsqrt3A_17 : vector<1x80xf32> to vector<80x80xf32>
    %mul3A_21 = arith.mulf %mul3A_19, %mul3A_20 : vector<80x80xf32>
    %get3A_22 = arith.constant 0 : index
    %get3A_23 = arith.constant 0 : index
    %get3A_24 = vector.load %arg2[%get3A_22, %get3A_23] : memref<80x128xf32, #tpu.memory_space<vmem>>, vector<80x128xf32>
    %get3A_25 = arith.constant 0 : index
    %get3A_26 = arith.constant 0 : index
    %get3A_27 = vector.load %arg3[%get3A_25, %get3A_26] : memref<128x128xf32, #tpu.memory_space<vmem>>, vector<128x128xf32>
    %dot_general3A_28 = arith.constant dense<0.000000e+00> : vector<80x128xf32>
    %dot_general3A_29 = tpu.matmul %get3A_24, %get3A_27, %dot_general3A_28 {dimension_numbers = #tpu.dot_dimension_numbers<[1], [0], [0], [1], [0, 0, 1, 1], [], []>, precision = #tpu.contract_precision<fp32>, transpose_lhs_hint = false} : vector<80x128xf32>, vector<128x128xf32>, vector<80x128xf32> -> vector<80x128xf32>
    %dot_general3A_30 = arith.constant dense<0.000000e+00> : vector<80x128xf32>
    %dot_general3A_31 = tpu.matmul %mul3A_21, %dot_general3A_29, %dot_general3A_30 {dimension_numbers = #tpu.dot_dimension_numbers<[0], [0], [1], [1], [0, 1, 1, 1], [], []>, precision = #tpu.contract_precision<fp32>, transpose_lhs_hint = false} : vector<80x80xf32>, vector<80x128xf32>, vector<80x128xf32> -> vector<80x128xf32>
    %mul3A_32 = vector.broadcast %mul3A : vector<80x1xf32> to vector<80x128xf32>
    %mul3A_33 = arith.mulf %dot_general3A_29, %mul3A_32 : vector<80x128xf32>
    %add3A_34 = arith.addf %dot_general3A_31, %mul3A_33 : vector<80x128xf32>
    %get3A_35 = arith.constant 0 : index
    %get3A_36 = vector.load %arg4[%get3A_35] : memref<128xf32, #tpu.memory_space<vmem>>, vector<128xf32>
    %broadcast_in_dim3A_37 = vector.shape_cast %get3A_36 : vector<128xf32> to vector<1x128xf32>
    %add3A_38 = vector.broadcast %broadcast_in_dim3A_37 : vector<1x128xf32> to vector<80x128xf32>
    %add3A_39 = arith.addf %add3A_34, %add3A_38 : vector<80x128xf32>
    %max3A = arith.constant 0.000000e+00 : f32
    %max3A_40 = vector.broadcast %max3A : f32 to vector<80x128xf32>
    %max3A_41 = arith.maximumf %add3A_39, %max3A_40 : vector<80x128xf32>
    %get3A_42 = arith.constant 0 : index
    %get3A_43 = arith.constant 0 : index
    %get3A_44 = vector.load %arg5[%get3A_42, %get3A_43] : memref<128x128xf32, #tpu.memory_space<vmem>>, vector<128x128xf32>
    %dot_general3A_45 = arith.constant dense<0.000000e+00> : vector<80x128xf32>
    %dot_general3A_46 = tpu.matmul %max3A_41, %get3A_44, %dot_general3A_45 {dimension_numbers = #tpu.dot_dimension_numbers<[1], [0], [0], [1], [0, 0, 1, 1], [], []>, precision = #tpu.contract_precision<fp32>, transpose_lhs_hint = false} : vector<80x128xf32>, vector<128x128xf32>, vector<80x128xf32> -> vector<80x128xf32>
    %dot_general3A_47 = arith.constant dense<0.000000e+00> : vector<80x128xf32>
    %dot_general3A_48 = tpu.matmul %mul3A_21, %dot_general3A_46, %dot_general3A_47 {dimension_numbers = #tpu.dot_dimension_numbers<[0], [0], [1], [1], [0, 1, 1, 1], [], []>, precision = #tpu.contract_precision<fp32>, transpose_lhs_hint = false} : vector<80x80xf32>, vector<80x128xf32>, vector<80x128xf32> -> vector<80x128xf32>
    %mul3A_49 = vector.broadcast %mul3A : vector<80x1xf32> to vector<80x128xf32>
    %mul3A_50 = arith.mulf %dot_general3A_46, %mul3A_49 : vector<80x128xf32>
    %add3A_51 = arith.addf %dot_general3A_48, %mul3A_50 : vector<80x128xf32>
    %get3A_52 = arith.constant 0 : index
    %get3A_53 = vector.load %arg6[%get3A_52] : memref<128xf32, #tpu.memory_space<vmem>>, vector<128xf32>
    %broadcast_in_dim3A_54 = vector.shape_cast %get3A_53 : vector<128xf32> to vector<1x128xf32>
    %add3A_55 = vector.broadcast %broadcast_in_dim3A_54 : vector<1x128xf32> to vector<80x128xf32>
    %add3A_56 = arith.addf %add3A_51, %add3A_55 : vector<80x128xf32>
    %max3A_57 = arith.constant 0.000000e+00 : f32
    %max3A_58 = vector.broadcast %max3A_57 : f32 to vector<80x128xf32>
    %max3A_59 = arith.maximumf %add3A_56, %max3A_58 : vector<80x128xf32>
    %get3A_60 = arith.constant 0 : index
    %get3A_61 = arith.constant 0 : index
    %get3A_62 = vector.load %arg7[%get3A_60, %get3A_61] : memref<128x128xf32, #tpu.memory_space<vmem>>, vector<128x128xf32>
    %dot_general3A_63 = arith.constant dense<0.000000e+00> : vector<80x128xf32>
    %dot_general3A_64 = tpu.matmul %max3A_59, %get3A_62, %dot_general3A_63 {dimension_numbers = #tpu.dot_dimension_numbers<[1], [0], [0], [1], [0, 0, 1, 1], [], []>, precision = #tpu.contract_precision<fp32>, transpose_lhs_hint = false} : vector<80x128xf32>, vector<128x128xf32>, vector<80x128xf32> -> vector<80x128xf32>
    %dot_general3A_65 = arith.constant dense<0.000000e+00> : vector<80x128xf32>
    %dot_general3A_66 = tpu.matmul %mul3A_21, %dot_general3A_64, %dot_general3A_65 {dimension_numbers = #tpu.dot_dimension_numbers<[0], [0], [1], [1], [0, 1, 1, 1], [], []>, precision = #tpu.contract_precision<fp32>, transpose_lhs_hint = false} : vector<80x80xf32>, vector<80x128xf32>, vector<80x128xf32> -> vector<80x128xf32>
    %mul3A_67 = vector.broadcast %mul3A : vector<80x1xf32> to vector<80x128xf32>
    %mul3A_68 = arith.mulf %dot_general3A_64, %mul3A_67 : vector<80x128xf32>
    %add3A_69 = arith.addf %dot_general3A_66, %mul3A_68 : vector<80x128xf32>
    %get3A_70 = arith.constant 0 : index
    %get3A_71 = vector.load %arg8[%get3A_70] : memref<128xf32, #tpu.memory_space<vmem>>, vector<128xf32>
    %broadcast_in_dim3A_72 = vector.shape_cast %get3A_71 : vector<128xf32> to vector<1x128xf32>
    %add3A_73 = vector.broadcast %broadcast_in_dim3A_72 : vector<1x128xf32> to vector<80x128xf32>
    %add3A_74 = arith.addf %add3A_69, %add3A_73 : vector<80x128xf32>
    %max3A_75 = arith.constant 0.000000e+00 : f32
    %max3A_76 = vector.broadcast %max3A_75 : f32 to vector<80x128xf32>
    %max3A_77 = arith.maximumf %add3A_74, %max3A_76 : vector<80x128xf32>
    %iota3A_78 = tpu.iota {dimensions = array<i32: 0>} : vector<16x80xi32>
    %iota3A_79 = tpu.iota {dimensions = array<i32: 1>} : vector<16x80xi32>
    %jit3A_80 = arith.constant 5 : i32
    %div3A = vector.broadcast %jit3A_80 : i32 to vector<16x80xi32>
    %div3A_81 = arith.divsi %iota3A_79, %div3A : vector<16x80xi32>
    %sign3A = arith.constant 0 : i32
    %sign3A_82 = vector.broadcast %sign3A : i32 to vector<16x80xi32>
    %sign3A_83 = arith.cmpi sgt, %iota3A_79, %sign3A_82 : vector<16x80xi32>
    %sign3A_84 = arith.extui %sign3A_83 : vector<16x80xi1> to vector<16x80xi32>
    %sign3A_85 = arith.constant 0 : i32
    %sign3A_86 = vector.broadcast %sign3A_85 : i32 to vector<16x80xi32>
    %sign3A_87 = arith.cmpi slt, %iota3A_79, %sign3A_86 : vector<16x80xi32>
    %sign3A_88 = arith.extui %sign3A_87 : vector<16x80xi1> to vector<16x80xi32>
    %sign3A_89 = arith.subi %sign3A_84, %sign3A_88 : vector<16x80xi32>
    %sign3A_90 = arith.constant 0 : i32
    %sign3A_91 = arith.cmpi sgt, %jit3A_80, %sign3A_90 : i32
    %sign3A_92 = arith.extui %sign3A_91 : i1 to i32
    %sign3A_93 = arith.constant 0 : i32
    %sign3A_94 = arith.cmpi slt, %jit3A_80, %sign3A_93 : i32
    %sign3A_95 = arith.extui %sign3A_94 : i1 to i32
    %sign3A_96 = arith.subi %sign3A_92, %sign3A_95 : i32
    %ne3A = vector.broadcast %sign3A_96 : i32 to vector<16x80xi32>
    %ne3A_97 = arith.cmpi ne, %sign3A_89, %ne3A : vector<16x80xi32>
    %rem3A = vector.broadcast %jit3A_80 : i32 to vector<16x80xi32>
    %rem3A_98 = arith.remsi %iota3A_79, %rem3A : vector<16x80xi32>
    %ne3A_99 = arith.constant 0 : i32
    %ne3A_100 = vector.broadcast %ne3A_99 : i32 to vector<16x80xi32>
    %ne3A_101 = arith.cmpi ne, %rem3A_98, %ne3A_100 : vector<16x80xi32>
    %and3A = arith.andi %ne3A_97, %ne3A_101 : vector<16x80xi1>
    %sub3A = arith.constant 1 : i32
    %sub3A_102 = vector.broadcast %sub3A : i32 to vector<16x80xi32>
    %sub3A_103 = arith.subi %div3A_81, %sub3A_102 : vector<16x80xi32>
    %select_n3A_104 = arith.select %and3A, %sub3A_103, %div3A_81 : vector<16x80xi1>, vector<16x80xi32>
    %eq3A_105 = arith.cmpi eq, %select_n3A_104, %iota3A_78 : vector<16x80xi32>
    %jit3A_106 = arith.constant 2.000000e-01 : f32
    %jit3A_107 = arith.constant 0.000000e+00 : f32
    %broadcast_in_dim3A_108 = vector.broadcast %jit3A_106 : f32 to vector<16x80xf32>
    %broadcast_in_dim3A_109 = vector.broadcast %jit3A_107 : f32 to vector<16x80xf32>
    %select_n3A_110 = arith.select %eq3A_105, %broadcast_in_dim3A_108, %broadcast_in_dim3A_109 : vector<16x80xi1>, vector<16x80xf32>
    %dot_general3A_111 = arith.constant dense<0.000000e+00> : vector<16x128xf32>
    %dot_general3A_112 = tpu.matmul %select_n3A_110, %max3A_77, %dot_general3A_111 {dimension_numbers = #tpu.dot_dimension_numbers<[1], [0], [0], [1], [0, 0, 1, 1], [], []>, precision = #tpu.contract_precision<fp32>, transpose_lhs_hint = false} : vector<16x80xf32>, vector<80x128xf32>, vector<16x128xf32> -> vector<16x128xf32>
    %get3A_113 = arith.constant 0 : index
    %get3A_114 = arith.constant 0 : index
    %get3A_115 = vector.load %arg9[%get3A_113, %get3A_114] : memref<128x128xf32, #tpu.memory_space<vmem>>, vector<128x128xf32>
    %dot_general3A_116 = arith.constant dense<0.000000e+00> : vector<16x128xf32>
    %dot_general3A_117 = tpu.matmul %dot_general3A_112, %get3A_115, %dot_general3A_116 {dimension_numbers = #tpu.dot_dimension_numbers<[1], [0], [0], [1], [0, 0, 1, 1], [], []>, precision = #tpu.contract_precision<fp32>, transpose_lhs_hint = false} : vector<16x128xf32>, vector<128x128xf32>, vector<16x128xf32> -> vector<16x128xf32>
    %get3A_118 = arith.constant 0 : index
    %get3A_119 = vector.load %arg10[%get3A_118] : memref<128xf32, #tpu.memory_space<vmem>>, vector<128xf32>
    %broadcast_in_dim3A_120 = vector.shape_cast %get3A_119 : vector<128xf32> to vector<1x128xf32>
    %add3A_121 = vector.broadcast %broadcast_in_dim3A_120 : vector<1x128xf32> to vector<16x128xf32>
    %add3A_122 = arith.addf %dot_general3A_117, %add3A_121 : vector<16x128xf32>
    %integer_pow3A = arith.mulf %add3A_122, %add3A_122 : vector<16x128xf32>
    %integer_pow3A_123 = arith.mulf %add3A_122, %integer_pow3A : vector<16x128xf32>
    %mul3A_124 = arith.constant 4.471500e-02 : f32
    %mul3A_125 = vector.broadcast %mul3A_124 : f32 to vector<16x128xf32>
    %mul3A_126 = arith.mulf %mul3A_125, %integer_pow3A_123 : vector<16x128xf32>
    %add3A_127 = arith.addf %add3A_122, %mul3A_126 : vector<16x128xf32>
    %mul3A_128 = arith.constant 0.797884583 : f32
    %mul3A_129 = vector.broadcast %mul3A_128 : f32 to vector<16x128xf32>
    %mul3A_130 = arith.mulf %mul3A_129, %add3A_127 : vector<16x128xf32>
    %tanh3A = math.tanh %mul3A_130 : vector<16x128xf32>
    %add3A_131 = arith.constant 1.000000e+00 : f32
    %add3A_132 = vector.broadcast %add3A_131 : f32 to vector<16x128xf32>
    %add3A_133 = arith.addf %add3A_132, %tanh3A : vector<16x128xf32>
    %mul3A_134 = arith.constant 5.000000e-01 : f32
    %mul3A_135 = vector.broadcast %mul3A_134 : f32 to vector<16x128xf32>
    %mul3A_136 = arith.mulf %mul3A_135, %add3A_133 : vector<16x128xf32>
    %mul3A_137 = arith.mulf %add3A_122, %mul3A_136 : vector<16x128xf32>
    %get3A_138 = arith.constant 0 : index
    %get3A_139 = arith.constant 0 : index
    %get3A_140 = vector.load %arg11[%get3A_138, %get3A_139] : memref<128x128xf32, #tpu.memory_space<vmem>>, vector<128x128xf32>
    %dot_general3A_141 = arith.constant dense<0.000000e+00> : vector<16x128xf32>
    %dot_general3A_142 = tpu.matmul %mul3A_137, %get3A_140, %dot_general3A_141 {dimension_numbers = #tpu.dot_dimension_numbers<[1], [0], [0], [1], [0, 0, 1, 1], [], []>, precision = #tpu.contract_precision<fp32>, transpose_lhs_hint = false} : vector<16x128xf32>, vector<128x128xf32>, vector<16x128xf32> -> vector<16x128xf32>
    %get3A_143 = arith.constant 0 : index
    %get3A_144 = vector.load %arg12[%get3A_143] : memref<128xf32, #tpu.memory_space<vmem>>, vector<128xf32>
    %broadcast_in_dim3A_145 = vector.shape_cast %get3A_144 : vector<128xf32> to vector<1x128xf32>
    %add3A_146 = vector.broadcast %broadcast_in_dim3A_145 : vector<1x128xf32> to vector<16x128xf32>
    %add3A_147 = arith.addf %dot_general3A_142, %add3A_146 : vector<16x128xf32>
    %integer_pow3A_148 = arith.mulf %add3A_147, %add3A_147 : vector<16x128xf32>
    %integer_pow3A_149 = arith.mulf %add3A_147, %integer_pow3A_148 : vector<16x128xf32>
    %mul3A_150 = arith.constant 4.471500e-02 : f32
    %mul3A_151 = vector.broadcast %mul3A_150 : f32 to vector<16x128xf32>
    %mul3A_152 = arith.mulf %mul3A_151, %integer_pow3A_149 : vector<16x128xf32>
    %add3A_153 = arith.addf %add3A_147, %mul3A_152 : vector<16x128xf32>
    %mul3A_154 = arith.constant 0.797884583 : f32
    %mul3A_155 = vector.broadcast %mul3A_154 : f32 to vector<16x128xf32>
    %mul3A_156 = arith.mulf %mul3A_155, %add3A_153 : vector<16x128xf32>
    %tanh3A_157 = math.tanh %mul3A_156 : vector<16x128xf32>
    %add3A_158 = arith.constant 1.000000e+00 : f32
    %add3A_159 = vector.broadcast %add3A_158 : f32 to vector<16x128xf32>
    %add3A_160 = arith.addf %add3A_159, %tanh3A_157 : vector<16x128xf32>
    %mul3A_161 = arith.constant 5.000000e-01 : f32
    %mul3A_162 = vector.broadcast %mul3A_161 : f32 to vector<16x128xf32>
    %mul3A_163 = arith.mulf %mul3A_162, %add3A_160 : vector<16x128xf32>
    %mul3A_164 = arith.mulf %add3A_147, %mul3A_163 : vector<16x128xf32>
    %get3A_165 = arith.constant 0 : index
    %get3A_166 = arith.constant 0 : index
    %get3A_167 = vector.load %arg13[%get3A_165, %get3A_166] : memref<128x10xf32, #tpu.memory_space<vmem>>, vector<128x10xf32>
    %dot_general3A_168 = arith.constant dense<0.000000e+00> : vector<16x10xf32>
    %dot_general3A_169 = tpu.matmul %mul3A_164, %get3A_167, %dot_general3A_168 {dimension_numbers = #tpu.dot_dimension_numbers<[1], [0], [0], [1], [0, 0, 1, 1], [], []>, precision = #tpu.contract_precision<fp32>, transpose_lhs_hint = false} : vector<16x128xf32>, vector<128x10xf32>, vector<16x10xf32> -> vector<16x10xf32>
    %get3A_170 = arith.constant 0 : index
    %get3A_171 = vector.load %arg14[%get3A_170] : memref<10xf32, #tpu.memory_space<vmem>>, vector<10xf32>
    %broadcast_in_dim3A_172 = vector.shape_cast %get3A_171 : vector<10xf32> to vector<1x10xf32>
    %add3A_173 = vector.broadcast %broadcast_in_dim3A_172 : vector<1x10xf32> to vector<16x10xf32>
    %add3A_174 = arith.addf %dot_general3A_169, %add3A_173 : vector<16x10xf32>
    %swap3A = arith.constant 0 : index
    %swap3A_175 = arith.constant 0 : index
    %swap3A_176 = vector.load %arg15[%swap3A, %swap3A_175] : memref<16x10xf32, #tpu.memory_space<vmem>>, vector<16x10xf32>
    tpu.vector_store %arg15[%swap3A, %swap3A_175], %add3A_174 {strides = array<i32>} : memref<16x10xf32, #tpu.memory_space<vmem>>, vector<16x10xf32>,
    return
  }
}

</mosaic_0001>

<sc_bundles>
// kernel: kernel.12.cloned.1.call-start
scs
__scs_entry_jumppad:
0x0: {  	(pc) =	sbr.rel $0x88, $3  }
0x1: {  	(tag) =	ssettag $0x0;
	lr =	simm.s32 $0x1  }
0x2: {  	[smem:$0x3F8E] =	sst lr;
	_ =	strace $0xD0000000  }
0x3: {  	_ = 	snop  }
0x4: {  	_ = 	snop  }
0x5: {  	_ = 	snop  }
0x6: {  	_ = 	snop  }
0x7: {  	_ = 	snop  }
__scs_overlays_trampoline_lowered:
0x8: {  	[smem:$0x3F9D] =	sst s0  }
0x9: {  	[smem:$0x3F9E] =	sst s1  }
0xa: {  	[smem:$0x3F9F] =	sst s2  }
0xb: {  	[smem:$0x3FA0] =	sst s3  }
0xc: {  	[smem:$0x3FA1] =	sst s4  }
0xd: {  	[smem:$0x3FA2] =	sst s5  }
0xe: {  	[smem:$0x3FA3] =	sst s6  }
0xf: {  	[smem:$0x3FA4] =	sst s7  }
0x10: {  	[smem:$0x3FA5] =	sst s8  }
0x11: {  	[smem:$0x3FA6] =	sst s9;
	s0 =	simm.s32 @!p0 $0x0  }
0x12: {  	s1 =	sld [smem:$0x3F8C];
	s0 =	simm.s32 @p0 $0x1  }
0x13: {  	[smem:$0x3FA7] =	sst s0;
	s0 =	simm.s32 @!p1 $0x0  }
0x14: {  	s2 =	sld [smem:$0x3F8B];
	s0 =	simm.s32 @p1 $0x1  }
0x15: {  	[smem:$0x3FA8] =	sst s0;
	s0 =	simm.s32 @!p2 $0x0  }
0x16: {  	s3 =	sld [smem:$0x3FDB];
	s0 =	simm.s32 @p2 $0x1  }
0x17: {  	s4 =	simm.s32 $0x1BF5;
	[smem:$0x3FAA] =	sst s0  }
0x18: {  	s0 =	sld [smem:$0x3F8D];
	_ =	swait.ge [sflag:s4], $0x0  }
0x19: {  	s7 =	sld [smem:$0x3F8E]  }
0x1a: {  	s8 =	sadd.s32 $0xFFFFE003, lr  }
0x1b: {  	s9 =	sadd.s32 $0xFFFFFEF7, lr;
	s5 =	simm.s32 $0xFFFFFFFF;
	p2 =	slt.u32 s8, $0xFFFFF086  }
0x1c: {  	p1 =	slt.u32 s9, $0xF7A;
	s5 =	simm.s32 @!p2 $0x0  }
0x1d: {  	s5 =	simm.s32 @p1 $0x1;
	p0 =	seq.s32 s7, s2  }
0x1e: {  	s7 =	smul.u32 @!p0 $0xF7A, s2;
	p2 =	seq.s32 @!p0 s5, $0x0  }
0x1f: {  	s9 =	smul.u32 $0xF7A, s1;
	s8 =	simm.s32 @!p0 $0x1BF5;
	p2 =	por !p2, p0  }
0x20: {  	[sflag:s8] =	ssyncset.s32 @!p0 $0xFFFFF086;
	s6 =	sadd.s32 @!p0 s3, s7;
	s7 =	simm.s32 @!p0 $0x108  }
0x21: {  	s3 =	sadd.s32 s3, s9;
	s6 =	sadd.s32 @!p0 $0x88, s6;
	s7 =	simm.s32 @p2 $0x1082  }
0x22: {  	[simem:s7], [sflag:s8] =	dma.local @!p0 [hbm:s6], $0xF7A  }
0x23: {  	s9 =	sor.u32 $0xD0000000, s2;
	s6 =	simm.s32 $0x108;
	_ =	swait.ge @!p0 [sflag:s8], $0x0  }
0x24: {  	s3 =	sadd.s32 $0x88, s3;
	s6 =	simm.s32 @!p1 $0x1082;
	[sflag:s4] =	ssyncset.s32 $0xFFFFF086  }
0x25: {  	[simem:s6], [sflag:s4] =	dma.local [hbm:s3], $0xF7A  }
0x26: {  	[smem:$0x3F8E] =	sst s1;
	(tag) =	ssettag s2;
	_ =	strace s9  }
0x27: {  	s1 =	sld [smem:$0x3F9E]  }
0x28: {  	s2 =	sld [smem:$0x3F9F]  }
0x29: {  	s4 =	sld [smem:$0x3FA1]  }
0x2a: {  	p0 =	seq.s32 s5, $0x0;
	s5 =	sld [smem:$0x3FA2]  }
0x2b: {  	s6 =	sld [smem:$0x3FA3]  }
0x2c: {  	s7 =	sld [smem:$0x3FA4]  }
0x2d: {  	s3 =	simm.s32 $0x108;
	s8 =	sld [smem:$0x3FA5]  }
0x2e: {  	s3 =	simm.s32 @!p0 $0x1082;
	s9 =	sld [smem:$0x3FA6]  }
0x2f: {  	lr =	sadd.s32 s0, s3;
	s0 =	sld [smem:$0x3F9D]  }
0x30: {  	s3 =	sld [smem:$0x3FA0]  }
0x31: {  	[smem:$0x3FA9] =	sst s10  }
0x32: {  	s10 =	sld [smem:$0x3FA7];
	_ =	sdelay $0x3  }
0x33: {  	p0 =	seq.s32 s10, $0x1;
	s10 =	sld [smem:$0x3FA9];
	_ =	sdelay $0x3  }
0x34: {  	[smem:$0x3FA9] =	sst s10  }
0x35: {  	s10 =	sld [smem:$0x3FA8];
	_ =	sdelay $0x3  }
0x36: {  	p1 =	seq.s32 s10, $0x1;
	s10 =	sld [smem:$0x3FA9];
	_ =	sdelay $0x3  }
0x37: {  	[smem:$0x3FA9] =	sst s10  }
0x38: {  	s10 =	sld [smem:$0x3FAA]  }
0x39: {  	_ = 	snop;
	(pc) =	sbr.ind lr, $3  }
0x3a: {  	_ = 	snop  }
0x3b: {  	_ = 	snop  }
0x3c: {  	p2 =	seq.s32 s10, $0x1;
	s10 =	sld [smem:$0x3FA9]  }
0x3d: {  	_ =	shalt  }
0x3e: {  	_ =	shalt  }
0x3f: {  	_ =	shalt  }
0x40: {  	_ =	shalt  }
0x41: {  	_ =	shalt  }
0x42: {  	_ =	shalt  }
0x43: {  	_ =	shalt  }
0x44: {  	_ =	shalt  }
0x45: {  	_ =	shalt  }
0x46: {  	_ =	shalt  }
0x47: {  	_ =	shalt  }
0x48: {  	_ =	shalt  }
0x49: {  	_ =	shalt  }
0x4a: {  	_ =	shalt  }
0x4b: {  	_ =	shalt  }
0x4c: {  	_ =	shalt  }
0x4d: {  	_ =	shalt  }
0x4e: {  	_ =	shalt  }
0x4f: {  	_ =	shalt  }
0x50: {  	_ =	shalt  }
0x51: {  	_ =	shalt  }
0x52: {  	_ =	shalt  }
0x53: {  	_ =	shalt  }
0x54: {  	_ =	shalt  }
0x55: {  	_ =	shalt  }
0x56: {  	_ =	shalt  }
0x57: {  	_ =	shalt  }
0x58: {  	_ =	shalt  }
0x59: {  	_ =	shalt  }
0x5a: {  	_ =	shalt  }
0x5b: {  	_ =	shalt  }
0x5c: {  	_ =	shalt  }
0x5d: {  	_ =	shalt  }
0x5e: {  	_ =	shalt  }
0x5f: {  	_ =	shalt  }
0x60: {  	_ =	shalt  }
0x61: {  	_ =	shalt  }
0x62: {  	_ =	shalt  }
0x63: {  	_ =	shalt  }
0x64: {  	_ =	shalt  }
0x65: {  	_ =	shalt  }
0x66: {  	_ =	shalt  }
0x67: {  	_ =	shalt  }
0x68: {  	_ =	shalt  }
0x69: {  	_ =	shalt  }
0x6a: {  	_ =	shalt  }
0x6b: {  	_ =	shalt  }
0x6c: {  	_ =	shalt  }
0x6d: {  	_ =	shalt  }
0x6e: {  	_ =	shalt  }
0x6f: {  	_ =	shalt  }
0x70: {  	_ =	shalt  }
0x71: {  	_ =	shalt  }
0x72: {  	_ =	shalt  }
0x73: {  	_ =	shalt  }
0x74: {  	_ =	shalt  }
0x75: {  	_ =	shalt  }
0x76: {  	_ =	shalt  }
0x77: {  	_ =	shalt  }
0x78: {  	_ =	shalt  }
0x79: {  	_ =	shalt  }
0x7a: {  	_ =	shalt  }
0x7b: {  	_ =	shalt  }
0x7c: {  	_ =	shalt  }
0x7d: {  	_ =	shalt  }
0x7e: {  	_ =	shalt  }
0x7f: {  	_ =	shalt  }
0x80: {  	_ =	shalt  }
0x81: {  	_ =	shalt  }
0x82: {  	_ =	shalt  }
0x83: {  	_ =	shalt  }
0x84: {  	_ =	shalt  }
0x85: {  	_ =	shalt  }
0x86: {  	_ =	shalt  }
0x87: {  	_ =	shalt  }
.Lfunc_end0:
.L_simem_size_0:
called_computation_lowered:
.L_overlay_start_0:
0x88: {  	s2 =	sld [smem:$0x3FD9]  }
0x89: {  	s3 =	sld [smem:$0x3FFE];
	_ =	sdelay $0x1  }
0x8a: {  	s1 =	srdreg.scid  }
0x8b: {  	s0 =	sand.u32 $0x1, s1  }
0x8c: {  	s16 =	sshll.u32 s0, $0xA;
	s2 =	sadd.s32 s3, s2  }
0x8d: {  	s2 =	sadd.s32 s2, s16  }
0x8e: {  	[smem:$0x3FB5] =	sst s2  }
0x8f: {  	_ = 	snop  }
0x90: {  	(tm) =	ssettm $0x1  }
0x91: {  	s17 =	sld [smem:$0x3FFB];
	_ =	sdelay $0x3  }
0x92: {  	_ =	strace s17  }
0x93: {  	s2 =	sld [smem:$0x3FFC];
	_ =	sdelay $0x3  }
0x94: {  	_ =	strace s2  }
0x95: {  	s2 =	sld [smem:$0x3FFD];
	_ =	sdelay $0x3  }
0x96: {  	_ =	strace s2  }
0x97: {  	_ =	strace $0x8FFFFFFF  }
0x98: {  	s18 =	sld [smem:$0x3FDB];
	_ =	sdelay $0x1  }
0x99: {  	s19 =	simm.s32 $_scs_section_size  }
0x9a: {  	s4 =	simm.s32 $_size__tile_overlayer_lowered;
	s5 =	simm.s32 $_tile_overlayer_lowered  }
0x9b: {  	s22 =	simm.s32 $0x1BFF;
	s21 =	sshll.u32 s5, $0x1;
	s2 =	sadd.s32 s19, s18  }
0x9c: {  	s6 =	simm.s32 $0x0;
	s20 =	sshll.u32 s4, $0x1;
	s4 =	sadd.s32 s21, s2  }
0x9d: {  	[timem:s6], [sflag:s22] =	dma.local [hbm:s4], s20  }
0x9e: {  	_ =	swait.ge [sflag:s22], s20  }
0x9f: {  	s3 =	ssub.s32 $0x0, s20;
	[sflag:s22] =	ssyncset.done $0x0  }
0xa0: {  	[sflag:s22] =	ssyncadd.s32 s3;
	_ =	sdelay $0x1  }
0xa1: {  	s23 =	simm.s32 $0x1B8B  }
0xa2: {  	_ =	swait.ge [sflag:s23], $0x1  }
0xa3: {  	[sflag:s23] =	ssyncset.done $0x0  }
0xa4: {  	s25 =	simm.s32 $0x1B8E;
	s24 =	sld [smem:$0x3FFE];
	[sflag:s23] =	ssyncadd.s32 $0xFFFFFFFF  }
0xa5: {  	s26 =	simm.s32 $execute0_lowered;
	[smem:$0x3FD2] =	sst s25  }
0xa6: {  	s4 =	sshll.u32 s26, $0x1;
	_ =	strace $0x80000046;
	[dreg:$0x1] =	wrdreg $0xFFFFFFFF  }
0xa7: {  	s28 =	simm.s32 $_size_execute0_lowered;
	s2 =	sadd.s32 s2, s4;
	[dreg:$0x0] =	wrdreg $0x0  }
0xa8: {  	s4 =	sshll.u32 s28, $0x1;
	[dreg:$0x2] =	wrdreg s2  }
0xa9: {  	[dreg:$0x3] =	wrdreg s4  }
0xaa: {  	[dreg:$0x4] =	wrdreg $0xC0  }
0xab: {  	_ =	task [dreg:s6], $0x5FFFF  }
0xac: {  	[dreg:$0x1] =	wrdreg $0xFFFFFFFF  }
0xad: {  	[dreg:$0x0] =	wrdreg $0x60  }
0xae: {  	[dreg:$0x2] =	wrdreg s24  }
0xaf: {  	[dreg:$0x3] =	wrdreg $0x68000  }
0xb0: {  	[dreg:$0x4] =	wrdreg $0x9  }
0xb1: {  	_ =	task.clear_ibuf [dreg:s6], $0x5FFFF;
	_ =	strace $0x90000046  }
0xb2: {  	s29 =	simm.s32 $0x9;
	_ =	strace $0x80000048  }
0xb3: {  	_ =	swait.ge [sflag:s29], $0x1  }
0xb4: {  	[sflag:s29] =	ssyncadd.s32 $0xFFFFFFFF  }
0xb5: {  	_ =	strace $0x90000048  }
0xb6: {  	_ =	sfence  }
0xb7: {  	s30 =	sld [smem:$0x0];
	_ =	sdelay $0x2  }
0xb8: {  	s31 =	sshll.u32 s1, $0xD;
	s1 =	sshrl.u32 s1, $0x2  }
0xb9: {  	s3 =	sand.u32 $0x4000, s31;
	s1 =	sadd.s32 s1, s30  }
0xba: {  	s0 =	sor.u32 s3, s0;
	s1 =	sshll.u32 s1, $0x11  }
0xbb: {  	s0 =	sor.u32 s1, s0  }
0xbc: {  	s0 =	sadd.s32 $0x8F2B, s0  }
0xbd: {  	[sflag:s0] =	ssyncadd.remote.s32 $0x1  }
0xbe: {  	_ =	sfence.sel $0xFFFF  }
0xbf: {  	[dreg:$0x0] =	wrdreg $0xFFFFFFFF;
	(pc) =	sbr.abs _section_cstart, $3  }
0xc0: {  	[dreg:$0x1] =	wrdreg $0xFFFFFFFF  }
0xc1: {  	_ =	task.clear_ibuf [dreg:s6], $0x2FFFF;
	_ =	strace $0x9FFFFFFF  }
0xc2: {  	(tm) =	ssettm $0x7FFFFFFF  }
0xc3: {  	_ =	shalt  }
tec
execute0_lowered:
.L_overlay_start_1:
0x0: {  	(tag) =	ssettag $0x1  }
0x1: {  	s5 =	rddreg [dreg:$0x0]  }
0x2: {  	s2 =	rddreg [dreg:$0x1]  }
0x3: {  	s0 =	rddreg [dreg:$0x2]  }
0x4: {  	s1 =	stileid.u32;
	s4 =	srdreg.scid  }
0x5: {  	s3 =	simm.s32 $0x0;
	s14 =	simm.s32 $0x0;
	s6 =	smul.u32 $0x14000, s1  }
0x6: {  	s7 =	sand.u32 $0x1, s4;
	[smem:$0x7FF] =	sst s3;
	s24 =	sshll.u32 s1, $0xB  }
0x7: {  	s4 =	sadd.s32 $0x14600, s5;
	s11 =	smul.u32 $0x50000, s1;
	s31 =	sshll.u32 s1, $0x6  }
0x8: {  	s8 =	smul.u32 $0x140000, s7;
	_ =	strace $0x80000047;
	s9 =	sadd.s32 s24, s5  }
0x9: {  	s25 =	ssub.s32 $0x2, s7;
	s28 =	sshll.u32 s7, $0xF;
	s10 =	sshrl.u32 s6, $0x3  }
0xa: {  	s26 =	sshrl.u32 s25, $0x1;
	s29 =	sadd.s32 s28, s9;
	s30 =	sshrl.u32 s11, $0x2  }
0xb: {  	s9 =	simm.s32 $0x1;
	s11 =	sor.u32 $0x1C01, s31;
	s6 =	sadd.s32 s6, s8  }
0xc: {  	s10 =	sadd.s32 s10, s5;
	s8 =	ssub.s32 s25, s26;
	s6 =	sshrl.u32 s6, $0x3  }
0xd: {  	s13 =	sadd.s32 s30, s2;
	s8 =	smax.u32 s8, $0x1;
	s12 =	sadd.s32 s6, s5  }
0xe: {  	s5 =	sadd.s32 $0x4600, s29;
	s6 =	sadd.s32 $0x14C00, s10;
	s10 =	simm.s32 $0x4000  }
0xf: {  	s7 =	sadd.s32 $0x3CC00, s12;
	s12 =	sshrl.u32 s13, $0x3;
	s13 =	simm.s32 $0x50  }
.LBB2_1:
0x10: {  	[tilespmem:s3], [sflag:$0x1] =	stream.linear.gather [hbm4b:s5+s3], $0x3E80, $0x38;
	[tilespmem:$0x1A800] =	vst v63  }
0x11: {  	_ =	swait.ge [sflag:s9], $0x3E80  }
0x12: {  	[sflag:s9] =	ssyncset.done $0x0  }
0x13: {  	[sflag:s9] =	ssyncadd.s32 $0xFFFFC180  }
0x14: {  	[tilespmem:s10], [sflag:$0x1] =	stream.linear.gather [hbm4b:s4+s3], $0x2800, $0x38;
	[tilespmem:$0x1A800] =	vst v63  }
0x15: {  	_ =	swait.ge [sflag:s9], $0x2800  }
0x16: {  	[sflag:s9] =	ssyncset.done $0x0  }
0x17: {  	[sflag:s9] =	ssyncadd.s32 $0xFFFFD800  }
0x18: {  	[spmem:s12], [sflag:s11] =	dma.local [hbm:s6], $0x2800  }
0x19: {  	_ =	swait.ge [sflag:s9], $0x2800  }
0x1a: {  	[sflag:s9] =	ssyncset.done $0x0  }
0x1b: {  	[sflag:s9] =	ssyncadd.s32 $0xFFFFD800  }
0x1c: {  	s15 =	simm.s32 $0x0;
	[bflag:$0x0] =	sbarrier.arrive $0xFFFF  }
0x1d: {  	[spmem:s2] =	stream.indirect.scatter.add.f32 [tilespmem:s10], [sflag:$0x1], $0x80, s15, s13, $0xb8;
	[tilespmem:$0x1A800] =	vst v63  }
0x1e: {  	_ =	swait.ge [sflag:s9], $0x2800  }
0x1f: {  	s15 =	simm.s32 $0x200;
	[sflag:s9] =	ssyncset.done $0x0  }
.LBB2_2:
0x20: {  	s16 =	sshra.s32 s15, $0x2;
	[sflag:s9] =	ssyncadd.s32 $0xFFFFD800;
	p0 =	sne.s32 s15, $0xF800  }
0x21: {  	[spmem:s2] =	stream.indirect.scatter.add.f32 [tilespmem:s10], [sflag:$0x1], $0x80, s16, s13, $0xb8;
	[tilespmem:$0x1A800] =	vst v63  }
.Ltmp0:
0x22: {  	_ = 	snop;
	(pc) =	sbr.rel @p0 .LBB2_2-.Ltmp0, $4  }
0x23: {  	_ = 	snop  }
0x24: {  	s15 =	sadd.s32 $0x200, s15  }
0x25: {  	_ =	swait.ge [sflag:s9], $0x2800  }
0x26: {  	[sflag:s9] =	ssyncset.done $0x0  }
0x27: {  	s14 =	sadd.s32 $0x1, s14  }
0x28: {  	[sflag:s9] =	ssyncadd.s32 $0xFFFFD800;
	p0 =	sne.s32 s14, s8  }
.Ltmp1:
0x29: {  	[bflag:$0x0] =	sbarrier.arrive $0xFFFF;
	(pc) =	sbr.rel @p0 .LBB2_1-.Ltmp1, $4  }
0x2a: {  	[hbm:s7], [sflag:s11] =	dma.local [spmem:s12], $0x2800  }
0x2b: {  	_ =	swait.ge [sflag:s9], $0x2800  }
0x2c: {  	[sflag:s9] =	ssyncset.done $0x0  }
0x2d: {  	[sflag:s9] =	ssyncadd.s32 $0xFFFFD800  }
0x2e: {  	_ =	sfence.sel $0x180000  }
0x2f: {  	[bflag:$0x0] =	sbarrier.arrive $0xFFFF  }
0x30: {  	p0 =	sne.s32 s1, $0x0;
	_ =	strace $0x90000047  }
0x31: {  	s0 =	sadd.s32 @!p0 $0x100000, s0;
	[bflag:$0x2] =	sbarrier.arrive $0xFFFF  }
0x32: {  	[sflag:s0] =	ssyncadd.tile.s32 @!p0 $0x1;
	_ =	shalt  }
.Lfunc_end2:
_tile_overlayer_lowered:
.L_overlay_start_2:
0x33: {  	(tag) =	ssettag $0x2  }
0x34: {  	s0 =	rddreg [dreg:$0x0];
	s2 =	stileid.u32  }
0x35: {  	s1 =	rddreg [dreg:$0x1];
	p0 =	sne.s32 s2, $0x0  }
0x36: {  	s3 =	rddreg [dreg:$0x2];
	[bflag:$0x3] =	sbarrier.arrive $0xFFFF;
	s2 =	simm.s32 @!p0 $0x1C01  }
0x37: {  	[timem:s3], [sflag:s2] =	dma.local @!p0 [hbm:s0], s1  }
0x38: {  	s0 =	simm.s32 @!p0 $0x1  }
0x39: {  	_ =	swait.ge @!p0 [sflag:s0], s1  }
0x3a: {  	s1 =	ssub.s32 @!p0 $0x0, s1;
	[sflag:s0] =	ssyncset.done @!p0 $0x0  }
0x3b: {  	[sflag:s0] =	ssyncadd.s32 @!p0 s1  }
0x3c: {  	[bflag:$0x3] =	sbarrier.arrive $0xFFFF  }
0x3d: {  	_ =	shalt  }

// kernel: kernel.15.cloned.1.call-start
scs
__scs_entry_jumppad:
0x0: {  	(pc) =	sbr.rel $0x88, $3  }
0x1: {  	(tag) =	ssettag $0x0;
	lr =	simm.s32 $0x1  }
0x2: {  	[smem:$0x3F8E] =	sst lr;
	_ =	strace $0xD0000000  }
0x3: {  	_ = 	snop  }
0x4: {  	_ = 	snop  }
0x5: {  	_ = 	snop  }
0x6: {  	_ = 	snop  }
0x7: {  	_ = 	snop  }
__scs_overlays_trampoline_lowered:
0x8: {  	[smem:$0x3F9D] =	sst s0  }
0x9: {  	[smem:$0x3F9E] =	sst s1  }
0xa: {  	[smem:$0x3F9F] =	sst s2  }
0xb: {  	[smem:$0x3FA0] =	sst s3  }
0xc: {  	[smem:$0x3FA1] =	sst s4  }
0xd: {  	[smem:$0x3FA2] =	sst s5  }
0xe: {  	[smem:$0x3FA3] =	sst s6  }
0xf: {  	[smem:$0x3FA4] =	sst s7  }
0x10: {  	[smem:$0x3FA5] =	sst s8  }
0x11: {  	[smem:$0x3FA6] =	sst s9;
	s0 =	simm.s32 @!p0 $0x0  }
0x12: {  	s1 =	sld [smem:$0x3F8C];
	s0 =	simm.s32 @p0 $0x1  }
0x13: {  	[smem:$0x3FA7] =	sst s0;
	s0 =	simm.s32 @!p1 $0x0  }
0x14: {  	s2 =	sld [smem:$0x3F8B];
	s0 =	simm.s32 @p1 $0x1  }
0x15: {  	[smem:$0x3FA8] =	sst s0;
	s0 =	simm.s32 @!p2 $0x0  }
0x16: {  	s3 =	sld [smem:$0x3FDB];
	s0 =	simm.s32 @p2 $0x1  }
0x17: {  	s4 =	simm.s32 $0x1BF5;
	[smem:$0x3FAA] =	sst s0  }
0x18: {  	s0 =	sld [smem:$0x3F8D];
	_ =	swait.ge [sflag:s4], $0x0  }
0x19: {  	s7 =	sld [smem:$0x3F8E]  }
0x1a: {  	s8 =	sadd.s32 $0xFFFFE003, lr  }
0x1b: {  	s9 =	sadd.s32 $0xFFFFFEF7, lr;
	s5 =	simm.s32 $0xFFFFFFFF;
	p2 =	slt.u32 s8, $0xFFFFF086  }
0x1c: {  	p1 =	slt.u32 s9, $0xF7A;
	s5 =	simm.s32 @!p2 $0x0  }
0x1d: {  	s5 =	simm.s32 @p1 $0x1;
	p0 =	seq.s32 s7, s2  }
0x1e: {  	s7 =	smul.u32 @!p0 $0xF7A, s2;
	p2 =	seq.s32 @!p0 s5, $0x0  }
0x1f: {  	s9 =	smul.u32 $0xF7A, s1;
	s8 =	simm.s32 @!p0 $0x1BF5;
	p2 =	por !p2, p0  }
0x20: {  	[sflag:s8] =	ssyncset.s32 @!p0 $0xFFFFF086;
	s6 =	sadd.s32 @!p0 s3, s7;
	s7 =	simm.s32 @!p0 $0x108  }
0x21: {  	s3 =	sadd.s32 s3, s9;
	s6 =	sadd.s32 @!p0 $0x88, s6;
	s7 =	simm.s32 @p2 $0x1082  }
0x22: {  	[simem:s7], [sflag:s8] =	dma.local @!p0 [hbm:s6], $0xF7A  }
0x23: {  	s9 =	sor.u32 $0xD0000000, s2;
	s6 =	simm.s32 $0x108;
	_ =	swait.ge @!p0 [sflag:s8], $0x0  }
0x24: {  	s3 =	sadd.s32 $0x88, s3;
	s6 =	simm.s32 @!p1 $0x1082;
	[sflag:s4] =	ssyncset.s32 $0xFFFFF086  }
0x25: {  	[simem:s6], [sflag:s4] =	dma.local [hbm:s3], $0xF7A  }
0x26: {  	[smem:$0x3F8E] =	sst s1;
	(tag) =	ssettag s2;
	_ =	strace s9  }
0x27: {  	s1 =	sld [smem:$0x3F9E]  }
0x28: {  	s2 =	sld [smem:$0x3F9F]  }
0x29: {  	s4 =	sld [smem:$0x3FA1]  }
0x2a: {  	p0 =	seq.s32 s5, $0x0;
	s5 =	sld [smem:$0x3FA2]  }
0x2b: {  	s6 =	sld [smem:$0x3FA3]  }
0x2c: {  	s7 =	sld [smem:$0x3FA4]  }
0x2d: {  	s3 =	simm.s32 $0x108;
	s8 =	sld [smem:$0x3FA5]  }
0x2e: {  	s3 =	simm.s32 @!p0 $0x1082;
	s9 =	sld [smem:$0x3FA6]  }
0x2f: {  	lr =	sadd.s32 s0, s3;
	s0 =	sld [smem:$0x3F9D]  }
0x30: {  	s3 =	sld [smem:$0x3FA0]  }
0x31: {  	[smem:$0x3FA9] =	sst s10  }
0x32: {  	s10 =	sld [smem:$0x3FA7];
	_ =	sdelay $0x3  }
0x33: {  	p0 =	seq.s32 s10, $0x1;
	s10 =	sld [smem:$0x3FA9];
	_ =	sdelay $0x3  }
0x34: {  	[smem:$0x3FA9] =	sst s10  }
0x35: {  	s10 =	sld [smem:$0x3FA8];
	_ =	sdelay $0x3  }
0x36: {  	p1 =	seq.s32 s10, $0x1;
	s10 =	sld [smem:$0x3FA9];
	_ =	sdelay $0x3  }
0x37: {  	[smem:$0x3FA9] =	sst s10  }
0x38: {  	s10 =	sld [smem:$0x3FAA]  }
0x39: {  	_ = 	snop;
	(pc) =	sbr.ind lr, $3  }
0x3a: {  	_ = 	snop  }
0x3b: {  	_ = 	snop  }
0x3c: {  	p2 =	seq.s32 s10, $0x1;
	s10 =	sld [smem:$0x3FA9]  }
0x3d: {  	_ =	shalt  }
0x3e: {  	_ =	shalt  }
0x3f: {  	_ =	shalt  }
0x40: {  	_ =	shalt  }
0x41: {  	_ =	shalt  }
0x42: {  	_ =	shalt  }
0x43: {  	_ =	shalt  }
0x44: {  	_ =	shalt  }
0x45: {  	_ =	shalt  }
0x46: {  	_ =	shalt  }
0x47: {  	_ =	shalt  }
0x48: {  	_ =	shalt  }
0x49: {  	_ =	shalt  }
0x4a: {  	_ =	shalt  }
0x4b: {  	_ =	shalt  }
0x4c: {  	_ =	shalt  }
0x4d: {  	_ =	shalt  }
0x4e: {  	_ =	shalt  }
0x4f: {  	_ =	shalt  }
0x50: {  	_ =	shalt  }
0x51: {  	_ =	shalt  }
0x52: {  	_ =	shalt  }
0x53: {  	_ =	shalt  }
0x54: {  	_ =	shalt  }
0x55: {  	_ =	shalt  }
0x56: {  	_ =	shalt  }
0x57: {  	_ =	shalt  }
0x58: {  	_ =	shalt  }
0x59: {  	_ =	shalt  }
0x5a: {  	_ =	shalt  }
0x5b: {  	_ =	shalt  }
0x5c: {  	_ =	shalt  }
0x5d: {  	_ =	shalt  }
0x5e: {  	_ =	shalt  }
0x5f: {  	_ =	shalt  }
0x60: {  	_ =	shalt  }
0x61: {  	_ =	shalt  }
0x62: {  	_ =	shalt  }
0x63: {  	_ =	shalt  }
0x64: {  	_ =	shalt  }
0x65: {  	_ =	shalt  }
0x66: {  	_ =	shalt  }
0x67: {  	_ =	shalt  }
0x68: {  	_ =	shalt  }
0x69: {  	_ =	shalt  }
0x6a: {  	_ =	shalt  }
0x6b: {  	_ =	shalt  }
0x6c: {  	_ =	shalt  }
0x6d: {  	_ =	shalt  }
0x6e: {  	_ =	shalt  }
0x6f: {  	_ =	shalt  }
0x70: {  	_ =	shalt  }
0x71: {  	_ =	shalt  }
0x72: {  	_ =	shalt  }
0x73: {  	_ =	shalt  }
0x74: {  	_ =	shalt  }
0x75: {  	_ =	shalt  }
0x76: {  	_ =	shalt  }
0x77: {  	_ =	shalt  }
0x78: {  	_ =	shalt  }
0x79: {  	_ =	shalt  }
0x7a: {  	_ =	shalt  }
0x7b: {  	_ =	shalt  }
0x7c: {  	_ =	shalt  }
0x7d: {  	_ =	shalt  }
0x7e: {  	_ =	shalt  }
0x7f: {  	_ =	shalt  }
0x80: {  	_ =	shalt  }
0x81: {  	_ =	shalt  }
0x82: {  	_ =	shalt  }
0x83: {  	_ =	shalt  }
0x84: {  	_ =	shalt  }
0x85: {  	_ =	shalt  }
0x86: {  	_ =	shalt  }
0x87: {  	_ =	shalt  }
.Lfunc_end0:
.L_simem_size_0:
called_computation.1_lowered:
.L_overlay_start_0:
0x88: {  	s2 =	sld [smem:$0x3FD9]  }
0x89: {  	s3 =	sld [smem:$0x3FFE];
	_ =	sdelay $0x1  }
0x8a: {  	s1 =	srdreg.scid  }
0x8b: {  	s0 =	sand.u32 $0x1, s1  }
0x8c: {  	s16 =	sshll.u32 s0, $0xA;
	s2 =	sadd.s32 s3, s2  }
0x8d: {  	s2 =	sadd.s32 s2, s16  }
0x8e: {  	[smem:$0x3FB5] =	sst s2  }
0x8f: {  	_ = 	snop  }
0x90: {  	(tm) =	ssettm $0x1  }
0x91: {  	s17 =	sld [smem:$0x3FFB];
	_ =	sdelay $0x3  }
0x92: {  	_ =	strace s17  }
0x93: {  	s2 =	sld [smem:$0x3FFC];
	_ =	sdelay $0x3  }
0x94: {  	_ =	strace s2  }
0x95: {  	s2 =	sld [smem:$0x3FFD];
	_ =	sdelay $0x3  }
0x96: {  	_ =	strace s2  }
0x97: {  	_ =	strace $0x8FFFFFFF  }
0x98: {  	s18 =	sld [smem:$0x3FDB];
	_ =	sdelay $0x1  }
0x99: {  	s19 =	simm.s32 $_scs_section_size  }
0x9a: {  	s4 =	simm.s32 $_size__tile_overlayer_lowered;
	s5 =	simm.s32 $_tile_overlayer_lowered  }
0x9b: {  	s22 =	simm.s32 $0x1BFF;
	s21 =	sshll.u32 s5, $0x1;
	s2 =	sadd.s32 s19, s18  }
0x9c: {  	s6 =	simm.s32 $0x0;
	s20 =	sshll.u32 s4, $0x1;
	s4 =	sadd.s32 s21, s2  }
0x9d: {  	[timem:s6], [sflag:s22] =	dma.local [hbm:s4], s20  }
0x9e: {  	_ =	swait.ge [sflag:s22], s20  }
0x9f: {  	s3 =	ssub.s32 $0x0, s20;
	[sflag:s22] =	ssyncset.done $0x0  }
0xa0: {  	[sflag:s22] =	ssyncadd.s32 s3;
	_ =	sdelay $0x1  }
0xa1: {  	s23 =	simm.s32 $0x1B8B  }
0xa2: {  	_ =	swait.ge [sflag:s23], $0x1  }
0xa3: {  	[sflag:s23] =	ssyncset.done $0x0  }
0xa4: {  	s25 =	simm.s32 $0x1B8E;
	s24 =	sld [smem:$0x3FFE];
	[sflag:s23] =	ssyncadd.s32 $0xFFFFFFFF  }
0xa5: {  	s26 =	simm.s32 $execute0_lowered;
	[smem:$0x3FD2] =	sst s25  }
0xa6: {  	s4 =	sshll.u32 s26, $0x1;
	_ =	strace $0x80000049;
	[dreg:$0x1] =	wrdreg $0xFFFFFFFF  }
0xa7: {  	s28 =	simm.s32 $_size_execute0_lowered;
	s2 =	sadd.s32 s2, s4;
	[dreg:$0x0] =	wrdreg $0x0  }
0xa8: {  	s4 =	sshll.u32 s28, $0x1;
	[dreg:$0x2] =	wrdreg s2  }
0xa9: {  	[dreg:$0x3] =	wrdreg s4  }
0xaa: {  	[dreg:$0x4] =	wrdreg $0xC0  }
0xab: {  	_ =	task [dreg:s6], $0x5FFFF  }
0xac: {  	[dreg:$0x1] =	wrdreg $0xFFFFFFFF  }
0xad: {  	[dreg:$0x0] =	wrdreg $0x60  }
0xae: {  	[dreg:$0x2] =	wrdreg s24  }
0xaf: {  	[dreg:$0x3] =	wrdreg $0xB7800  }
0xb0: {  	[dreg:$0x4] =	wrdreg $0x9  }
0xb1: {  	_ =	task.clear_ibuf [dreg:s6], $0x5FFFF;
	_ =	strace $0x90000049  }
0xb2: {  	s29 =	simm.s32 $0x9;
	_ =	strace $0x8000004B  }
0xb3: {  	_ =	swait.ge [sflag:s29], $0x1  }
0xb4: {  	[sflag:s29] =	ssyncadd.s32 $0xFFFFFFFF  }
0xb5: {  	_ =	strace $0x9000004B  }
0xb6: {  	_ =	sfence  }
0xb7: {  	s30 =	sld [smem:$0x0];
	_ =	sdelay $0x2  }
0xb8: {  	s31 =	sshll.u32 s1, $0xD;
	s1 =	sshrl.u32 s1, $0x2  }
0xb9: {  	s3 =	sand.u32 $0x4000, s31;
	s1 =	sadd.s32 s1, s30  }
0xba: {  	s0 =	sor.u32 s3, s0;
	s1 =	sshll.u32 s1, $0x11  }
0xbb: {  	s0 =	sor.u32 s1, s0  }
0xbc: {  	s0 =	sadd.s32 $0x8F2B, s0  }
0xbd: {  	[sflag:s0] =	ssyncadd.remote.s32 $0x1  }
0xbe: {  	_ =	sfence.sel $0xFFFF  }
0xbf: {  	[dreg:$0x0] =	wrdreg $0xFFFFFFFF;
	(pc) =	sbr.abs _section_cstart, $3  }
0xc0: {  	[dreg:$0x1] =	wrdreg $0xFFFFFFFF  }
0xc1: {  	_ =	task.clear_ibuf [dreg:s6], $0x2FFFF;
	_ =	strace $0x9FFFFFFF  }
0xc2: {  	(tm) =	ssettm $0x7FFFFFFF  }
0xc3: {  	_ =	shalt  }
tec
execute0_lowered:
.L_overlay_start_1:
0x0: {  	(tag) =	ssettag $0x1  }
0x1: {  	s7 =	rddreg [dreg:$0x0]  }
0x2: {  	s0 =	srdreg.scid;
	s2 =	rddreg [dreg:$0x1];
	s3 =	simm.s32 $0x0  }
0x3: {  	s13 =	simm.s32 $0x2780;
	s16 =	simm.s32 $0x50;
	s17 =	simm.s32 $0x6780  }
0x4: {  	s18 =	simm.s32 $0x8F80;
	s19 =	simm.s32 $0x1;
	s20 =	simm.s32 $0x6580  }
0x5: {  	s21 =	simm.s32 $0x0;
	s5 =	sand.u32 $0x1, s0;
	s0 =	stileid.u32  }
0x6: {  	[smem:$0x7FF] =	sst s3;
	s1 =	sshll.u32 s5, $0x4;
	s28 =	smul.u32 $0x14000, s0  }
0x7: {  	s8 =	sshll.u32 s0, $0x7;
	s10 =	smul.u32 $0x140000, s5;
	s5 =	ssub.s32 $0x2, s5  }
0x8: {  	s29 =	smul.u32 $0x50000, s0;
	s14 =	sshll.u32 s0, $0x6;
	s6 =	sor.u32 s0, s1  }
0x9: {  	s8 =	sand.u32 $0x380, s8;
	s30 =	sshrl.u32 s5, $0x1;
	s14 =	sor.u32 $0x1C02, s14  }
0xa: {  	s1 =	sshrl.u32 s6, $0x3;
	s6 =	sshll.u32 s6, $0xB;
	s11 =	sshrl.u32 s28, $0x3  }
0xb: {  	s12 =	ssub.s32 s5, s30;
	s31 =	sshrl.u32 s29, $0x2;
	s4 =	smul.u32 $0x13C00, s1  }
0xc: {  	s1 =	rddreg [dreg:$0x2];
	_ =	strace $0x8000004A;
	s6 =	sadd.s32 s6, s7  }
0xd: {  	s11 =	sadd.s32 s11, s7;
	s15 =	sadd.s32 s31, s2;
	s6 =	sadd.s32 $0x4600, s6  }
0xe: {  	s15 =	sshrl.u32 s15, $0x3;
	s4 =	sor.u32 s8, s4;
	s8 =	sadd.s32 s28, s10  }
0xf: {  	s10 =	simm.s32 $0x80;
	s9 =	sshrl.u32 s4, $0x3;
	s8 =	sshrl.u32 s8, $0x3  }
0x10: {  	s4 =	sadd.s32 $0x63E00, s7;
	s9 =	sadd.s32 s9, s7;
	s8 =	sadd.s32 s8, s7  }
0x11: {  	s7 =	sadd.s32 $0x14C00, s11;
	s11 =	simm.s32 $0x400;
	s5 =	sadd.s32 $0x8CC00, s9  }
0x12: {  	s8 =	sadd.s32 $0xBDC00, s8;
	s9 =	smax.u32 s12, $0x1;
	s12 =	simm.s32 $0x2  }
.LBB2_1:
0x13: {  	[tilespmem:s3], [sflag:$0x2] =	stream.strided.gather [hbm4b:s5+s10], $0x2780, s11, s10, $0x38;
	[tilespmem:$0x1F780] =	vst v63  }
0x14: {  	_ =	swait.ge [sflag:s12], $0x2780  }
0x15: {  	[sflag:s12] =	ssyncset.done $0x0  }
0x16: {  	[sflag:s12] =	ssyncadd.s32 $0xFFFFD880  }
0x17: {  	[tilespmem:s13], [sflag:$0x2] =	stream.linear.gather [hbm4b:s6+s3], $0x3E80, $0x38;
	[tilespmem:$0x1F780] =	vst v63  }
0x18: {  	_ =	swait.ge [sflag:s12], $0x3E80  }
0x19: {  	[sflag:s12] =	ssyncset.done $0x0  }
0x1a: {  	[sflag:s12] =	ssyncadd.s32 $0xFFFFC180  }
0x1b: {  	[spmem:s15], [sflag:s14] =	dma.local [hbm:s7], $0x2800  }
0x1c: {  	_ =	swait.ge [sflag:s12], $0x2800  }
0x1d: {  	[sflag:s12] =	ssyncset.done $0x0  }
0x1e: {  	[sflag:s12] =	ssyncadd.s32 $0xFFFFD800  }
0x1f: {  	[bflag:$0x0] =	sbarrier.arrive $0xFFFF  }
0x20: {  	[tilespmem:s17], [sflag:$0x1] =	stream.indirect.gather [hbm4b:s4+s16], $0x80, s3, s16, $0xb8;
	[tilespmem:$0x1F780] =	vst v63  }
0x21: {  	s22 =	simm.s32 $0x50  }
0x22: {  	[tilespmem:s18], [sflag:$0x1] =	stream.indirect.gather [hbm4b:s4+s16], $0x80, s22, s16, $0xb8;
	[tilespmem:$0x1F780] =	vst v63  }
0x23: {  	_ =	swait.ge [sflag:s19], $0x2800  }
0x24: {  	[sflag:s19] =	ssyncset.done $0x0  }
0x25: {  	s29 =	simm.s32 $0x2780;
	[sflag:s19] =	ssyncadd.s32 $0xFFFFD800  }
0x26: {  	[spmem:s2] =	stream.indirect.scatter.add.f32 [tilespmem:s17], [sflag:$0x2], $0x80, s29, s16, $0xb8;
	[tilespmem:$0x1F780] =	vst v63  }
0x27: {  	_ =	swait.ge [sflag:s12], $0x2800  }
0x28: {  	[sflag:s12] =	ssyncset.done $0x0  }
0x29: {  	s30 =	simm.s32 $0xA0;
	[sflag:s12] =	ssyncadd.s32 $0xFFFFD800  }
0x2a: {  	[tilespmem:s17], [sflag:$0x1] =	stream.indirect.gather [hbm4b:s4+s16], $0x80, s30, s16, $0xb8;
	[tilespmem:$0x1F780] =	vst v63  }
0x2b: {  	_ =	swait.ge [sflag:s19], $0x2800  }
0x2c: {  	[sflag:s19] =	ssyncset.done $0x0  }
0x2d: {  	s31 =	simm.s32 $0x2800;
	[sflag:s19] =	ssyncadd.s32 $0xFFFFD800  }
0x2e: {  	[spmem:s2] =	stream.indirect.scatter.add.f32 [tilespmem:s18], [sflag:$0x2], $0x80, s31, s16, $0xb8;
	[tilespmem:$0x1F780] =	vst v63  }
0x2f: {  	s23 =	simm.s32 $0x400;
	_ =	swait.ge [sflag:s12], $0x2800  }
0x30: {  	s24 =	simm.s32 $0x800;
	s22 =	simm.s32 $0x140;
	[sflag:s12] =	ssyncset.done $0x0  }
.LBB2_2:
0x31: {  	p0 =	sne.s32 s24, $0xF400;
	s25 =	sadd.s32 $0xFFFFFFB0, s22;
	[sflag:s12] =	ssyncadd.s32 $0xFFFFD800  }
0x32: {  	[tilespmem:s18], [sflag:$0x1] =	stream.indirect.gather [hbm4b:s4+s16], $0x80, s25, s16, $0xb8;
	[tilespmem:$0x1F780] =	vst v63  }
0x33: {  	s25 =	smov.u32 s24;
	s24 =	sadd.s32 $0x400, s24;
	_ =	swait.ge [sflag:s19], $0x2800  }
0x34: {  	s26 =	sshra.s32 s23, $0x2;
	s23 =	smov.u32 s25;
	[sflag:s19] =	ssyncset.done $0x0  }
0x35: {  	s25 =	sadd.s32 $0x2780, s26;
	[sflag:s19] =	ssyncadd.s32 $0xFFFFD800  }
0x36: {  	[spmem:s2] =	stream.indirect.scatter.add.f32 [tilespmem:s17], [sflag:$0x2], $0x80, s25, s16, $0xb8;
	[tilespmem:$0x1F780] =	vst v63  }
0x37: {  	_ =	swait.ge [sflag:s12], $0x2800  }
0x38: {  	[sflag:s12] =	ssyncset.done $0x0  }
0x39: {  	[sflag:s12] =	ssyncadd.s32 $0xFFFFD800  }
0x3a: {  	[tilespmem:s17], [sflag:$0x1] =	stream.indirect.gather [hbm4b:s4+s16], $0x80, s22, s16, $0xb8;
	[tilespmem:$0x1F780] =	vst v63  }
0x3b: {  	_ =	swait.ge [sflag:s19], $0x2800  }
.Ltmp0:
0x3c: {  	[sflag:s19] =	ssyncset.done $0x0;
	(pc) =	sbr.rel @p0 .LBB2_2-.Ltmp0, $4  }
0x3d: {  	s25 =	sadd.s32 $0x2800, s26;
	[sflag:s19] =	ssyncadd.s32 $0xFFFFD800  }
0x3e: {  	[spmem:s2] =	stream.indirect.scatter.add.f32 [tilespmem:s18], [sflag:$0x2], $0x80, s25, s16, $0xb8;
	[tilespmem:$0x1F780] =	vst v63  }
0x3f: {  	_ =	swait.ge [sflag:s12], $0x2800  }
0x40: {  	s22 =	sadd.s32 $0xA0, s22;
	[sflag:s12] =	ssyncset.done $0x0  }
0x41: {  	s24 =	sadd.s32 $0xFFFFFFB0, s22;
	[sflag:s12] =	ssyncadd.s32 $0xFFFFD800  }
0x42: {  	[tilespmem:s18], [sflag:$0x1] =	stream.indirect.gather [hbm4b:s4+s16], $0x80, s24, s16, $0xb8;
	[tilespmem:$0x1F780] =	vst v63  }
0x43: {  	_ =	swait.ge [sflag:s19], $0x2800  }
0x44: {  	s23 =	sshra.s32 s23, $0x2;
	[sflag:s19] =	ssyncset.done $0x0  }
0x45: {  	s30 =	sadd.s32 $0x2780, s23;
	[sflag:s19] =	ssyncadd.s32 $0xFFFFD800  }
0x46: {  	[spmem:s2] =	stream.indirect.scatter.add.f32 [tilespmem:s17], [sflag:$0x2], $0x80, s30, s16, $0xb8;
	[tilespmem:$0x1F780] =	vst v63  }
0x47: {  	_ =	swait.ge [sflag:s12], $0x2800  }
0x48: {  	[sflag:s12] =	ssyncset.done $0x0  }
0x49: {  	[sflag:s12] =	ssyncadd.s32 $0xFFFFD800  }
0x4a: {  	[tilespmem:s17], [sflag:$0x1] =	stream.indirect.gather [hbm4b:s4+s16], $0x80, s22, s16, $0xb8;
	[tilespmem:$0x1F780] =	vst v63  }
0x4b: {  	_ =	swait.ge [sflag:s19], $0x2800  }
0x4c: {  	[sflag:s19] =	ssyncset.done $0x0  }
0x4d: {  	s31 =	sadd.s32 $0x2800, s23;
	[sflag:s19] =	ssyncadd.s32 $0xFFFFD800  }
0x4e: {  	[spmem:s2] =	stream.indirect.scatter.add.f32 [tilespmem:s18], [sflag:$0x2], $0x80, s31, s16, $0xb8;
	[tilespmem:$0x1F780] =	vst v63  }
0x4f: {  	_ =	swait.ge [sflag:s12], $0x2800  }
0x50: {  	[sflag:s12] =	ssyncset.done $0x0  }
0x51: {  	[sflag:s12] =	ssyncadd.s32 $0xFFFFD800  }
0x52: {  	_ =	swait.ge [sflag:s19], $0x2800  }
0x53: {  	[sflag:s19] =	ssyncset.done $0x0  }
0x54: {  	[sflag:s19] =	ssyncadd.s32 $0xFFFFD800  }
0x55: {  	[spmem:s2] =	stream.indirect.scatter.add.f32 [tilespmem:s17], [sflag:$0x2], $0x80, s20, s16, $0xb8;
	[tilespmem:$0x1F780] =	vst v63  }
0x56: {  	_ =	swait.ge [sflag:s12], $0x2800  }
0x57: {  	s21 =	sadd.s32 $0x1, s21;
	[sflag:s12] =	ssyncset.done $0x0  }
0x58: {  	p0 =	sne.s32 s21, s9;
	[sflag:s12] =	ssyncadd.s32 $0xFFFFD800  }
.Ltmp1:
0x59: {  	[bflag:$0x0] =	sbarrier.arrive $0xFFFF;
	(pc) =	sbr.rel @p0 .LBB2_1-.Ltmp1, $4  }
0x5a: {  	[hbm:s8], [sflag:s14] =	dma.local [spmem:s15], $0x2800  }
0x5b: {  	_ =	swait.ge [sflag:s12], $0x2800  }
0x5c: {  	[sflag:s12] =	ssyncset.done $0x0  }
0x5d: {  	[sflag:s12] =	ssyncadd.s32 $0xFFFFD800  }
0x5e: {  	_ =	sfence.sel $0x180000  }
0x5f: {  	[bflag:$0x0] =	sbarrier.arrive $0xFFFF  }
0x60: {  	p0 =	sne.s32 s0, $0x0;
	_ =	strace $0x9000004A  }
0x61: {  	s0 =	sadd.s32 @!p0 $0x100000, s1;
	[bflag:$0x2] =	sbarrier.arrive $0xFFFF  }
0x62: {  	[sflag:s0] =	ssyncadd.tile.s32 @!p0 $0x1;
	_ =	shalt  }
.Lfunc_end2:
_tile_overlayer_lowered:
.L_overlay_start_2:
0x63: {  	(tag) =	ssettag $0x2  }
0x64: {  	s0 =	rddreg [dreg:$0x0];
	s2 =	stileid.u32  }
0x65: {  	s1 =	rddreg [dreg:$0x1];
	p0 =	sne.s32 s2, $0x0  }
0x66: {  	s3 =	rddreg [dreg:$0x2];
	[bflag:$0x3] =	sbarrier.arrive $0xFFFF;
	s2 =	simm.s32 @!p0 $0x1C02  }
0x67: {  	[timem:s3], [sflag:s2] =	dma.local @!p0 [hbm:s0], s1  }
0x68: {  	s0 =	simm.s32 @!p0 $0x2  }
0x69: {  	_ =	swait.ge @!p0 [sflag:s0], s1  }
0x6a: {  	s1 =	ssub.s32 @!p0 $0x0, s1;
	[sflag:s0] =	ssyncset.done @!p0 $0x0  }
0x6b: {  	[sflag:s0] =	ssyncadd.s32 @!p0 s1  }
0x6c: {  	[bflag:$0x3] =	sbarrier.arrive $0xFFFF  }
0x6d: {  	_ =	shalt  }

// kernel: kernel.18.cloned.1.call-start
scs
__scs_entry_jumppad:
0x0: {  	(pc) =	sbr.rel $0x88, $3  }
0x1: {  	(tag) =	ssettag $0x0;
	lr =	simm.s32 $0x1  }
0x2: {  	[smem:$0x3F8E] =	sst lr;
	_ =	strace $0xD0000000  }
0x3: {  	_ = 	snop  }
0x4: {  	_ = 	snop  }
0x5: {  	_ = 	snop  }
0x6: {  	_ = 	snop  }
0x7: {  	_ = 	snop  }
__scs_overlays_trampoline_lowered:
0x8: {  	[smem:$0x3F9D] =	sst s0  }
0x9: {  	[smem:$0x3F9E] =	sst s1  }
0xa: {  	[smem:$0x3F9F] =	sst s2  }
0xb: {  	[smem:$0x3FA0] =	sst s3  }
0xc: {  	[smem:$0x3FA1] =	sst s4  }
0xd: {  	[smem:$0x3FA2] =	sst s5  }
0xe: {  	[smem:$0x3FA3] =	sst s6  }
0xf: {  	[smem:$0x3FA4] =	sst s7  }
0x10: {  	[smem:$0x3FA5] =	sst s8  }
0x11: {  	[smem:$0x3FA6] =	sst s9;
	s0 =	simm.s32 @!p0 $0x0  }
0x12: {  	s1 =	sld [smem:$0x3F8C];
	s0 =	simm.s32 @p0 $0x1  }
0x13: {  	[smem:$0x3FA7] =	sst s0;
	s0 =	simm.s32 @!p1 $0x0  }
0x14: {  	s2 =	sld [smem:$0x3F8B];
	s0 =	simm.s32 @p1 $0x1  }
0x15: {  	[smem:$0x3FA8] =	sst s0;
	s0 =	simm.s32 @!p2 $0x0  }
0x16: {  	s3 =	sld [smem:$0x3FDB];
	s0 =	simm.s32 @p2 $0x1  }
0x17: {  	s4 =	simm.s32 $0x1BF5;
	[smem:$0x3FAA] =	sst s0  }
0x18: {  	s0 =	sld [smem:$0x3F8D];
	_ =	swait.ge [sflag:s4], $0x0  }
0x19: {  	s7 =	sld [smem:$0x3F8E]  }
0x1a: {  	s8 =	sadd.s32 $0xFFFFE003, lr  }
0x1b: {  	s9 =	sadd.s32 $0xFFFFFEF7, lr;
	s5 =	simm.s32 $0xFFFFFFFF;
	p2 =	slt.u32 s8, $0xFFFFF086  }
0x1c: {  	p1 =	slt.u32 s9, $0xF7A;
	s5 =	simm.s32 @!p2 $0x0  }
0x1d: {  	s5 =	simm.s32 @p1 $0x1;
	p0 =	seq.s32 s7, s2  }
0x1e: {  	s7 =	smul.u32 @!p0 $0xF7A, s2;
	p2 =	seq.s32 @!p0 s5, $0x0  }
0x1f: {  	s9 =	smul.u32 $0xF7A, s1;
	s8 =	simm.s32 @!p0 $0x1BF5;
	p2 =	por !p2, p0  }
0x20: {  	[sflag:s8] =	ssyncset.s32 @!p0 $0xFFFFF086;
	s6 =	sadd.s32 @!p0 s3, s7;
	s7 =	simm.s32 @!p0 $0x108  }
0x21: {  	s3 =	sadd.s32 s3, s9;
	s6 =	sadd.s32 @!p0 $0x88, s6;
	s7 =	simm.s32 @p2 $0x1082  }
0x22: {  	[simem:s7], [sflag:s8] =	dma.local @!p0 [hbm:s6], $0xF7A  }
0x23: {  	s9 =	sor.u32 $0xD0000000, s2;
	s6 =	simm.s32 $0x108;
	_ =	swait.ge @!p0 [sflag:s8], $0x0  }
0x24: {  	s3 =	sadd.s32 $0x88, s3;
	s6 =	simm.s32 @!p1 $0x1082;
	[sflag:s4] =	ssyncset.s32 $0xFFFFF086  }
0x25: {  	[simem:s6], [sflag:s4] =	dma.local [hbm:s3], $0xF7A  }
0x26: {  	[smem:$0x3F8E] =	sst s1;
	(tag) =	ssettag s2;
	_ =	strace s9  }
0x27: {  	s1 =	sld [smem:$0x3F9E]  }
0x28: {  	s2 =	sld [smem:$0x3F9F]  }
0x29: {  	s4 =	sld [smem:$0x3FA1]  }
0x2a: {  	p0 =	seq.s32 s5, $0x0;
	s5 =	sld [smem:$0x3FA2]  }
0x2b: {  	s6 =	sld [smem:$0x3FA3]  }
0x2c: {  	s7 =	sld [smem:$0x3FA4]  }
0x2d: {  	s3 =	simm.s32 $0x108;
	s8 =	sld [smem:$0x3FA5]  }
0x2e: {  	s3 =	simm.s32 @!p0 $0x1082;
	s9 =	sld [smem:$0x3FA6]  }
0x2f: {  	lr =	sadd.s32 s0, s3;
	s0 =	sld [smem:$0x3F9D]  }
0x30: {  	s3 =	sld [smem:$0x3FA0]  }
0x31: {  	[smem:$0x3FA9] =	sst s10  }
0x32: {  	s10 =	sld [smem:$0x3FA7];
	_ =	sdelay $0x3  }
0x33: {  	p0 =	seq.s32 s10, $0x1;
	s10 =	sld [smem:$0x3FA9];
	_ =	sdelay $0x3  }
0x34: {  	[smem:$0x3FA9] =	sst s10  }
0x35: {  	s10 =	sld [smem:$0x3FA8];
	_ =	sdelay $0x3  }
0x36: {  	p1 =	seq.s32 s10, $0x1;
	s10 =	sld [smem:$0x3FA9];
	_ =	sdelay $0x3  }
0x37: {  	[smem:$0x3FA9] =	sst s10  }
0x38: {  	s10 =	sld [smem:$0x3FAA]  }
0x39: {  	_ = 	snop;
	(pc) =	sbr.ind lr, $3  }
0x3a: {  	_ = 	snop  }
0x3b: {  	_ = 	snop  }
0x3c: {  	p2 =	seq.s32 s10, $0x1;
	s10 =	sld [smem:$0x3FA9]  }
0x3d: {  	_ =	shalt  }
0x3e: {  	_ =	shalt  }
0x3f: {  	_ =	shalt  }
0x40: {  	_ =	shalt  }
0x41: {  	_ =	shalt  }
0x42: {  	_ =	shalt  }
0x43: {  	_ =	shalt  }
0x44: {  	_ =	shalt  }
0x45: {  	_ =	shalt  }
0x46: {  	_ =	shalt  }
0x47: {  	_ =	shalt  }
0x48: {  	_ =	shalt  }
0x49: {  	_ =	shalt  }
0x4a: {  	_ =	shalt  }
0x4b: {  	_ =	shalt  }
0x4c: {  	_ =	shalt  }
0x4d: {  	_ =	shalt  }
0x4e: {  	_ =	shalt  }
0x4f: {  	_ =	shalt  }
0x50: {  	_ =	shalt  }
0x51: {  	_ =	shalt  }
0x52: {  	_ =	shalt  }
0x53: {  	_ =	shalt  }
0x54: {  	_ =	shalt  }
0x55: {  	_ =	shalt  }
0x56: {  	_ =	shalt  }
0x57: {  	_ =	shalt  }
0x58: {  	_ =	shalt  }
0x59: {  	_ =	shalt  }
0x5a: {  	_ =	shalt  }
0x5b: {  	_ =	shalt  }
0x5c: {  	_ =	shalt  }
0x5d: {  	_ =	shalt  }
0x5e: {  	_ =	shalt  }
0x5f: {  	_ =	shalt  }
0x60: {  	_ =	shalt  }
0x61: {  	_ =	shalt  }
0x62: {  	_ =	shalt  }
0x63: {  	_ =	shalt  }
0x64: {  	_ =	shalt  }
0x65: {  	_ =	shalt  }
0x66: {  	_ =	shalt  }
0x67: {  	_ =	shalt  }
0x68: {  	_ =	shalt  }
0x69: {  	_ =	shalt  }
0x6a: {  	_ =	shalt  }
0x6b: {  	_ =	shalt  }
0x6c: {  	_ =	shalt  }
0x6d: {  	_ =	shalt  }
0x6e: {  	_ =	shalt  }
0x6f: {  	_ =	shalt  }
0x70: {  	_ =	shalt  }
0x71: {  	_ =	shalt  }
0x72: {  	_ =	shalt  }
0x73: {  	_ =	shalt  }
0x74: {  	_ =	shalt  }
0x75: {  	_ =	shalt  }
0x76: {  	_ =	shalt  }
0x77: {  	_ =	shalt  }
0x78: {  	_ =	shalt  }
0x79: {  	_ =	shalt  }
0x7a: {  	_ =	shalt  }
0x7b: {  	_ =	shalt  }
0x7c: {  	_ =	shalt  }
0x7d: {  	_ =	shalt  }
0x7e: {  	_ =	shalt  }
0x7f: {  	_ =	shalt  }
0x80: {  	_ =	shalt  }
0x81: {  	_ =	shalt  }
0x82: {  	_ =	shalt  }
0x83: {  	_ =	shalt  }
0x84: {  	_ =	shalt  }
0x85: {  	_ =	shalt  }
0x86: {  	_ =	shalt  }
0x87: {  	_ =	shalt  }
.Lfunc_end0:
.L_simem_size_0:
called_computation.2_lowered:
.L_overlay_start_0:
0x88: {  	s2 =	sld [smem:$0x3FD9]  }
0x89: {  	s3 =	sld [smem:$0x3FFE];
	_ =	sdelay $0x1  }
0x8a: {  	s1 =	srdreg.scid  }
0x8b: {  	s0 =	sand.u32 $0x1, s1  }
0x8c: {  	s16 =	sshll.u32 s0, $0xA;
	s2 =	sadd.s32 s3, s2  }
0x8d: {  	s2 =	sadd.s32 s2, s16  }
0x8e: {  	[smem:$0x3FB5] =	sst s2  }
0x8f: {  	_ = 	snop  }
0x90: {  	(tm) =	ssettm $0x1  }
0x91: {  	s17 =	sld [smem:$0x3FFB];
	_ =	sdelay $0x3  }
0x92: {  	_ =	strace s17  }
0x93: {  	s2 =	sld [smem:$0x3FFC];
	_ =	sdelay $0x3  }
0x94: {  	_ =	strace s2  }
0x95: {  	s2 =	sld [smem:$0x3FFD];
	_ =	sdelay $0x3  }
0x96: {  	_ =	strace s2  }
0x97: {  	_ =	strace $0x8FFFFFFF  }
0x98: {  	s18 =	sld [smem:$0x3FDB];
	_ =	sdelay $0x1  }
0x99: {  	s19 =	simm.s32 $_scs_section_size  }
0x9a: {  	s4 =	simm.s32 $_size__tile_overlayer_lowered;
	s5 =	simm.s32 $_tile_overlayer_lowered  }
0x9b: {  	s22 =	simm.s32 $0x1BFF;
	s21 =	sshll.u32 s5, $0x1;
	s2 =	sadd.s32 s19, s18  }
0x9c: {  	s6 =	simm.s32 $0x0;
	s20 =	sshll.u32 s4, $0x1;
	s4 =	sadd.s32 s21, s2  }
0x9d: {  	[timem:s6], [sflag:s22] =	dma.local [hbm:s4], s20  }
0x9e: {  	_ =	swait.ge [sflag:s22], s20  }
0x9f: {  	s3 =	ssub.s32 $0x0, s20;
	[sflag:s22] =	ssyncset.done $0x0  }
0xa0: {  	[sflag:s22] =	ssyncadd.s32 s3;
	_ =	sdelay $0x1  }
0xa1: {  	s23 =	simm.s32 $0x1B8B  }
0xa2: {  	_ =	swait.ge [sflag:s23], $0x1  }
0xa3: {  	[sflag:s23] =	ssyncset.done $0x0  }
0xa4: {  	s25 =	simm.s32 $0x1B8E;
	s24 =	sld [smem:$0x3FFE];
	[sflag:s23] =	ssyncadd.s32 $0xFFFFFFFF  }
0xa5: {  	s26 =	simm.s32 $execute0_lowered;
	[smem:$0x3FD2] =	sst s25  }
0xa6: {  	s4 =	sshll.u32 s26, $0x1;
	_ =	strace $0x8000004C;
	[dreg:$0x1] =	wrdreg $0xFFFFFFFF  }
0xa7: {  	s28 =	simm.s32 $_size_execute0_lowered;
	s2 =	sadd.s32 s2, s4;
	[dreg:$0x0] =	wrdreg $0x0  }
0xa8: {  	s4 =	sshll.u32 s28, $0x1;
	[dreg:$0x2] =	wrdreg s2  }
0xa9: {  	[dreg:$0x3] =	wrdreg s4  }
0xaa: {  	[dreg:$0x4] =	wrdreg $0xC0  }
0xab: {  	_ =	task [dreg:s6], $0x5FFFF  }
0xac: {  	[dreg:$0x1] =	wrdreg $0xFFFFFFFF  }
0xad: {  	[dreg:$0x0] =	wrdreg $0x60  }
0xae: {  	[dreg:$0x2] =	wrdreg s24  }
0xaf: {  	[dreg:$0x3] =	wrdreg $0xB7800  }
0xb0: {  	[dreg:$0x4] =	wrdreg $0x9  }
0xb1: {  	_ =	task.clear_ibuf [dreg:s6], $0x5FFFF;
	_ =	strace $0x9000004C  }
0xb2: {  	s29 =	simm.s32 $0x9;
	_ =	strace $0x8000004E  }
0xb3: {  	_ =	swait.ge [sflag:s29], $0x1  }
0xb4: {  	[sflag:s29] =	ssyncadd.s32 $0xFFFFFFFF  }
0xb5: {  	_ =	strace $0x9000004E  }
0xb6: {  	_ =	sfence  }
0xb7: {  	s30 =	sld [smem:$0x0];
	_ =	sdelay $0x2  }
0xb8: {  	s31 =	sshll.u32 s1, $0xD;
	s1 =	sshrl.u32 s1, $0x2  }
0xb9: {  	s3 =	sand.u32 $0x4000, s31;
	s1 =	sadd.s32 s1, s30  }
0xba: {  	s0 =	sor.u32 s3, s0;
	s1 =	sshll.u32 s1, $0x11  }
0xbb: {  	s0 =	sor.u32 s1, s0  }
0xbc: {  	s0 =	sadd.s32 $0x8F2B, s0  }
0xbd: {  	[sflag:s0] =	ssyncadd.remote.s32 $0x1  }
0xbe: {  	_ =	sfence.sel $0xFFFF  }
0xbf: {  	[dreg:$0x0] =	wrdreg $0xFFFFFFFF;
	(pc) =	sbr.abs _section_cstart, $3  }
0xc0: {  	[dreg:$0x1] =	wrdreg $0xFFFFFFFF  }
0xc1: {  	_ =	task.clear_ibuf [dreg:s6], $0x2FFFF;
	_ =	strace $0x9FFFFFFF  }
0xc2: {  	(tm) =	ssettm $0x7FFFFFFF  }
0xc3: {  	_ =	shalt  }
tec
execute0_lowered:
.L_overlay_start_1:
0x0: {  	(tag) =	ssettag $0x1  }
0x1: {  	s7 =	rddreg [dreg:$0x0]  }
0x2: {  	s0 =	srdreg.scid;
	s2 =	rddreg [dreg:$0x1];
	s3 =	simm.s32 $0x0  }
0x3: {  	s13 =	simm.s32 $0x2780;
	s16 =	simm.s32 $0x50;
	s17 =	simm.s32 $0x6780  }
0x4: {  	s18 =	simm.s32 $0x8F80;
	s19 =	simm.s32 $0x1;
	s20 =	simm.s32 $0x6580  }
0x5: {  	s21 =	simm.s32 $0x0;
	s5 =	sand.u32 $0x1, s0;
	s0 =	stileid.u32  }
0x6: {  	[smem:$0x7FF] =	sst s3;
	s1 =	sshll.u32 s5, $0x4;
	s28 =	smul.u32 $0x14000, s0  }
0x7: {  	s8 =	sshll.u32 s0, $0x7;
	s10 =	smul.u32 $0x140000, s5;
	s5 =	ssub.s32 $0x2, s5  }
0x8: {  	s29 =	smul.u32 $0x50000, s0;
	s14 =	sshll.u32 s0, $0x6;
	s6 =	sor.u32 s0, s1  }
0x9: {  	s8 =	sand.u32 $0x380, s8;
	s30 =	sshrl.u32 s5, $0x1;
	s14 =	sor.u32 $0x1C02, s14  }
0xa: {  	s1 =	sshrl.u32 s6, $0x3;
	s6 =	sshll.u32 s6, $0xB;
	s11 =	sshrl.u32 s28, $0x3  }
0xb: {  	s12 =	ssub.s32 s5, s30;
	s31 =	sshrl.u32 s29, $0x2;
	s4 =	smul.u32 $0x13C00, s1  }
0xc: {  	s1 =	rddreg [dreg:$0x2];
	_ =	strace $0x8000004D;
	s6 =	sadd.s32 s6, s7  }
0xd: {  	s11 =	sadd.s32 s11, s7;
	s15 =	sadd.s32 s31, s2;
	s6 =	sadd.s32 $0x4600, s6  }
0xe: {  	s15 =	sshrl.u32 s15, $0x3;
	s4 =	sor.u32 s8, s4;
	s8 =	sadd.s32 s28, s10  }
0xf: {  	s10 =	simm.s32 $0x80;
	s9 =	sshrl.u32 s4, $0x3;
	s8 =	sshrl.u32 s8, $0x3  }
0x10: {  	s4 =	sadd.s32 $0x63E00, s7;
	s9 =	sadd.s32 s9, s7;
	s8 =	sadd.s32 s8, s7  }
0x11: {  	s7 =	sadd.s32 $0x14C00, s11;
	s11 =	simm.s32 $0x400;
	s5 =	sadd.s32 $0x8CC00, s9  }
0x12: {  	s8 =	sadd.s32 $0xE4E00, s8;
	s9 =	smax.u32 s12, $0x1;
	s12 =	simm.s32 $0x2  }
.LBB2_1:
0x13: {  	[tilespmem:s3], [sflag:$0x2] =	stream.strided.gather [hbm4b:s5+s10], $0x2780, s11, s10, $0x38;
	[tilespmem:$0x1F780] =	vst v63  }
0x14: {  	_ =	swait.ge [sflag:s12], $0x2780  }
0x15: {  	[sflag:s12] =	ssyncset.done $0x0  }
0x16: {  	[sflag:s12] =	ssyncadd.s32 $0xFFFFD880  }
0x17: {  	[tilespmem:s13], [sflag:$0x2] =	stream.linear.gather [hbm4b:s6+s3], $0x3E80, $0x38;
	[tilespmem:$0x1F780] =	vst v63  }
0x18: {  	_ =	swait.ge [sflag:s12], $0x3E80  }
0x19: {  	[sflag:s12] =	ssyncset.done $0x0  }
0x1a: {  	[sflag:s12] =	ssyncadd.s32 $0xFFFFC180  }
0x1b: {  	[spmem:s15], [sflag:s14] =	dma.local [hbm:s7], $0x2800  }
0x1c: {  	_ =	swait.ge [sflag:s12], $0x2800  }
0x1d: {  	[sflag:s12] =	ssyncset.done $0x0  }
0x1e: {  	[sflag:s12] =	ssyncadd.s32 $0xFFFFD800  }
0x1f: {  	[bflag:$0x0] =	sbarrier.arrive $0xFFFF  }
0x20: {  	[tilespmem:s17], [sflag:$0x1] =	stream.indirect.gather [hbm4b:s4+s16], $0x80, s3, s16, $0xb8;
	[tilespmem:$0x1F780] =	vst v63  }
0x21: {  	s22 =	simm.s32 $0x50  }
0x22: {  	[tilespmem:s18], [sflag:$0x1] =	stream.indirect.gather [hbm4b:s4+s16], $0x80, s22, s16, $0xb8;
	[tilespmem:$0x1F780] =	vst v63  }
0x23: {  	_ =	swait.ge [sflag:s19], $0x2800  }
0x24: {  	[sflag:s19] =	ssyncset.done $0x0  }
0x25: {  	s29 =	simm.s32 $0x2780;
	[sflag:s19] =	ssyncadd.s32 $0xFFFFD800  }
0x26: {  	[spmem:s2] =	stream.indirect.scatter.add.f32 [tilespmem:s17], [sflag:$0x2], $0x80, s29, s16, $0xb8;
	[tilespmem:$0x1F780] =	vst v63  }
0x27: {  	_ =	swait.ge [sflag:s12], $0x2800  }
0x28: {  	[sflag:s12] =	ssyncset.done $0x0  }
0x29: {  	s30 =	simm.s32 $0xA0;
	[sflag:s12] =	ssyncadd.s32 $0xFFFFD800  }
0x2a: {  	[tilespmem:s17], [sflag:$0x1] =	stream.indirect.gather [hbm4b:s4+s16], $0x80, s30, s16, $0xb8;
	[tilespmem:$0x1F780] =	vst v63  }
0x2b: {  	_ =	swait.ge [sflag:s19], $0x2800  }
0x2c: {  	[sflag:s19] =	ssyncset.done $0x0  }
0x2d: {  	s31 =	simm.s32 $0x2800;
	[sflag:s19] =	ssyncadd.s32 $0xFFFFD800  }
0x2e: {  	[spmem:s2] =	stream.indirect.scatter.add.f32 [tilespmem:s18], [sflag:$0x2], $0x80, s31, s16, $0xb8;
	[tilespmem:$0x1F780] =	vst v63  }
0x2f: {  	s23 =	simm.s32 $0x400;
	_ =	swait.ge [sflag:s12], $0x2800  }
0x30: {  	s24 =	simm.s32 $0x800;
	s22 =	simm.s32 $0x140;
	[sflag:s12] =	ssyncset.done $0x0  }
.LBB2_2:
0x31: {  	p0 =	sne.s32 s24, $0xF400;
	s25 =	sadd.s32 $0xFFFFFFB0, s22;
	[sflag:s12] =	ssyncadd.s32 $0xFFFFD800  }
0x32: {  	[tilespmem:s18], [sflag:$0x1] =	stream.indirect.gather [hbm4b:s4+s16], $0x80, s25, s16, $0xb8;
	[tilespmem:$0x1F780] =	vst v63  }
0x33: {  	s25 =	smov.u32 s24;
	s24 =	sadd.s32 $0x400, s24;
	_ =	swait.ge [sflag:s19], $0x2800  }
0x34: {  	s26 =	sshra.s32 s23, $0x2;
	s23 =	smov.u32 s25;
	[sflag:s19] =	ssyncset.done $0x0  }
0x35: {  	s25 =	sadd.s32 $0x2780, s26;
	[sflag:s19] =	ssyncadd.s32 $0xFFFFD800  }
0x36: {  	[spmem:s2] =	stream.indirect.scatter.add.f32 [tilespmem:s17], [sflag:$0x2], $0x80, s25, s16, $0xb8;
	[tilespmem:$0x1F780] =	vst v63  }
0x37: {  	_ =	swait.ge [sflag:s12], $0x2800  }
0x38: {  	[sflag:s12] =	ssyncset.done $0x0  }
0x39: {  	[sflag:s12] =	ssyncadd.s32 $0xFFFFD800  }
0x3a: {  	[tilespmem:s17], [sflag:$0x1] =	stream.indirect.gather [hbm4b:s4+s16], $0x80, s22, s16, $0xb8;
	[tilespmem:$0x1F780] =	vst v63  }
0x3b: {  	_ =	swait.ge [sflag:s19], $0x2800  }
.Ltmp0:
0x3c: {  	[sflag:s19] =	ssyncset.done $0x0;
	(pc) =	sbr.rel @p0 .LBB2_2-.Ltmp0, $4  }
0x3d: {  	s25 =	sadd.s32 $0x2800, s26;
	[sflag:s19] =	ssyncadd.s32 $0xFFFFD800  }
0x3e: {  	[spmem:s2] =	stream.indirect.scatter.add.f32 [tilespmem:s18], [sflag:$0x2], $0x80, s25, s16, $0xb8;
	[tilespmem:$0x1F780] =	vst v63  }
0x3f: {  	_ =	swait.ge [sflag:s12], $0x2800  }
0x40: {  	s22 =	sadd.s32 $0xA0, s22;
	[sflag:s12] =	ssyncset.done $0x0  }
0x41: {  	s24 =	sadd.s32 $0xFFFFFFB0, s22;
	[sflag:s12] =	ssyncadd.s32 $0xFFFFD800  }
0x42: {  	[tilespmem:s18], [sflag:$0x1] =	stream.indirect.gather [hbm4b:s4+s16], $0x80, s24, s16, $0xb8;
	[tilespmem:$0x1F780] =	vst v63  }
0x43: {  	_ =	swait.ge [sflag:s19], $0x2800  }
0x44: {  	s23 =	sshra.s32 s23, $0x2;
	[sflag:s19] =	ssyncset.done $0x0  }
0x45: {  	s30 =	sadd.s32 $0x2780, s23;
	[sflag:s19] =	ssyncadd.s32 $0xFFFFD800  }
0x46: {  	[spmem:s2] =	stream.indirect.scatter.add.f32 [tilespmem:s17], [sflag:$0x2], $0x80, s30, s16, $0xb8;
	[tilespmem:$0x1F780] =	vst v63  }
0x47: {  	_ =	swait.ge [sflag:s12], $0x2800  }
0x48: {  	[sflag:s12] =	ssyncset.done $0x0  }
0x49: {  	[sflag:s12] =	ssyncadd.s32 $0xFFFFD800  }
0x4a: {  	[tilespmem:s17], [sflag:$0x1] =	stream.indirect.gather [hbm4b:s4+s16], $0x80, s22, s16, $0xb8;
	[tilespmem:$0x1F780] =	vst v63  }
0x4b: {  	_ =	swait.ge [sflag:s19], $0x2800  }
0x4c: {  	[sflag:s19] =	ssyncset.done $0x0  }
0x4d: {  	s31 =	sadd.s32 $0x2800, s23;
	[sflag:s19] =	ssyncadd.s32 $0xFFFFD800  }
0x4e: {  	[spmem:s2] =	stream.indirect.scatter.add.f32 [tilespmem:s18], [sflag:$0x2], $0x80, s31, s16, $0xb8;
	[tilespmem:$0x1F780] =	vst v63  }
0x4f: {  	_ =	swait.ge [sflag:s12], $0x2800  }
0x50: {  	[sflag:s12] =	ssyncset.done $0x0  }
0x51: {  	[sflag:s12] =	ssyncadd.s32 $0xFFFFD800  }
0x52: {  	_ =	swait.ge [sflag:s19], $0x2800  }
0x53: {  	[sflag:s19] =	ssyncset.done $0x0  }
0x54: {  	[sflag:s19] =	ssyncadd.s32 $0xFFFFD800  }
0x55: {  	[spmem:s2] =	stream.indirect.scatter.add.f32 [tilespmem:s17], [sflag:$0x2], $0x80, s20, s16, $0xb8;
	[tilespmem:$0x1F780] =	vst v63  }
0x56: {  	_ =	swait.ge [sflag:s12], $0x2800  }
0x57: {  	s21 =	sadd.s32 $0x1, s21;
	[sflag:s12] =	ssyncset.done $0x0  }
0x58: {  	p0 =	sne.s32 s21, s9;
	[sflag:s12] =	ssyncadd.s32 $0xFFFFD800  }
.Ltmp1:
0x59: {  	[bflag:$0x0] =	sbarrier.arrive $0xFFFF;
	(pc) =	sbr.rel @p0 .LBB2_1-.Ltmp1, $4  }
0x5a: {  	[hbm:s8], [sflag:s14] =	dma.local [spmem:s15], $0x2800  }
0x5b: {  	_ =	swait.ge [sflag:s12], $0x2800  }
0x5c: {  	[sflag:s12] =	ssyncset.done $0x0  }
0x5d: {  	[sflag:s12] =	ssyncadd.s32 $0xFFFFD800  }
0x5e: {  	_ =	sfence.sel $0x180000  }
0x5f: {  	[bflag:$0x0] =	sbarrier.arrive $0xFFFF  }
0x60: {  	p0 =	sne.s32 s0, $0x0;
	_ =	strace $0x9000004D  }
0x61: {  	s0 =	sadd.s32 @!p0 $0x100000, s1;
	[bflag:$0x2] =	sbarrier.arrive $0xFFFF  }
0x62: {  	[sflag:s0] =	ssyncadd.tile.s32 @!p0 $0x1;
	_ =	shalt  }
.Lfunc_end2:
_tile_overlayer_lowered:
.L_overlay_start_2:
0x63: {  	(tag) =	ssettag $0x2  }
0x64: {  	s0 =	rddreg [dreg:$0x0];
	s2 =	stileid.u32  }
0x65: {  	s1 =	rddreg [dreg:$0x1];
	p0 =	sne.s32 s2, $0x0  }
0x66: {  	s3 =	rddreg [dreg:$0x2];
	[bflag:$0x3] =	sbarrier.arrive $0xFFFF;
	s2 =	simm.s32 @!p0 $0x1C02  }
0x67: {  	[timem:s3], [sflag:s2] =	dma.local @!p0 [hbm:s0], s1  }
0x68: {  	s0 =	simm.s32 @!p0 $0x2  }
0x69: {  	_ =	swait.ge @!p0 [sflag:s0], s1  }
0x6a: {  	s1 =	ssub.s32 @!p0 $0x0, s1;
	[sflag:s0] =	ssyncset.done @!p0 $0x0  }
0x6b: {  	[sflag:s0] =	ssyncadd.s32 @!p0 s1  }
0x6c: {  	[bflag:$0x3] =	sbarrier.arrive $0xFFFF  }
0x6d: {  	_ =	shalt  }

// kernel: kernel.21.cloned.1.call-start
scs
__scs_entry_jumppad:
0x0: {  	(pc) =	sbr.rel $0x88, $3  }
0x1: {  	(tag) =	ssettag $0x0;
	lr =	simm.s32 $0x1  }
0x2: {  	[smem:$0x3F8E] =	sst lr;
	_ =	strace $0xD0000000  }
0x3: {  	_ = 	snop  }
0x4: {  	_ = 	snop  }
0x5: {  	_ = 	snop  }
0x6: {  	_ = 	snop  }
0x7: {  	_ = 	snop  }
__scs_overlays_trampoline_lowered:
0x8: {  	[smem:$0x3F9D] =	sst s0  }
0x9: {  	[smem:$0x3F9E] =	sst s1  }
0xa: {  	[smem:$0x3F9F] =	sst s2  }
0xb: {  	[smem:$0x3FA0] =	sst s3  }
0xc: {  	[smem:$0x3FA1] =	sst s4  }
0xd: {  	[smem:$0x3FA2] =	sst s5  }
0xe: {  	[smem:$0x3FA3] =	sst s6  }
0xf: {  	[smem:$0x3FA4] =	sst s7  }
0x10: {  	[smem:$0x3FA5] =	sst s8  }
0x11: {  	[smem:$0x3FA6] =	sst s9;
	s0 =	simm.s32 @!p0 $0x0  }
0x12: {  	s1 =	sld [smem:$0x3F8C];
	s0 =	simm.s32 @p0 $0x1  }
0x13: {  	[smem:$0x3FA7] =	sst s0;
	s0 =	simm.s32 @!p1 $0x0  }
0x14: {  	s2 =	sld [smem:$0x3F8B];
	s0 =	simm.s32 @p1 $0x1  }
0x15: {  	[smem:$0x3FA8] =	sst s0;
	s0 =	simm.s32 @!p2 $0x0  }
0x16: {  	s3 =	sld [smem:$0x3FDB];
	s0 =	simm.s32 @p2 $0x1  }
0x17: {  	s4 =	simm.s32 $0x1BF5;
	[smem:$0x3FAA] =	sst s0  }
0x18: {  	s0 =	sld [smem:$0x3F8D];
	_ =	swait.ge [sflag:s4], $0x0  }
0x19: {  	s7 =	sld [smem:$0x3F8E]  }
0x1a: {  	s8 =	sadd.s32 $0xFFFFE003, lr  }
0x1b: {  	s9 =	sadd.s32 $0xFFFFFEF7, lr;
	s5 =	simm.s32 $0xFFFFFFFF;
	p2 =	slt.u32 s8, $0xFFFFF086  }
0x1c: {  	p1 =	slt.u32 s9, $0xF7A;
	s5 =	simm.s32 @!p2 $0x0  }
0x1d: {  	s5 =	simm.s32 @p1 $0x1;
	p0 =	seq.s32 s7, s2  }
0x1e: {  	s7 =	smul.u32 @!p0 $0xF7A, s2;
	p2 =	seq.s32 @!p0 s5, $0x0  }
0x1f: {  	s9 =	smul.u32 $0xF7A, s1;
	s8 =	simm.s32 @!p0 $0x1BF5;
	p2 =	por !p2, p0  }
0x20: {  	[sflag:s8] =	ssyncset.s32 @!p0 $0xFFFFF086;
	s6 =	sadd.s32 @!p0 s3, s7;
	s7 =	simm.s32 @!p0 $0x108  }
0x21: {  	s3 =	sadd.s32 s3, s9;
	s6 =	sadd.s32 @!p0 $0x88, s6;
	s7 =	simm.s32 @p2 $0x1082  }
0x22: {  	[simem:s7], [sflag:s8] =	dma.local @!p0 [hbm:s6], $0xF7A  }
0x23: {  	s9 =	sor.u32 $0xD0000000, s2;
	s6 =	simm.s32 $0x108;
	_ =	swait.ge @!p0 [sflag:s8], $0x0  }
0x24: {  	s3 =	sadd.s32 $0x88, s3;
	s6 =	simm.s32 @!p1 $0x1082;
	[sflag:s4] =	ssyncset.s32 $0xFFFFF086  }
0x25: {  	[simem:s6], [sflag:s4] =	dma.local [hbm:s3], $0xF7A  }
0x26: {  	[smem:$0x3F8E] =	sst s1;
	(tag) =	ssettag s2;
	_ =	strace s9  }
0x27: {  	s1 =	sld [smem:$0x3F9E]  }
0x28: {  	s2 =	sld [smem:$0x3F9F]  }
0x29: {  	s4 =	sld [smem:$0x3FA1]  }
0x2a: {  	p0 =	seq.s32 s5, $0x0;
	s5 =	sld [smem:$0x3FA2]  }
0x2b: {  	s6 =	sld [smem:$0x3FA3]  }
0x2c: {  	s7 =	sld [smem:$0x3FA4]  }
0x2d: {  	s3 =	simm.s32 $0x108;
	s8 =	sld [smem:$0x3FA5]  }
0x2e: {  	s3 =	simm.s32 @!p0 $0x1082;
	s9 =	sld [smem:$0x3FA6]  }
0x2f: {  	lr =	sadd.s32 s0, s3;
	s0 =	sld [smem:$0x3F9D]  }
0x30: {  	s3 =	sld [smem:$0x3FA0]  }
0x31: {  	[smem:$0x3FA9] =	sst s10  }
0x32: {  	s10 =	sld [smem:$0x3FA7];
	_ =	sdelay $0x3  }
0x33: {  	p0 =	seq.s32 s10, $0x1;
	s10 =	sld [smem:$0x3FA9];
	_ =	sdelay $0x3  }
0x34: {  	[smem:$0x3FA9] =	sst s10  }
0x35: {  	s10 =	sld [smem:$0x3FA8];
	_ =	sdelay $0x3  }
0x36: {  	p1 =	seq.s32 s10, $0x1;
	s10 =	sld [smem:$0x3FA9];
	_ =	sdelay $0x3  }
0x37: {  	[smem:$0x3FA9] =	sst s10  }
0x38: {  	s10 =	sld [smem:$0x3FAA]  }
0x39: {  	_ = 	snop;
	(pc) =	sbr.ind lr, $3  }
0x3a: {  	_ = 	snop  }
0x3b: {  	_ = 	snop  }
0x3c: {  	p2 =	seq.s32 s10, $0x1;
	s10 =	sld [smem:$0x3FA9]  }
0x3d: {  	_ =	shalt  }
0x3e: {  	_ =	shalt  }
0x3f: {  	_ =	shalt  }
0x40: {  	_ =	shalt  }
0x41: {  	_ =	shalt  }
0x42: {  	_ =	shalt  }
0x43: {  	_ =	shalt  }
0x44: {  	_ =	shalt  }
0x45: {  	_ =	shalt  }
0x46: {  	_ =	shalt  }
0x47: {  	_ =	shalt  }
0x48: {  	_ =	shalt  }
0x49: {  	_ =	shalt  }
0x4a: {  	_ =	shalt  }
0x4b: {  	_ =	shalt  }
0x4c: {  	_ =	shalt  }
0x4d: {  	_ =	shalt  }
0x4e: {  	_ =	shalt  }
0x4f: {  	_ =	shalt  }
0x50: {  	_ =	shalt  }
0x51: {  	_ =	shalt  }
0x52: {  	_ =	shalt  }
0x53: {  	_ =	shalt  }
0x54: {  	_ =	shalt  }
0x55: {  	_ =	shalt  }
0x56: {  	_ =	shalt  }
0x57: {  	_ =	shalt  }
0x58: {  	_ =	shalt  }
0x59: {  	_ =	shalt  }
0x5a: {  	_ =	shalt  }
0x5b: {  	_ =	shalt  }
0x5c: {  	_ =	shalt  }
0x5d: {  	_ =	shalt  }
0x5e: {  	_ =	shalt  }
0x5f: {  	_ =	shalt  }
0x60: {  	_ =	shalt  }
0x61: {  	_ =	shalt  }
0x62: {  	_ =	shalt  }
0x63: {  	_ =	shalt  }
0x64: {  	_ =	shalt  }
0x65: {  	_ =	shalt  }
0x66: {  	_ =	shalt  }
0x67: {  	_ =	shalt  }
0x68: {  	_ =	shalt  }
0x69: {  	_ =	shalt  }
0x6a: {  	_ =	shalt  }
0x6b: {  	_ =	shalt  }
0x6c: {  	_ =	shalt  }
0x6d: {  	_ =	shalt  }
0x6e: {  	_ =	shalt  }
0x6f: {  	_ =	shalt  }
0x70: {  	_ =	shalt  }
0x71: {  	_ =	shalt  }
0x72: {  	_ =	shalt  }
0x73: {  	_ =	shalt  }
0x74: {  	_ =	shalt  }
0x75: {  	_ =	shalt  }
0x76: {  	_ =	shalt  }
0x77: {  	_ =	shalt  }
0x78: {  	_ =	shalt  }
0x79: {  	_ =	shalt  }
0x7a: {  	_ =	shalt  }
0x7b: {  	_ =	shalt  }
0x7c: {  	_ =	shalt  }
0x7d: {  	_ =	shalt  }
0x7e: {  	_ =	shalt  }
0x7f: {  	_ =	shalt  }
0x80: {  	_ =	shalt  }
0x81: {  	_ =	shalt  }
0x82: {  	_ =	shalt  }
0x83: {  	_ =	shalt  }
0x84: {  	_ =	shalt  }
0x85: {  	_ =	shalt  }
0x86: {  	_ =	shalt  }
0x87: {  	_ =	shalt  }
.Lfunc_end0:
.L_simem_size_0:
called_computation.3_lowered:
.L_overlay_start_0:
0x88: {  	s2 =	sld [smem:$0x3FD9]  }
0x89: {  	s3 =	sld [smem:$0x3FFE];
	_ =	sdelay $0x1  }
0x8a: {  	s1 =	srdreg.scid  }
0x8b: {  	s0 =	sand.u32 $0x1, s1  }
0x8c: {  	s16 =	sshll.u32 s0, $0xA;
	s2 =	sadd.s32 s3, s2  }
0x8d: {  	s2 =	sadd.s32 s2, s16  }
0x8e: {  	[smem:$0x3FB5] =	sst s2  }
0x8f: {  	_ = 	snop  }
0x90: {  	(tm) =	ssettm $0x1  }
0x91: {  	s17 =	sld [smem:$0x3FFB];
	_ =	sdelay $0x3  }
0x92: {  	_ =	strace s17  }
0x93: {  	s2 =	sld [smem:$0x3FFC];
	_ =	sdelay $0x3  }
0x94: {  	_ =	strace s2  }
0x95: {  	s2 =	sld [smem:$0x3FFD];
	_ =	sdelay $0x3  }
0x96: {  	_ =	strace s2  }
0x97: {  	_ =	strace $0x8FFFFFFF  }
0x98: {  	s18 =	sld [smem:$0x3FDB];
	_ =	sdelay $0x1  }
0x99: {  	s19 =	simm.s32 $_scs_section_size  }
0x9a: {  	s4 =	simm.s32 $_size__tile_overlayer_lowered;
	s5 =	simm.s32 $_tile_overlayer_lowered  }
0x9b: {  	s22 =	simm.s32 $0x1BFF;
	s21 =	sshll.u32 s5, $0x1;
	s2 =	sadd.s32 s19, s18  }
0x9c: {  	s6 =	simm.s32 $0x0;
	s20 =	sshll.u32 s4, $0x1;
	s4 =	sadd.s32 s21, s2  }
0x9d: {  	[timem:s6], [sflag:s22] =	dma.local [hbm:s4], s20  }
0x9e: {  	_ =	swait.ge [sflag:s22], s20  }
0x9f: {  	s3 =	ssub.s32 $0x0, s20;
	[sflag:s22] =	ssyncset.done $0x0  }
0xa0: {  	[sflag:s22] =	ssyncadd.s32 s3;
	_ =	sdelay $0x1  }
0xa1: {  	s23 =	simm.s32 $0x1B8B  }
0xa2: {  	_ =	swait.ge [sflag:s23], $0x1  }
0xa3: {  	[sflag:s23] =	ssyncset.done $0x0  }
0xa4: {  	s25 =	simm.s32 $0x1B8E;
	s24 =	sld [smem:$0x3FFE];
	[sflag:s23] =	ssyncadd.s32 $0xFFFFFFFF  }
0xa5: {  	s26 =	simm.s32 $execute0_lowered;
	[smem:$0x3FD2] =	sst s25  }
0xa6: {  	s4 =	sshll.u32 s26, $0x1;
	_ =	strace $0x8000004F;
	[dreg:$0x1] =	wrdreg $0xFFFFFFFF  }
0xa7: {  	s28 =	simm.s32 $_size_execute0_lowered;
	s2 =	sadd.s32 s2, s4;
	[dreg:$0x0] =	wrdreg $0x0  }
0xa8: {  	s4 =	sshll.u32 s28, $0x1;
	[dreg:$0x2] =	wrdreg s2  }
0xa9: {  	[dreg:$0x3] =	wrdreg s4  }
0xaa: {  	[dreg:$0x4] =	wrdreg $0xC0  }
0xab: {  	_ =	task [dreg:s6], $0x5FFFF  }
0xac: {  	[dreg:$0x1] =	wrdreg $0xFFFFFFFF  }
0xad: {  	[dreg:$0x0] =	wrdreg $0x60  }
0xae: {  	[dreg:$0x2] =	wrdreg s24  }
0xaf: {  	[dreg:$0x3] =	wrdreg $0x9F000  }
0xb0: {  	[dreg:$0x4] =	wrdreg $0x9  }
0xb1: {  	_ =	task.clear_ibuf [dreg:s6], $0x5FFFF;
	_ =	strace $0x9000004F  }
0xb2: {  	s29 =	simm.s32 $0x9;
	_ =	strace $0x80000051  }
0xb3: {  	_ =	swait.ge [sflag:s29], $0x1  }
0xb4: {  	[sflag:s29] =	ssyncadd.s32 $0xFFFFFFFF  }
0xb5: {  	_ =	strace $0x90000051  }
0xb6: {  	_ =	sfence  }
0xb7: {  	s30 =	sld [smem:$0x0];
	_ =	sdelay $0x2  }
0xb8: {  	s31 =	sshll.u32 s1, $0xD;
	s1 =	sshrl.u32 s1, $0x2  }
0xb9: {  	s3 =	sand.u32 $0x4000, s31;
	s1 =	sadd.s32 s1, s30  }
0xba: {  	s0 =	sor.u32 s3, s0;
	s1 =	sshll.u32 s1, $0x11  }
0xbb: {  	s0 =	sor.u32 s1, s0  }
0xbc: {  	s0 =	sadd.s32 $0x8F2B, s0  }
0xbd: {  	[sflag:s0] =	ssyncadd.remote.s32 $0x1  }
0xbe: {  	_ =	sfence.sel $0xFFFF  }
0xbf: {  	[dreg:$0x0] =	wrdreg $0xFFFFFFFF;
	(pc) =	sbr.abs _section_cstart, $3  }
0xc0: {  	[dreg:$0x1] =	wrdreg $0xFFFFFFFF  }
0xc1: {  	_ =	task.clear_ibuf [dreg:s6], $0x2FFFF;
	_ =	strace $0x9FFFFFFF  }
0xc2: {  	(tm) =	ssettm $0x7FFFFFFF  }
0xc3: {  	_ =	shalt  }
tec
execute0_lowered:
.L_overlay_start_1:
0x0: {  	(tag) =	ssettag $0x1  }
0x1: {  	s0 =	srdreg.scid;
	s7 =	rddreg [dreg:$0x0]  }
0x2: {  	s2 =	rddreg [dreg:$0x1];
	s14 =	simm.s32 $0x2780;
	s15 =	simm.s32 $0x4F00  }
0x3: {  	s16 =	simm.s32 $0x7700;
	s6 =	sand.u32 $0x1, s0;
	s0 =	stileid.u32  }
0x4: {  	s19 =	simm.s32 $0x50;
	s20 =	simm.s32 $0x7680;
	s8 =	smul.u32 $0xC800, s0  }
0x5: {  	s21 =	simm.s32 $0x0;
	s1 =	sshll.u32 s6, $0x4;
	s9 =	smul.u32 $0xC8000, s6  }
0x6: {  	s5 =	sshll.u32 s0, $0x7;
	s6 =	ssub.s32 $0x2, s6;
	s30 =	smul.u32 $0x32000, s0  }
0x7: {  	s17 =	sshll.u32 s0, $0x6;
	s3 =	sor.u32 s0, s1;
	s1 =	rddreg [dreg:$0x2]  }
0x8: {  	s5 =	sand.u32 $0x380, s5;
	s12 =	sshrl.u32 s6, $0x1;
	s17 =	sor.u32 $0x1C01, s17  }
0x9: {  	s4 =	sshrl.u32 s3, $0x3;
	s3 =	simm.s32 $0x0;
	s11 =	sshrl.u32 s8, $0x3  }
0xa: {  	s8 =	sadd.s32 s8, s9;
	s12 =	ssub.s32 s6, s12;
	s31 =	sshrl.u32 s30, $0x2  }
0xb: {  	s4 =	smul.u32 $0x13C00, s4;
	[smem:$0x7FF] =	sst s3;
	s11 =	sadd.s32 s11, s7  }
0xc: {  	s8 =	sshrl.u32 s8, $0x3;
	s18 =	sadd.s32 s31, s2;
	_ =	strace $0x80000050  }
0xd: {  	s13 =	sadd.s32 s8, s7;
	s8 =	sadd.s32 $0x14C00, s11;
	s5 =	sor.u32 s5, s4  }
0xe: {  	s11 =	simm.s32 $0x1;
	s18 =	sshrl.u32 s18, $0x3;
	s5 =	sshrl.u32 s5, $0x3  }
0xf: {  	s4 =	sadd.s32 $0x4600, s7;
	s9 =	sadd.s32 $0x2DC00, s13;
	s10 =	sadd.s32 s5, s7  }
0x10: {  	s13 =	simm.s32 $0x400;
	s5 =	sadd.s32 $0x14600, s7;
	s6 =	sadd.s32 $0x8CC00, s10  }
0x11: {  	s7 =	sadd.s32 $0x134E00, s10;
	s10 =	smax.u32 s12, $0x1;
	s12 =	simm.s32 $0x80  }
.LBB2_1:
0x12: {  	[tilespmem:s3], [sflag:$0x1] =	stream.linear.gather [hbm4b:s4+s3], $0x2780, $0x38;
	[tilespmem:$0x16700] =	vst v63  }
0x13: {  	_ =	swait.ge [sflag:s11], $0x2780  }
0x14: {  	[sflag:s11] =	ssyncset.done $0x0  }
0x15: {  	[sflag:s11] =	ssyncadd.s32 $0xFFFFD880  }
0x16: {  	[tilespmem:s14], [sflag:$0x1] =	stream.strided.gather [hbm4b:s6+s12], $0x2780, s13, s12, $0x38;
	[tilespmem:$0x16700] =	vst v63  }
0x17: {  	_ =	swait.ge [sflag:s11], $0x2780  }
0x18: {  	[sflag:s11] =	ssyncset.done $0x0  }
0x19: {  	[sflag:s11] =	ssyncadd.s32 $0xFFFFD880  }
0x1a: {  	[tilespmem:s15], [sflag:$0x1] =	stream.strided.gather [hbm4b:s7+s12], $0x2780, s13, s12, $0x38;
	[tilespmem:$0x16700] =	vst v63  }
0x1b: {  	_ =	swait.ge [sflag:s11], $0x2780  }
0x1c: {  	[sflag:s11] =	ssyncset.done $0x0  }
0x1d: {  	[sflag:s11] =	ssyncadd.s32 $0xFFFFD880  }
0x1e: {  	[tilespmem:s16], [sflag:$0x1] =	stream.linear.gather [hbm4b:s5+s3], $0x2800, $0x38;
	[tilespmem:$0x16700] =	vst v63  }
0x1f: {  	_ =	swait.ge [sflag:s11], $0x2800  }
0x20: {  	[sflag:s11] =	ssyncset.done $0x0  }
0x21: {  	[sflag:s11] =	ssyncadd.s32 $0xFFFFD800  }
0x22: {  	[spmem:s18], [sflag:s17] =	dma.local [hbm:s8], $0x1900  }
0x23: {  	_ =	swait.ge [sflag:s11], $0x1900  }
0x24: {  	[sflag:s11] =	ssyncset.done $0x0  }
0x25: {  	[sflag:s11] =	ssyncadd.s32 $0xFFFFE700  }
0x26: {  	s22 =	simm.s32 $0x0;
	[bflag:$0x0] =	sbarrier.arrive $0xFFFF  }
.LBB2_2:
0x27: {  	s23 =	sshra.s32 s22, $0x2  }
0x28: {  	v0 =	vld [tilespmem:s23+$0x2780];
	_ =	sdelay $0x1  }
0x29: {  	v1 =	vld [tilespmem:s23+$0x4F00];
	_ =	sdelay $0x5  }
0x2a: {  	v0 =	vld.idx.msk [tilespmem:v0+s3+$0x0], $0xffff;
	_ =	sdelay $0x1  }
0x2b: {  	v1 =	vld.idx.msk [tilespmem:v1+s3+$0x0], $0xffff;
	_ =	sdelay $0x2  }
0x2c: {  	v0 =	vmul.u32 $0x50, v0;
	_ =	sdelay $0x1  }
0x2d: {  	v0 =	vadd.s32 v1, v0  }
0x2e: {  	[tilespmem:$0x7680] =	vst v0  }
0x2f: {  	v0 =	vld [tilespmem:s23+$0x2790];
	_ =	sdelay $0x1  }
0x30: {  	v60 =	vld [tilespmem:s23+$0x4F10];
	_ =	sdelay $0x5  }
0x31: {  	v0 =	vld.idx.msk [tilespmem:v0+s3+$0x0], $0xffff;
	_ =	sdelay $0x1  }
0x32: {  	v1 =	vld.idx.msk [tilespmem:v60+s3+$0x0], $0xffff;
	_ =	sdelay $0x2  }
0x33: {  	v0 =	vmul.u32 $0x50, v0;
	_ =	sdelay $0x1  }
0x34: {  	v0 =	vadd.s32 v1, v0  }
0x35: {  	[tilespmem:$0x7690] =	vst v0  }
0x36: {  	v0 =	vld [tilespmem:s23+$0x27A0];
	_ =	sdelay $0x1  }
0x37: {  	v61 =	vld [tilespmem:s23+$0x4F20];
	_ =	sdelay $0x5  }
0x38: {  	v0 =	vld.idx.msk [tilespmem:v0+s3+$0x0], $0xffff;
	_ =	sdelay $0x1  }
0x39: {  	v1 =	vld.idx.msk [tilespmem:v61+s3+$0x0], $0xffff;
	_ =	sdelay $0x2  }
0x3a: {  	v0 =	vmul.u32 $0x50, v0;
	_ =	sdelay $0x1  }
0x3b: {  	v0 =	vadd.s32 v1, v0  }
0x3c: {  	[tilespmem:$0x76A0] =	vst v0  }
0x3d: {  	v0 =	vld [tilespmem:s23+$0x27B0];
	_ =	sdelay $0x1  }
0x3e: {  	v62 =	vld [tilespmem:s23+$0x4F30];
	_ =	sdelay $0x5  }
0x3f: {  	v0 =	vld.idx.msk [tilespmem:v0+s3+$0x0], $0xffff;
	_ =	sdelay $0x1  }
0x40: {  	v1 =	vld.idx.msk [tilespmem:v62+s3+$0x0], $0xffff;
	_ =	sdelay $0x2  }
0x41: {  	v0 =	vmul.u32 $0x50, v0;
	_ =	sdelay $0x1  }
0x42: {  	v0 =	vadd.s32 v1, v0  }
0x43: {  	[tilespmem:$0x76B0] =	vst v0  }
0x44: {  	v0 =	vld [tilespmem:s23+$0x27C0];
	_ =	sdelay $0x1  }
0x45: {  	v63 =	vld [tilespmem:s23+$0x4F40];
	_ =	sdelay $0x5  }
0x46: {  	v0 =	vld.idx.msk [tilespmem:v0+s3+$0x0], $0xffff;
	_ =	sdelay $0x1  }
0x47: {  	v1 =	vld.idx.msk [tilespmem:v63+s3+$0x0], $0xffff;
	_ =	sdelay $0x2  }
0x48: {  	v0 =	vmul.u32 $0x50, v0;
	_ =	sdelay $0x1  }
0x49: {  	p0 =	sne.s32 s22, $0x9B00;
	v0 =	vadd.s32 v1, v0  }
.Ltmp0:
0x4a: {  	[tilespmem:$0x76C0] =	vst v0;
	(pc) =	sbr.rel @p0 .LBB2_2-.Ltmp0, $4  }
0x4b: {  	[spmem:s2] =	stream.indirect.scatter.add.f32 [tilespmem:s16], [sflag:$0x1], $0x80, s20, s19, $0xb8;
	[tilespmem:$0x16700] =	vst v63  }
0x4c: {  	_ =	swait.ge [sflag:s11], $0x2800  }
0x4d: {  	[sflag:s11] =	ssyncset.done $0x0  }
0x4e: {  	s22 =	sadd.s32 $0x140, s22;
	[sflag:s11] =	ssyncadd.s32 $0xFFFFD800  }
0x4f: {  	s21 =	sadd.s32 $0x1, s21  }
0x50: {  	p0 =	sne.s32 s21, s10  }
.Ltmp1:
0x51: {  	[bflag:$0x0] =	sbarrier.arrive $0xFFFF;
	(pc) =	sbr.rel @p0 .LBB2_1-.Ltmp1, $4  }
0x52: {  	[hbm:s9], [sflag:s17] =	dma.local [spmem:s18], $0x1900  }
0x53: {  	_ =	swait.ge [sflag:s11], $0x1900  }
0x54: {  	[sflag:s11] =	ssyncset.done $0x0  }
0x55: {  	[sflag:s11] =	ssyncadd.s32 $0xFFFFE700  }
0x56: {  	_ =	sfence.sel $0x180000  }
0x57: {  	[bflag:$0x0] =	sbarrier.arrive $0xFFFF  }
0x58: {  	p0 =	sne.s32 s0, $0x0;
	_ =	strace $0x90000050  }
0x59: {  	s0 =	sadd.s32 @!p0 $0x100000, s1;
	[bflag:$0x2] =	sbarrier.arrive $0xFFFF  }
0x5a: {  	[sflag:s0] =	ssyncadd.tile.s32 @!p0 $0x1;
	_ =	shalt  }
.Lfunc_end2:
_tile_overlayer_lowered:
.L_overlay_start_2:
0x5b: {  	(tag) =	ssettag $0x2  }
0x5c: {  	s0 =	rddreg [dreg:$0x0];
	s2 =	stileid.u32  }
0x5d: {  	s1 =	rddreg [dreg:$0x1];
	p0 =	sne.s32 s2, $0x0  }
0x5e: {  	s3 =	rddreg [dreg:$0x2];
	[bflag:$0x3] =	sbarrier.arrive $0xFFFF;
	s2 =	simm.s32 @!p0 $0x1C01  }
0x5f: {  	[timem:s3], [sflag:s2] =	dma.local @!p0 [hbm:s0], s1  }
0x60: {  	s0 =	simm.s32 @!p0 $0x1  }
0x61: {  	_ =	swait.ge @!p0 [sflag:s0], s1  }
0x62: {  	s1 =	ssub.s32 @!p0 $0x0, s1;
	[sflag:s0] =	ssyncset.done @!p0 $0x0  }
0x63: {  	[sflag:s0] =	ssyncadd.s32 @!p0 s1  }
0x64: {  	[bflag:$0x3] =	sbarrier.arrive $0xFFFF  }
0x65: {  	_ =	shalt  }

</sc_bundles>
